<compile_context>
chip_gen: v7x
topology: tpu7x:2x2x1
jax: 0.10.2.dev20260603
libtpu: 0.0.44.dev20260713+nightly
codegen_flags: <defaults>
</compile_context>

<pallas_src>
import functools

import jax
import jax.numpy as jnp
from jax import lax
from jax.experimental import pallas as pl
from jax.experimental.pallas import tpu as pltpu
from jax.experimental.pallas import tpu_sc as plsc

N = 10000
E = 320000
DH = 128
NC = 2
NS = 16
NW = NC * NS
EPW = E // NW
CHUNK = 80
ROWS_PER_TILE = 624
ZROWS = 48

_MESH = plsc.VectorSubcoreMesh(core_axis_name="c", subcore_axis_name="s")
_SC_PARAMS = pltpu.CompilerParams(needs_layout_passes=False)


@functools.partial(
    pl.kernel,
    out_type=jax.ShapeDtypeStruct((NW * N,), jnp.float32),
    mesh=_MESH,
    compiler_params=_SC_PARAMS,
    scratch_types=[
        pltpu.VMEM((EPW,), jnp.int32),
        pltpu.VMEM((EPW,), jnp.float32),
        pltpu.VMEM((N,), jnp.float32),
    ],
)
def _deg_kernel(dst_hbm, w_hbm, out_hbm, dst_v, w_v, deg_v):
    cid = lax.axis_index("c")
    sid = lax.axis_index("s")
    wid = sid * NC + cid
    base = wid * EPW

    def zero_body(i, _):
        deg_v[pl.ds(i * 16, 16)] = jnp.zeros((16,), jnp.float32)
        return 0

    lax.fori_loop(0, N // 16, zero_body, 0)
    pltpu.sync_copy(dst_hbm.at[pl.ds(base, EPW)], dst_v)
    pltpu.sync_copy(w_hbm.at[pl.ds(base, EPW)], w_v)

    def add_body(i, _):
        d = dst_v[pl.ds(i * 16, 16)]
        w = w_v[pl.ds(i * 16, 16)]
        plsc.addupdate_scatter(deg_v, [d], w)
        return 0

    lax.fori_loop(0, EPW // 16, add_body, 0)
    pltpu.sync_copy(deg_v, out_hbm.at[pl.ds(wid * N, N)])


def _pre_body(degpart_ref, x_ref, wg_ref, xw2_ref, dinv_ref):
    deg = jnp.sum(degpart_ref[...], axis=0) + 1.0
    dinv = lax.rsqrt(deg)
    dinv_ref[...] = dinv
    xw = jnp.dot(x_ref[...], wg_ref[...], preferred_element_type=jnp.float32)
    xw2_ref[...] = xw * dinv[:, None]


_pre_call = pl.pallas_call(
    _pre_body,
    out_shape=(
        jax.ShapeDtypeStruct((N, DH), jnp.float32),
        jax.ShapeDtypeStruct((N,), jnp.float32),
    ),
)


NCHUNKS = EPW // CHUNK


@functools.partial(
    pl.kernel,
    out_type=jax.ShapeDtypeStruct((NC, N, DH), jnp.float32),
    mesh=_MESH,
    compiler_params=_SC_PARAMS,
    scratch_types=[
        pltpu.VMEM((N,), jnp.float32),
        pltpu.VMEM((CHUNK,), jnp.int32),
        pltpu.VMEM((CHUNK,), jnp.int32),
        pltpu.VMEM((CHUNK,), jnp.int32),
        pltpu.VMEM((CHUNK,), jnp.int32),
        pltpu.VMEM((CHUNK,), jnp.int32),
        pltpu.VMEM((CHUNK,), jnp.int32),
        pltpu.VMEM((CHUNK,), jnp.float32),
        pltpu.VMEM((CHUNK,), jnp.float32),
        pltpu.VMEM((CHUNK,), jnp.float32),
        pltpu.VMEM((CHUNK,), jnp.float32),
        pltpu.VMEM((CHUNK, DH), jnp.float32),
        pltpu.VMEM((CHUNK, DH), jnp.float32),
        pltpu.VMEM((ZROWS, DH), jnp.float32),
        pltpu.VMEM_SHARED((N, DH), jnp.float32),
        pltpu.SemaphoreType.DMA,
        pltpu.SemaphoreType.DMA,
        pltpu.SemaphoreType.DMA,
        pltpu.SemaphoreType.DMA,
        pltpu.SemaphoreType.DMA,
        pltpu.SemaphoreType.DMA,
        pltpu.SemaphoreType.DMA,
        pltpu.SemaphoreType.DMA,
    ],
)
def _msg_kernel(src_hbm, dst_hbm, w_hbm, xw2_hbm, dinv_hbm, out_hbm,
                dinv_v, srcA, srcB, dstA, dstB, dsiA, dsiB, wA, wB, scA, scB,
                rowsA, rowsB, zb_v, acc_sh,
                gsA, gsB, lsA, lsB, srA, srB, ssA, ssB):
    cid = lax.axis_index("c")
    sid = lax.axis_index("s")
    ebase = cid * (E // NC) + sid * EPW

    def load_src(i, src_ref, srcsem):
        pltpu.async_copy(src_hbm.at[pl.ds(ebase + i * CHUNK, CHUNK)], src_ref, srcsem)

    def load_dw(i, dst_ref, w_ref, lsem):
        b = ebase + i * CHUNK
        pltpu.async_copy(dst_hbm.at[pl.ds(b, CHUNK)], dst_ref, lsem)
        pltpu.async_copy(w_hbm.at[pl.ds(b, CHUNK)], w_ref, lsem)

    def issue_gather(i, src_ref, rows_ref, srcsem, gsem):
        pltpu.make_async_copy(src_hbm.at[pl.ds(ebase + i * CHUNK, CHUNK)],
                              src_ref, srcsem).wait()
        pltpu.async_copy(xw2_hbm.at[src_ref], rows_ref, gsem)

    load_src(0, srcA, srA)
    load_dw(0, dstA, wA, lsA)
    load_src(1, srcB, srB)
    load_dw(1, dstB, wB, lsB)
    issue_gather(0, srcA, rowsA, srA, gsA)
    issue_gather(1, srcB, rowsB, srB, gsB)

    def zb_body(r, _):
        for j in range(DH // 16):
            zb_v[r, pl.ds(j * 16, 16)] = jnp.zeros((16,), jnp.float32)
        return 0

    lax.fori_loop(0, ZROWS, zb_body, 0)
    for k in range(ROWS_PER_TILE // ZROWS):
        pltpu.sync_copy(zb_v, acc_sh.at[pl.ds(sid * ROWS_PER_TILE + k * ZROWS, ZROWS)])

    @pl.when(sid == NS - 1)
    def _zero_tail():
        pltpu.sync_copy(zb_v.at[pl.ds(0, N - NS * ROWS_PER_TILE)],
                        acc_sh.at[pl.ds(NS * ROWS_PER_TILE, N - NS * ROWS_PER_TILE)])

    pltpu.sync_copy(dinv_hbm, dinv_v)
    plsc.subcore_barrier()

    def process(i, src_ref, dst_ref, dsi_ref, w_ref, rows_ref, scale_ref,
                lsem, gsem, srcsem):
        b = ebase + i * CHUNK
        pltpu.make_async_copy(dst_hbm.at[pl.ds(b, CHUNK)], dst_ref, lsem).wait()
        pltpu.make_async_copy(w_hbm.at[pl.ds(b, CHUNK)], w_ref, lsem).wait()
        def scale_body(g, _):
            d = dst_ref[pl.ds(g * 16, 16)]
            dv = plsc.load_gather(dinv_v, [d])
            scale_ref[pl.ds(g * 16, 16)] = w_ref[pl.ds(g * 16, 16)] * dv
            return 0

        lax.fori_loop(0, CHUNK // 16, scale_body, 0)

        pltpu.make_async_copy(xw2_hbm.at[src_ref], rows_ref, gsem).wait()

        @pl.when(i + 2 < NCHUNKS)
        def _prefetch_src():
            load_src(i + 2, src_ref, srcsem)

        def row_body(it, _):
            for r in range(5):
                k = it * 5 + r
                s = plsc.load_gather(scale_ref, [jnp.full((16,), k, jnp.int32)])
                for j in range(DH // 16):
                    rows_ref[k, pl.ds(j * 16, 16)] = rows_ref[k, pl.ds(j * 16, 16)] * s
            return 0

        lax.fori_loop(0, CHUNK // 5, row_body, 0)

    def outer(o, _):
        i0 = 2 * o
        i1 = i0 + 1
        process(i0, srcA, dstA, dsiA, wA, rowsA, scA, lsA, gsA, srA)
        pltpu.async_copy(rowsA, acc_sh.at[dstA], ssA, add=True)
        process(i1, srcB, dstB, dsiB, wB, rowsB, scB, lsB, gsB, srB)
        pltpu.async_copy(rowsB, acc_sh.at[dstB], ssB, add=True)
        pltpu.make_async_copy(rowsA, acc_sh.at[dstA], ssA).wait()
        load_dw(i0 + 2, dstA, wA, lsA)
        issue_gather(i0 + 2, srcA, rowsA, srA, gsA)
        pltpu.make_async_copy(rowsB, acc_sh.at[dstB], ssB).wait()

        @pl.when(i1 + 2 < NCHUNKS)
        def _prefetch_dw_b():
            load_dw(i1 + 2, dstB, wB, lsB)
            issue_gather(i1 + 2, srcB, rowsB, srB, gsB)

        return 0

    lax.fori_loop(0, (NCHUNKS - 1) // 2, outer, 0)
    process(NCHUNKS - 1, srcA, dstA, dsiA, wA, rowsA, scA, lsA, gsA, srA)
    pltpu.sync_copy(rowsA, acc_sh.at[dstA], add=True)
    plsc.subcore_barrier()
    pltpu.sync_copy(acc_sh.at[pl.ds(sid * ROWS_PER_TILE, ROWS_PER_TILE)],
                    out_hbm.at[cid, pl.ds(sid * ROWS_PER_TILE, ROWS_PER_TILE)])

    @pl.when(sid == NS - 1)
    def _write_tail():
        pltpu.sync_copy(acc_sh.at[pl.ds(NS * ROWS_PER_TILE, N - NS * ROWS_PER_TILE)],
                        out_hbm.at[cid, pl.ds(NS * ROWS_PER_TILE, N - NS * ROWS_PER_TILE)])


def _gru_body(part_ref, xw2_ref, dinv_ref, h_ref, wih_ref, whh_ref,
              bih_ref, bhh_ref, bg_ref, out_ref):
    dinv = dinv_ref[...]
    spatial = (part_ref[0] + part_ref[1]
               + xw2_ref[...] * dinv[:, None]
               + bg_ref[...])
    gi = lax.dot_general(spatial, wih_ref[...], (((1,), (1,)), ((), ())),
                         preferred_element_type=jnp.float32) + bih_ref[...]
    gh = lax.dot_general(h_ref[...], whh_ref[...], (((1,), (1,)), ((), ())),
                         preferred_element_type=jnp.float32) + bhh_ref[...]
    i_r, i_z, i_n = gi[:, :DH], gi[:, DH:2 * DH], gi[:, 2 * DH:]
    h_r, h_z, h_n = gh[:, :DH], gh[:, DH:2 * DH], gh[:, 2 * DH:]
    r = jax.nn.sigmoid(i_r + h_r)
    z = jax.nn.sigmoid(i_z + h_z)
    n = jnp.tanh(i_n + r * h_n)
    out_ref[...] = (1.0 - z) * n + z * h_ref[...]


_gru_call = pl.pallas_call(
    _gru_body,
    out_shape=jax.ShapeDtypeStruct((N, DH), jnp.float32),
)


def kernel(x, h, edge_index, edge_weight, W_gcn, b_gcn, W_ih, W_hh, b_ih, b_hh):
    src = edge_index[0]
    dst = edge_index[1]
    degpart = _deg_kernel(dst, edge_weight).reshape(NW, N)
    xw2, dinv = _pre_call(degpart, x, W_gcn)
    part = _msg_kernel(src, dst, edge_weight, xw2, dinv)
    return _gru_call(part, xw2, dinv, h, W_ih, W_hh, b_ih, b_hh, b_gcn)

# --- scband reference (transcript-rebuilt; emitter-appended) ---
"""Pipeline reference for scband-tgcncell-34711925686417 (READ-ONLY COPY).

The authoritative reference and input builder live on the scoring server;
editing this copy changes nothing except your own understanding.
"""

import jax, jax.numpy as jnp
import numpy as np

N = 10000
E = 320000
D_IN = 128
D_H = 128


def setup_inputs(seed: int = 0) -> dict:
    key = jax.random.key(seed)
    ks = jax.random.split(key, 10)
    x = jax.random.normal(ks[0], (N, D_IN), dtype=jnp.float32)
    h = jax.random.normal(ks[1], (N, D_H), dtype=jnp.float32)
    edge_index = jax.random.randint(ks[2], (2, E), 0, N, dtype=jnp.int32)
    edge_weight = jax.random.uniform(ks[3], (E,), dtype=jnp.float32)
    s_gcn = 1.0 / np.sqrt(D_IN)
    W_gcn = jax.random.uniform(ks[4], (D_IN, D_H), minval=-s_gcn, maxval=s_gcn, dtype=jnp.float32)
    b_gcn = jnp.zeros((D_H,), dtype=jnp.float32)
    s_h = 1.0 / np.sqrt(D_H)
    W_ih = jax.random.uniform(ks[5], (3 * D_H, D_H), minval=-s_h, maxval=s_h, dtype=jnp.float32)
    W_hh = jax.random.uniform(ks[6], (3 * D_H, D_H), minval=-s_h, maxval=s_h, dtype=jnp.float32)
    b_ih = jax.random.uniform(ks[7], (3 * D_H,), minval=-s_h, maxval=s_h, dtype=jnp.float32)
    b_hh = jax.random.uniform(ks[8], (3 * D_H,), minval=-s_h, maxval=s_h, dtype=jnp.float32)
    return {"x": x, "h": h, "edge_index": edge_index, "edge_weight": edge_weight,
            "W_gcn": W_gcn, "b_gcn": b_gcn, "W_ih": W_ih, "W_hh": W_hh,
            "b_ih": b_ih, "b_hh": b_hh}


def reference(x, h, edge_index, edge_weight, W_gcn, b_gcn, W_ih, W_hh, b_ih, b_hh):
    # ---- GCNConv (PyG-style: add self-loops, symmetric normalization) ----
    src = edge_index[0]
    dst = edge_index[1]
    loop = jnp.arange(N, dtype=src.dtype)
    src_f = jnp.concatenate([src, loop])
    dst_f = jnp.concatenate([dst, loop])
    w_f = jnp.concatenate([edge_weight, jnp.ones((N,), dtype=edge_weight.dtype)])
    deg = jnp.zeros((N,), dtype=x.dtype).at[dst_f].add(w_f)
    dinv = jnp.where(deg > 0, jax.lax.rsqrt(jnp.maximum(deg, 1e-12)), 0.0)
    norm = dinv[src_f] * w_f * dinv[dst_f]
    xw = x @ W_gcn
    msg = xw[src_f] * norm[:, None]
    spatial = jnp.zeros((N, D_H), dtype=x.dtype).at[dst_f].add(msg) + b_gcn
    # ---- GRUCell (torch.nn.GRUCell math) ----
    gi = spatial @ W_ih.T + b_ih
    gh = h @ W_hh.T + b_hh
    i_r, i_z, i_n = jnp.split(gi, 3, axis=1)
    h_r, h_z, h_n = jnp.split(gh, 3, axis=1)
    r = jax.nn.sigmoid(i_r + h_r)
    z = jax.nn.sigmoid(i_z + h_z)
    n = jnp.tanh(i_n + r * h_n)
    h_new = (1.0 - z) * n + z * h
    return h_new

if __name__ == "__main__":
    import jax
    _d = setup_inputs()
    print(jax.jit(kernel)(*tuple(_d.values())))

</pallas_src>

<mosaic_0001>
#map = affine_map<(d0, d1) -> (0)>
#map1 = affine_map<(d0, d1) -> (0, 0)>
#map2 = affine_map<(d0, d1) -> (0, 0, 0)>
module attributes {stable_mosaic.version = 14 : i64} {
  func.func @_msg_kernel(%arg0: i32, %arg1: i32, %arg2: memref<320000xi32, #tpu.memory_space<hbm>>, %arg3: memref<320000xi32, #tpu.memory_space<hbm>>, %arg4: memref<320000xf32, #tpu.memory_space<hbm>>, %arg5: memref<10000x128xf32, #tpu.memory_space<hbm>>, %arg6: memref<10000xf32, #tpu.memory_space<hbm>>, %arg7: memref<2x10000x128xf32, #tpu.memory_space<hbm>>, %arg8: memref<10000xf32, #tpu.memory_space<vmem>>, %arg9: memref<80xi32, #tpu.memory_space<vmem>>, %arg10: memref<80xi32, #tpu.memory_space<vmem>>, %arg11: memref<80xi32, #tpu.memory_space<vmem>>, %arg12: memref<80xi32, #tpu.memory_space<vmem>>, %arg13: memref<80xi32, #tpu.memory_space<vmem>>, %arg14: memref<80xi32, #tpu.memory_space<vmem>>, %arg15: memref<80xf32, #tpu.memory_space<vmem>>, %arg16: memref<80xf32, #tpu.memory_space<vmem>>, %arg17: memref<80xf32, #tpu.memory_space<vmem>>, %arg18: memref<80xf32, #tpu.memory_space<vmem>>, %arg19: memref<80x128xf32, #tpu.memory_space<vmem>>, %arg20: memref<80x128xf32, #tpu.memory_space<vmem>>, %arg21: memref<48x128xf32, #tpu.memory_space<vmem>>, %arg22: memref<10000x128xf32, #tpu.memory_space<vmem_shared>>, %arg23: memref<!tpu.dma_semaphore, #tpu.memory_space<semaphore_mem>>, %arg24: memref<!tpu.dma_semaphore, #tpu.memory_space<semaphore_mem>>, %arg25: memref<!tpu.dma_semaphore, #tpu.memory_space<semaphore_mem>>, %arg26: memref<!tpu.dma_semaphore, #tpu.memory_space<semaphore_mem>>, %arg27: memref<!tpu.dma_semaphore, #tpu.memory_space<semaphore_mem>>, %arg28: memref<!tpu.dma_semaphore, #tpu.memory_space<semaphore_mem>>, %arg29: memref<!tpu.dma_semaphore, #tpu.memory_space<semaphore_mem>>, %arg30: memref<!tpu.dma_semaphore, #tpu.memory_space<semaphore_mem>>) attributes {dimension_semantics = [#tpu.dimension_semantics<core_parallel>, #tpu.dimension_semantics<subcore_parallel>], iteration_bounds = array<i64: 2, 16>, scalar_prefetch = 0 : i64, scratch_operands = 23 : i64, tpu.core_type = #tpu.core_type<sc_vector_subcore>, window_params = [{transform_indices = #map}, {transform_indices = #map}, {transform_indices = #map}, {transform_indices = #map1}, {transform_indices = #map}, {transform_indices = #map2}]} {
    %mul3A = arith.constant 160000 : i32
    %mul3A_0 = arith.muli %arg0, %mul3A : i32
    %mul3A_1 = arith.constant 10000 : i32
    %mul3A_2 = arith.muli %arg1, %mul3A_1 : i32
    %add3A = arith.addi %mul3A_0, %mul3A_2 : i32
    %add3A_3 = arith.constant 0 : i32
    %add3A_4 = arith.addi %add3A, %add3A_3 : i32
    %dma_start3A = tpu.memref_slice %arg2[%add3A_4] : memref<320000xi32, #tpu.memory_space<hbm>> -> memref<80xi32, #tpu.memory_space<hbm>>
    %dma_start3A_5 = tpu.memref_slice %arg2[%add3A_4] : memref<320000xi32, #tpu.memory_space<hbm>> -> memref<80xi32, #tpu.memory_space<hbm>>
    tpu.enqueue_dma source(%dma_start3A_5 : memref<80xi32, #tpu.memory_space<hbm>>) target(%arg9 : memref<80xi32, #tpu.memory_space<vmem>>) target_semaphore(%arg27 : memref<!tpu.dma_semaphore, #tpu.memory_space<semaphore_mem>>)
    %add3A_6 = arith.constant 0 : i32
    %add3A_7 = arith.addi %add3A, %add3A_6 : i32
    %dma_start3A_8 = tpu.memref_slice %arg3[%add3A_7] : memref<320000xi32, #tpu.memory_space<hbm>> -> memref<80xi32, #tpu.memory_space<hbm>>
    %dma_start3A_9 = tpu.memref_slice %arg3[%add3A_7] : memref<320000xi32, #tpu.memory_space<hbm>> -> memref<80xi32, #tpu.memory_space<hbm>>
    tpu.enqueue_dma source(%dma_start3A_9 : memref<80xi32, #tpu.memory_space<hbm>>) target(%arg11 : memref<80xi32, #tpu.memory_space<vmem>>) target_semaphore(%arg25 : memref<!tpu.dma_semaphore, #tpu.memory_space<semaphore_mem>>)
    %dma_start3A_10 = tpu.memref_slice %arg4[%add3A_7] : memref<320000xf32, #tpu.memory_space<hbm>> -> memref<80xf32, #tpu.memory_space<hbm>>
    %dma_start3A_11 = tpu.memref_slice %arg4[%add3A_7] : memref<320000xf32, #tpu.memory_space<hbm>> -> memref<80xf32, #tpu.memory_space<hbm>>
    tpu.enqueue_dma source(%dma_start3A_11 : memref<80xf32, #tpu.memory_space<hbm>>) target(%arg15 : memref<80xf32, #tpu.memory_space<vmem>>) target_semaphore(%arg25 : memref<!tpu.dma_semaphore, #tpu.memory_space<semaphore_mem>>)
    %add3A_12 = arith.constant 80 : i32
    %add3A_13 = arith.addi %add3A, %add3A_12 : i32
    %dma_start3A_14 = tpu.memref_slice %arg2[%add3A_13] : memref<320000xi32, #tpu.memory_space<hbm>> -> memref<80xi32, #tpu.memory_space<hbm>>
    %dma_start3A_15 = tpu.memref_slice %arg2[%add3A_13] : memref<320000xi32, #tpu.memory_space<hbm>> -> memref<80xi32, #tpu.memory_space<hbm>>
    tpu.enqueue_dma source(%dma_start3A_15 : memref<80xi32, #tpu.memory_space<hbm>>) target(%arg10 : memref<80xi32, #tpu.memory_space<vmem>>) target_semaphore(%arg28 : memref<!tpu.dma_semaphore, #tpu.memory_space<semaphore_mem>>)
    %add3A_16 = arith.constant 80 : i32
    %add3A_17 = arith.addi %add3A, %add3A_16 : i32
    %dma_start3A_18 = tpu.memref_slice %arg3[%add3A_17] : memref<320000xi32, #tpu.memory_space<hbm>> -> memref<80xi32, #tpu.memory_space<hbm>>
    %dma_start3A_19 = tpu.memref_slice %arg3[%add3A_17] : memref<320000xi32, #tpu.memory_space<hbm>> -> memref<80xi32, #tpu.memory_space<hbm>>
    tpu.enqueue_dma source(%dma_start3A_19 : memref<80xi32, #tpu.memory_space<hbm>>) target(%arg12 : memref<80xi32, #tpu.memory_space<vmem>>) target_semaphore(%arg26 : memref<!tpu.dma_semaphore, #tpu.memory_space<semaphore_mem>>)
    %dma_start3A_20 = tpu.memref_slice %arg4[%add3A_17] : memref<320000xf32, #tpu.memory_space<hbm>> -> memref<80xf32, #tpu.memory_space<hbm>>
    %dma_start3A_21 = tpu.memref_slice %arg4[%add3A_17] : memref<320000xf32, #tpu.memory_space<hbm>> -> memref<80xf32, #tpu.memory_space<hbm>>
    tpu.enqueue_dma source(%dma_start3A_21 : memref<80xf32, #tpu.memory_space<hbm>>) target(%arg16 : memref<80xf32, #tpu.memory_space<vmem>>) target_semaphore(%arg26 : memref<!tpu.dma_semaphore, #tpu.memory_space<semaphore_mem>>)
    %add3A_22 = arith.constant 0 : i32
    %add3A_23 = arith.addi %add3A, %add3A_22 : i32
    %dma_wait3A = tpu.memref_slice %arg2[%add3A_23] : memref<320000xi32, #tpu.memory_space<hbm>> -> memref<80xi32, #tpu.memory_space<hbm>>
    %dma_wait3A_24 = tpu.memref_slice %arg2[%add3A_23] : memref<320000xi32, #tpu.memory_space<hbm>> -> memref<80xi32, #tpu.memory_space<hbm>>
    tpu.wait_dma2 semaphore(%arg27 : memref<!tpu.dma_semaphore, #tpu.memory_space<semaphore_mem>>) src(%dma_wait3A_24 : memref<80xi32, #tpu.memory_space<hbm>>) dst(%arg9 : memref<80xi32, #tpu.memory_space<vmem>>)
    %dma_start3A_25 = arith.constant 0 : i32
    %dma_start3A_26 = arith.constant 0 : i32
    %dma_start3A_27 = tpu.memref_slice %arg5[%dma_start3A_25, %dma_start3A_26] : memref<10000x128xf32, #tpu.memory_space<hbm>> -> memref<10000x128xf32, #tpu.memory_space<hbm>>
    tpu.enqueue_indirect_dma source(%dma_start3A_27 : memref<10000x128xf32, #tpu.memory_space<hbm>>) target(%arg19 : memref<80x128xf32, #tpu.memory_space<vmem>>) offsets(%arg9 : memref<80xi32, #tpu.memory_space<vmem>>) semaphore(%arg23 : memref<!tpu.dma_semaphore, #tpu.memory_space<semaphore_mem>>)
    %add3A_28 = arith.constant 80 : i32
    %add3A_29 = arith.addi %add3A, %add3A_28 : i32
    %dma_wait3A_30 = tpu.memref_slice %arg2[%add3A_29] : memref<320000xi32, #tpu.memory_space<hbm>> -> memref<80xi32, #tpu.memory_space<hbm>>
    %dma_wait3A_31 = tpu.memref_slice %arg2[%add3A_29] : memref<320000xi32, #tpu.memory_space<hbm>> -> memref<80xi32, #tpu.memory_space<hbm>>
    tpu.wait_dma2 semaphore(%arg28 : memref<!tpu.dma_semaphore, #tpu.memory_space<semaphore_mem>>) src(%dma_wait3A_31 : memref<80xi32, #tpu.memory_space<hbm>>) dst(%arg10 : memref<80xi32, #tpu.memory_space<vmem>>)
    %dma_start3A_32 = arith.constant 0 : i32
    %dma_start3A_33 = arith.constant 0 : i32
    %dma_start3A_34 = tpu.memref_slice %arg5[%dma_start3A_32, %dma_start3A_33] : memref<10000x128xf32, #tpu.memory_space<hbm>> -> memref<10000x128xf32, #tpu.memory_space<hbm>>
    tpu.enqueue_indirect_dma source(%dma_start3A_34 : memref<10000x128xf32, #tpu.memory_space<hbm>>) target(%arg20 : memref<80x128xf32, #tpu.memory_space<vmem>>) offsets(%arg10 : memref<80xi32, #tpu.memory_space<vmem>>) semaphore(%arg24 : memref<!tpu.dma_semaphore, #tpu.memory_space<semaphore_mem>>)
    %scan3A = arith.constant 0 : i32
    %scan3A_35 = arith.constant 0 : i32
    %scan3A_36 = arith.constant 48 : i32
    %scan3A_37 = arith.addi %scan3A_35, %scan3A_36 : i32
    %scan3A_38 = arith.constant 1 : i32
    %scan3A_39 = scf.for %scan3A_135 = %scan3A_35 to %scan3A_37 step %scan3A_38 iter_args(%scan3A_136 = %scan3A) -> (i32)  : i32 {
      %broadcast_in_dim3A = arith.constant 0.000000e+00 : f32
      %broadcast_in_dim3A_137 = vector.broadcast %broadcast_in_dim3A : f32 to vector<16xf32>
      %swap3A = arith.index_cast %scan3A_135 : i32 to index
      %swap3A_138 = arith.constant 0 : index
      %swap3A_139 = tpu.vector_load %arg21[%swap3A, %swap3A_138] {strides = array<i32>} : memref<48x128xf32, #tpu.memory_space<vmem>>, vector<16xf32>,
      tpu.vector_store %arg21[%swap3A, %swap3A_138], %broadcast_in_dim3A_137 {strides = array<i32>} : memref<48x128xf32, #tpu.memory_space<vmem>>, vector<16xf32>,
      %broadcast_in_dim3A_140 = arith.constant 0.000000e+00 : f32
      %broadcast_in_dim3A_141 = vector.broadcast %broadcast_in_dim3A_140 : f32 to vector<16xf32>
      %swap3A_142 = arith.index_cast %scan3A_135 : i32 to index
      %swap3A_143 = arith.constant 16 : index
      %swap3A_144 = tpu.vector_load %arg21[%swap3A_142, %swap3A_143] {strides = array<i32>} : memref<48x128xf32, #tpu.memory_space<vmem>>, vector<16xf32>,
      tpu.vector_store %arg21[%swap3A_142, %swap3A_143], %broadcast_in_dim3A_141 {strides = array<i32>} : memref<48x128xf32, #tpu.memory_space<vmem>>, vector<16xf32>,
      %broadcast_in_dim3A_145 = arith.constant 0.000000e+00 : f32
      %broadcast_in_dim3A_146 = vector.broadcast %broadcast_in_dim3A_145 : f32 to vector<16xf32>
      %swap3A_147 = arith.index_cast %scan3A_135 : i32 to index
      %swap3A_148 = arith.constant 32 : index
      %swap3A_149 = tpu.vector_load %arg21[%swap3A_147, %swap3A_148] {strides = array<i32>} : memref<48x128xf32, #tpu.memory_space<vmem>>, vector<16xf32>,
      tpu.vector_store %arg21[%swap3A_147, %swap3A_148], %broadcast_in_dim3A_146 {strides = array<i32>} : memref<48x128xf32, #tpu.memory_space<vmem>>, vector<16xf32>,
      %broadcast_in_dim3A_150 = arith.constant 0.000000e+00 : f32
      %broadcast_in_dim3A_151 = vector.broadcast %broadcast_in_dim3A_150 : f32 to vector<16xf32>
      %swap3A_152 = arith.index_cast %scan3A_135 : i32 to index
      %swap3A_153 = arith.constant 48 : index
      %swap3A_154 = tpu.vector_load %arg21[%swap3A_152, %swap3A_153] {strides = array<i32>} : memref<48x128xf32, #tpu.memory_space<vmem>>, vector<16xf32>,
      tpu.vector_store %arg21[%swap3A_152, %swap3A_153], %broadcast_in_dim3A_151 {strides = array<i32>} : memref<48x128xf32, #tpu.memory_space<vmem>>, vector<16xf32>,
      %broadcast_in_dim3A_155 = arith.constant 0.000000e+00 : f32
      %broadcast_in_dim3A_156 = vector.broadcast %broadcast_in_dim3A_155 : f32 to vector<16xf32>
      %swap3A_157 = arith.index_cast %scan3A_135 : i32 to index
      %swap3A_158 = arith.constant 64 : index
      %swap3A_159 = tpu.vector_load %arg21[%swap3A_157, %swap3A_158] {strides = array<i32>} : memref<48x128xf32, #tpu.memory_space<vmem>>, vector<16xf32>,
      tpu.vector_store %arg21[%swap3A_157, %swap3A_158], %broadcast_in_dim3A_156 {strides = array<i32>} : memref<48x128xf32, #tpu.memory_space<vmem>>, vector<16xf32>,
      %broadcast_in_dim3A_160 = arith.constant 0.000000e+00 : f32
      %broadcast_in_dim3A_161 = vector.broadcast %broadcast_in_dim3A_160 : f32 to vector<16xf32>
      %swap3A_162 = arith.index_cast %scan3A_135 : i32 to index
      %swap3A_163 = arith.constant 80 : index
      %swap3A_164 = tpu.vector_load %arg21[%swap3A_162, %swap3A_163] {strides = array<i32>} : memref<48x128xf32, #tpu.memory_space<vmem>>, vector<16xf32>,
      tpu.vector_store %arg21[%swap3A_162, %swap3A_163], %broadcast_in_dim3A_161 {strides = array<i32>} : memref<48x128xf32, #tpu.memory_space<vmem>>, vector<16xf32>,
      %broadcast_in_dim3A_165 = arith.constant 0.000000e+00 : f32
      %broadcast_in_dim3A_166 = vector.broadcast %broadcast_in_dim3A_165 : f32 to vector<16xf32>
      %swap3A_167 = arith.index_cast %scan3A_135 : i32 to index
      %swap3A_168 = arith.constant 96 : index
      %swap3A_169 = tpu.vector_load %arg21[%swap3A_167, %swap3A_168] {strides = array<i32>} : memref<48x128xf32, #tpu.memory_space<vmem>>, vector<16xf32>,
      tpu.vector_store %arg21[%swap3A_167, %swap3A_168], %broadcast_in_dim3A_166 {strides = array<i32>} : memref<48x128xf32, #tpu.memory_space<vmem>>, vector<16xf32>,
      %broadcast_in_dim3A_170 = arith.constant 0.000000e+00 : f32
      %broadcast_in_dim3A_171 = vector.broadcast %broadcast_in_dim3A_170 : f32 to vector<16xf32>
      %swap3A_172 = arith.index_cast %scan3A_135 : i32 to index
      %swap3A_173 = arith.constant 112 : index
      %swap3A_174 = tpu.vector_load %arg21[%swap3A_172, %swap3A_173] {strides = array<i32>} : memref<48x128xf32, #tpu.memory_space<vmem>>, vector<16xf32>,
      tpu.vector_store %arg21[%swap3A_172, %swap3A_173], %broadcast_in_dim3A_171 {strides = array<i32>} : memref<48x128xf32, #tpu.memory_space<vmem>>, vector<16xf32>,
      %scan3A_175 = arith.constant 0 : i32
      scf.yield %scan3A_175 : i32
    }
    %scan3A_40 = arith.constant 48 : i32
    %mul3A_41 = arith.constant 624 : i32
    %mul3A_42 = arith.muli %arg1, %mul3A_41 : i32
    %add3A_43 = arith.constant 0 : i32
    %add3A_44 = arith.addi %mul3A_42, %add3A_43 : i32
    "tpu.region"() ({
      %run_scoped3A = tpu.sem_alloc : memref<!tpu.dma_semaphore, #tpu.memory_space<semaphore_mem>>
      %dma_start3A_135 = arith.constant 0 : i32
      %dma_start3A_136 = tpu.memref_slice %arg22[%add3A_44, %dma_start3A_135] : memref<10000x128xf32, #tpu.memory_space<vmem_shared>> -> memref<48x128xf32, #tpu.memory_space<vmem_shared>>
      %dma_start3A_137 = arith.constant 0 : i32
      %dma_start3A_138 = tpu.memref_slice %arg22[%add3A_44, %dma_start3A_137] : memref<10000x128xf32, #tpu.memory_space<vmem_shared>> -> memref<48x128xf32, #tpu.memory_space<vmem_shared>>
      tpu.enqueue_dma source(%arg21 : memref<48x128xf32, #tpu.memory_space<vmem>>) target(%dma_start3A_138 : memref<48x128xf32, #tpu.memory_space<vmem_shared>>) target_semaphore(%run_scoped3A : memref<!tpu.dma_semaphore, #tpu.memory_space<semaphore_mem>>)
      %dma_wait3A_139 = arith.constant 0 : i32
      %dma_wait3A_140 = tpu.memref_slice %arg22[%add3A_44, %dma_wait3A_139] : memref<10000x128xf32, #tpu.memory_space<vmem_shared>> -> memref<48x128xf32, #tpu.memory_space<vmem_shared>>
      %dma_wait3A_141 = arith.constant 0 : i32
      %dma_wait3A_142 = tpu.memref_slice %arg22[%add3A_44, %dma_wait3A_141] : memref<10000x128xf32, #tpu.memory_space<vmem_shared>> -> memref<48x128xf32, #tpu.memory_space<vmem_shared>>
      tpu.wait_dma2 semaphore(%run_scoped3A : memref<!tpu.dma_semaphore, #tpu.memory_space<semaphore_mem>>) src(%arg21 : memref<48x128xf32, #tpu.memory_space<vmem>>) dst(%dma_wait3A_142 : memref<48x128xf32, #tpu.memory_space<vmem_shared>>)
      tpu.yield
    }) : () -> ()
    %mul3A_45 = arith.constant 624 : i32
    %mul3A_46 = arith.muli %arg1, %mul3A_45 : i32
    %add3A_47 = arith.constant 48 : i32
    %add3A_48 = arith.addi %mul3A_46, %add3A_47 : i32
    "tpu.region"() ({
      %run_scoped3A = tpu.sem_alloc : memref<!tpu.dma_semaphore, #tpu.memory_space<semaphore_mem>>
      %dma_start3A_135 = arith.constant 0 : i32
      %dma_start3A_136 = tpu.memref_slice %arg22[%add3A_48, %dma_start3A_135] : memref<10000x128xf32, #tpu.memory_space<vmem_shared>> -> memref<48x128xf32, #tpu.memory_space<vmem_shared>>
      %dma_start3A_137 = arith.constant 0 : i32
      %dma_start3A_138 = tpu.memref_slice %arg22[%add3A_48, %dma_start3A_137] : memref<10000x128xf32, #tpu.memory_space<vmem_shared>> -> memref<48x128xf32, #tpu.memory_space<vmem_shared>>
      tpu.enqueue_dma source(%arg21 : memref<48x128xf32, #tpu.memory_space<vmem>>) target(%dma_start3A_138 : memref<48x128xf32, #tpu.memory_space<vmem_shared>>) target_semaphore(%run_scoped3A : memref<!tpu.dma_semaphore, #tpu.memory_space<semaphore_mem>>)
      %dma_wait3A_139 = arith.constant 0 : i32
      %dma_wait3A_140 = tpu.memref_slice %arg22[%add3A_48, %dma_wait3A_139] : memref<10000x128xf32, #tpu.memory_space<vmem_shared>> -> memref<48x128xf32, #tpu.memory_space<vmem_shared>>
      %dma_wait3A_141 = arith.constant 0 : i32
      %dma_wait3A_142 = tpu.memref_slice %arg22[%add3A_48, %dma_wait3A_141] : memref<10000x128xf32, #tpu.memory_space<vmem_shared>> -> memref<48x128xf32, #tpu.memory_space<vmem_shared>>
      tpu.wait_dma2 semaphore(%run_scoped3A : memref<!tpu.dma_semaphore, #tpu.memory_space<semaphore_mem>>) src(%arg21 : memref<48x128xf32, #tpu.memory_space<vmem>>) dst(%dma_wait3A_142 : memref<48x128xf32, #tpu.memory_space<vmem_shared>>)
      tpu.yield
    }) : () -> ()
    %mul3A_49 = arith.constant 624 : i32
    %mul3A_50 = arith.muli %arg1, %mul3A_49 : i32
    %add3A_51 = arith.constant 96 : i32
    %add3A_52 = arith.addi %mul3A_50, %add3A_51 : i32
    "tpu.region"() ({
      %run_scoped3A = tpu.sem_alloc : memref<!tpu.dma_semaphore, #tpu.memory_space<semaphore_mem>>
      %dma_start3A_135 = arith.constant 0 : i32
      %dma_start3A_136 = tpu.memref_slice %arg22[%add3A_52, %dma_start3A_135] : memref<10000x128xf32, #tpu.memory_space<vmem_shared>> -> memref<48x128xf32, #tpu.memory_space<vmem_shared>>
      %dma_start3A_137 = arith.constant 0 : i32
      %dma_start3A_138 = tpu.memref_slice %arg22[%add3A_52, %dma_start3A_137] : memref<10000x128xf32, #tpu.memory_space<vmem_shared>> -> memref<48x128xf32, #tpu.memory_space<vmem_shared>>
      tpu.enqueue_dma source(%arg21 : memref<48x128xf32, #tpu.memory_space<vmem>>) target(%dma_start3A_138 : memref<48x128xf32, #tpu.memory_space<vmem_shared>>) target_semaphore(%run_scoped3A : memref<!tpu.dma_semaphore, #tpu.memory_space<semaphore_mem>>)
      %dma_wait3A_139 = arith.constant 0 : i32
      %dma_wait3A_140 = tpu.memref_slice %arg22[%add3A_52, %dma_wait3A_139] : memref<10000x128xf32, #tpu.memory_space<vmem_shared>> -> memref<48x128xf32, #tpu.memory_space<vmem_shared>>
      %dma_wait3A_141 = arith.constant 0 : i32
      %dma_wait3A_142 = tpu.memref_slice %arg22[%add3A_52, %dma_wait3A_141] : memref<10000x128xf32, #tpu.memory_space<vmem_shared>> -> memref<48x128xf32, #tpu.memory_space<vmem_shared>>
      tpu.wait_dma2 semaphore(%run_scoped3A : memref<!tpu.dma_semaphore, #tpu.memory_space<semaphore_mem>>) src(%arg21 : memref<48x128xf32, #tpu.memory_space<vmem>>) dst(%dma_wait3A_142 : memref<48x128xf32, #tpu.memory_space<vmem_shared>>)
      tpu.yield
    }) : () -> ()
    %mul3A_53 = arith.constant 624 : i32
    %mul3A_54 = arith.muli %arg1, %mul3A_53 : i32
    %add3A_55 = arith.constant 144 : i32
    %add3A_56 = arith.addi %mul3A_54, %add3A_55 : i32
    "tpu.region"() ({
      %run_scoped3A = tpu.sem_alloc : memref<!tpu.dma_semaphore, #tpu.memory_space<semaphore_mem>>
      %dma_start3A_135 = arith.constant 0 : i32
      %dma_start3A_136 = tpu.memref_slice %arg22[%add3A_56, %dma_start3A_135] : memref<10000x128xf32, #tpu.memory_space<vmem_shared>> -> memref<48x128xf32, #tpu.memory_space<vmem_shared>>
      %dma_start3A_137 = arith.constant 0 : i32
      %dma_start3A_138 = tpu.memref_slice %arg22[%add3A_56, %dma_start3A_137] : memref<10000x128xf32, #tpu.memory_space<vmem_shared>> -> memref<48x128xf32, #tpu.memory_space<vmem_shared>>
      tpu.enqueue_dma source(%arg21 : memref<48x128xf32, #tpu.memory_space<vmem>>) target(%dma_start3A_138 : memref<48x128xf32, #tpu.memory_space<vmem_shared>>) target_semaphore(%run_scoped3A : memref<!tpu.dma_semaphore, #tpu.memory_space<semaphore_mem>>)
      %dma_wait3A_139 = arith.constant 0 : i32
      %dma_wait3A_140 = tpu.memref_slice %arg22[%add3A_56, %dma_wait3A_139] : memref<10000x128xf32, #tpu.memory_space<vmem_shared>> -> memref<48x128xf32, #tpu.memory_space<vmem_shared>>
      %dma_wait3A_141 = arith.constant 0 : i32
      %dma_wait3A_142 = tpu.memref_slice %arg22[%add3A_56, %dma_wait3A_141] : memref<10000x128xf32, #tpu.memory_space<vmem_shared>> -> memref<48x128xf32, #tpu.memory_space<vmem_shared>>
      tpu.wait_dma2 semaphore(%run_scoped3A : memref<!tpu.dma_semaphore, #tpu.memory_space<semaphore_mem>>) src(%arg21 : memref<48x128xf32, #tpu.memory_space<vmem>>) dst(%dma_wait3A_142 : memref<48x128xf32, #tpu.memory_space<vmem_shared>>)
      tpu.yield
    }) : () -> ()
    %mul3A_57 = arith.constant 624 : i32
    %mul3A_58 = arith.muli %arg1, %mul3A_57 : i32
    %add3A_59 = arith.constant 192 : i32
    %add3A_60 = arith.addi %mul3A_58, %add3A_59 : i32
    "tpu.region"() ({
      %run_scoped3A = tpu.sem_alloc : memref<!tpu.dma_semaphore, #tpu.memory_space<semaphore_mem>>
      %dma_start3A_135 = arith.constant 0 : i32
      %dma_start3A_136 = tpu.memref_slice %arg22[%add3A_60, %dma_start3A_135] : memref<10000x128xf32, #tpu.memory_space<vmem_shared>> -> memref<48x128xf32, #tpu.memory_space<vmem_shared>>
      %dma_start3A_137 = arith.constant 0 : i32
      %dma_start3A_138 = tpu.memref_slice %arg22[%add3A_60, %dma_start3A_137] : memref<10000x128xf32, #tpu.memory_space<vmem_shared>> -> memref<48x128xf32, #tpu.memory_space<vmem_shared>>
      tpu.enqueue_dma source(%arg21 : memref<48x128xf32, #tpu.memory_space<vmem>>) target(%dma_start3A_138 : memref<48x128xf32, #tpu.memory_space<vmem_shared>>) target_semaphore(%run_scoped3A : memref<!tpu.dma_semaphore, #tpu.memory_space<semaphore_mem>>)
      %dma_wait3A_139 = arith.constant 0 : i32
      %dma_wait3A_140 = tpu.memref_slice %arg22[%add3A_60, %dma_wait3A_139] : memref<10000x128xf32, #tpu.memory_space<vmem_shared>> -> memref<48x128xf32, #tpu.memory_space<vmem_shared>>
      %dma_wait3A_141 = arith.constant 0 : i32
      %dma_wait3A_142 = tpu.memref_slice %arg22[%add3A_60, %dma_wait3A_141] : memref<10000x128xf32, #tpu.memory_space<vmem_shared>> -> memref<48x128xf32, #tpu.memory_space<vmem_shared>>
      tpu.wait_dma2 semaphore(%run_scoped3A : memref<!tpu.dma_semaphore, #tpu.memory_space<semaphore_mem>>) src(%arg21 : memref<48x128xf32, #tpu.memory_space<vmem>>) dst(%dma_wait3A_142 : memref<48x128xf32, #tpu.memory_space<vmem_shared>>)
      tpu.yield
    }) : () -> ()
    %mul3A_61 = arith.constant 624 : i32
    %mul3A_62 = arith.muli %arg1, %mul3A_61 : i32
    %add3A_63 = arith.constant 240 : i32
    %add3A_64 = arith.addi %mul3A_62, %add3A_63 : i32
    "tpu.region"() ({
      %run_scoped3A = tpu.sem_alloc : memref<!tpu.dma_semaphore, #tpu.memory_space<semaphore_mem>>
      %dma_start3A_135 = arith.constant 0 : i32
      %dma_start3A_136 = tpu.memref_slice %arg22[%add3A_64, %dma_start3A_135] : memref<10000x128xf32, #tpu.memory_space<vmem_shared>> -> memref<48x128xf32, #tpu.memory_space<vmem_shared>>
      %dma_start3A_137 = arith.constant 0 : i32
      %dma_start3A_138 = tpu.memref_slice %arg22[%add3A_64, %dma_start3A_137] : memref<10000x128xf32, #tpu.memory_space<vmem_shared>> -> memref<48x128xf32, #tpu.memory_space<vmem_shared>>
      tpu.enqueue_dma source(%arg21 : memref<48x128xf32, #tpu.memory_space<vmem>>) target(%dma_start3A_138 : memref<48x128xf32, #tpu.memory_space<vmem_shared>>) target_semaphore(%run_scoped3A : memref<!tpu.dma_semaphore, #tpu.memory_space<semaphore_mem>>)
      %dma_wait3A_139 = arith.constant 0 : i32
      %dma_wait3A_140 = tpu.memref_slice %arg22[%add3A_64, %dma_wait3A_139] : memref<10000x128xf32, #tpu.memory_space<vmem_shared>> -> memref<48x128xf32, #tpu.memory_space<vmem_shared>>
      %dma_wait3A_141 = arith.constant 0 : i32
      %dma_wait3A_142 = tpu.memref_slice %arg22[%add3A_64, %dma_wait3A_141] : memref<10000x128xf32, #tpu.memory_space<vmem_shared>> -> memref<48x128xf32, #tpu.memory_space<vmem_shared>>
      tpu.wait_dma2 semaphore(%run_scoped3A : memref<!tpu.dma_semaphore, #tpu.memory_space<semaphore_mem>>) src(%arg21 : memref<48x128xf32, #tpu.memory_space<vmem>>) dst(%dma_wait3A_142 : memref<48x128xf32, #tpu.memory_space<vmem_shared>>)
      tpu.yield
    }) : () -> ()
    %mul3A_65 = arith.constant 624 : i32
    %mul3A_66 = arith.muli %arg1, %mul3A_65 : i32
    %add3A_67 = arith.constant 288 : i32
    %add3A_68 = arith.addi %mul3A_66, %add3A_67 : i32
    "tpu.region"() ({
      %run_scoped3A = tpu.sem_alloc : memref<!tpu.dma_semaphore, #tpu.memory_space<semaphore_mem>>
      %dma_start3A_135 = arith.constant 0 : i32
      %dma_start3A_136 = tpu.memref_slice %arg22[%add3A_68, %dma_start3A_135] : memref<10000x128xf32, #tpu.memory_space<vmem_shared>> -> memref<48x128xf32, #tpu.memory_space<vmem_shared>>
      %dma_start3A_137 = arith.constant 0 : i32
      %dma_start3A_138 = tpu.memref_slice %arg22[%add3A_68, %dma_start3A_137] : memref<10000x128xf32, #tpu.memory_space<vmem_shared>> -> memref<48x128xf32, #tpu.memory_space<vmem_shared>>
      tpu.enqueue_dma source(%arg21 : memref<48x128xf32, #tpu.memory_space<vmem>>) target(%dma_start3A_138 : memref<48x128xf32, #tpu.memory_space<vmem_shared>>) target_semaphore(%run_scoped3A : memref<!tpu.dma_semaphore, #tpu.memory_space<semaphore_mem>>)
      %dma_wait3A_139 = arith.constant 0 : i32
      %dma_wait3A_140 = tpu.memref_slice %arg22[%add3A_68, %dma_wait3A_139] : memref<10000x128xf32, #tpu.memory_space<vmem_shared>> -> memref<48x128xf32, #tpu.memory_space<vmem_shared>>
      %dma_wait3A_141 = arith.constant 0 : i32
      %dma_wait3A_142 = tpu.memref_slice %arg22[%add3A_68, %dma_wait3A_141] : memref<10000x128xf32, #tpu.memory_space<vmem_shared>> -> memref<48x128xf32, #tpu.memory_space<vmem_shared>>
      tpu.wait_dma2 semaphore(%run_scoped3A : memref<!tpu.dma_semaphore, #tpu.memory_space<semaphore_mem>>) src(%arg21 : memref<48x128xf32, #tpu.memory_space<vmem>>) dst(%dma_wait3A_142 : memref<48x128xf32, #tpu.memory_space<vmem_shared>>)
      tpu.yield
    }) : () -> ()
    %mul3A_69 = arith.constant 624 : i32
    %mul3A_70 = arith.muli %arg1, %mul3A_69 : i32
    %add3A_71 = arith.constant 336 : i32
    %add3A_72 = arith.addi %mul3A_70, %add3A_71 : i32
    "tpu.region"() ({
      %run_scoped3A = tpu.sem_alloc : memref<!tpu.dma_semaphore, #tpu.memory_space<semaphore_mem>>
      %dma_start3A_135 = arith.constant 0 : i32
      %dma_start3A_136 = tpu.memref_slice %arg22[%add3A_72, %dma_start3A_135] : memref<10000x128xf32, #tpu.memory_space<vmem_shared>> -> memref<48x128xf32, #tpu.memory_space<vmem_shared>>
      %dma_start3A_137 = arith.constant 0 : i32
      %dma_start3A_138 = tpu.memref_slice %arg22[%add3A_72, %dma_start3A_137] : memref<10000x128xf32, #tpu.memory_space<vmem_shared>> -> memref<48x128xf32, #tpu.memory_space<vmem_shared>>
      tpu.enqueue_dma source(%arg21 : memref<48x128xf32, #tpu.memory_space<vmem>>) target(%dma_start3A_138 : memref<48x128xf32, #tpu.memory_space<vmem_shared>>) target_semaphore(%run_scoped3A : memref<!tpu.dma_semaphore, #tpu.memory_space<semaphore_mem>>)
      %dma_wait3A_139 = arith.constant 0 : i32
      %dma_wait3A_140 = tpu.memref_slice %arg22[%add3A_72, %dma_wait3A_139] : memref<10000x128xf32, #tpu.memory_space<vmem_shared>> -> memref<48x128xf32, #tpu.memory_space<vmem_shared>>
      %dma_wait3A_141 = arith.constant 0 : i32
      %dma_wait3A_142 = tpu.memref_slice %arg22[%add3A_72, %dma_wait3A_141] : memref<10000x128xf32, #tpu.memory_space<vmem_shared>> -> memref<48x128xf32, #tpu.memory_space<vmem_shared>>
      tpu.wait_dma2 semaphore(%run_scoped3A : memref<!tpu.dma_semaphore, #tpu.memory_space<semaphore_mem>>) src(%arg21 : memref<48x128xf32, #tpu.memory_space<vmem>>) dst(%dma_wait3A_142 : memref<48x128xf32, #tpu.memory_space<vmem_shared>>)
      tpu.yield
    }) : () -> ()
    %mul3A_73 = arith.constant 624 : i32
    %mul3A_74 = arith.muli %arg1, %mul3A_73 : i32
    %add3A_75 = arith.constant 384 : i32
    %add3A_76 = arith.addi %mul3A_74, %add3A_75 : i32
    "tpu.region"() ({
      %run_scoped3A = tpu.sem_alloc : memref<!tpu.dma_semaphore, #tpu.memory_space<semaphore_mem>>
      %dma_start3A_135 = arith.constant 0 : i32
      %dma_start3A_136 = tpu.memref_slice %arg22[%add3A_76, %dma_start3A_135] : memref<10000x128xf32, #tpu.memory_space<vmem_shared>> -> memref<48x128xf32, #tpu.memory_space<vmem_shared>>
      %dma_start3A_137 = arith.constant 0 : i32
      %dma_start3A_138 = tpu.memref_slice %arg22[%add3A_76, %dma_start3A_137] : memref<10000x128xf32, #tpu.memory_space<vmem_shared>> -> memref<48x128xf32, #tpu.memory_space<vmem_shared>>
      tpu.enqueue_dma source(%arg21 : memref<48x128xf32, #tpu.memory_space<vmem>>) target(%dma_start3A_138 : memref<48x128xf32, #tpu.memory_space<vmem_shared>>) target_semaphore(%run_scoped3A : memref<!tpu.dma_semaphore, #tpu.memory_space<semaphore_mem>>)
      %dma_wait3A_139 = arith.constant 0 : i32
      %dma_wait3A_140 = tpu.memref_slice %arg22[%add3A_76, %dma_wait3A_139] : memref<10000x128xf32, #tpu.memory_space<vmem_shared>> -> memref<48x128xf32, #tpu.memory_space<vmem_shared>>
      %dma_wait3A_141 = arith.constant 0 : i32
      %dma_wait3A_142 = tpu.memref_slice %arg22[%add3A_76, %dma_wait3A_141] : memref<10000x128xf32, #tpu.memory_space<vmem_shared>> -> memref<48x128xf32, #tpu.memory_space<vmem_shared>>
      tpu.wait_dma2 semaphore(%run_scoped3A : memref<!tpu.dma_semaphore, #tpu.memory_space<semaphore_mem>>) src(%arg21 : memref<48x128xf32, #tpu.memory_space<vmem>>) dst(%dma_wait3A_142 : memref<48x128xf32, #tpu.memory_space<vmem_shared>>)
      tpu.yield
    }) : () -> ()
    %mul3A_77 = arith.constant 624 : i32
    %mul3A_78 = arith.muli %arg1, %mul3A_77 : i32
    %add3A_79 = arith.constant 432 : i32
    %add3A_80 = arith.addi %mul3A_78, %add3A_79 : i32
    "tpu.region"() ({
      %run_scoped3A = tpu.sem_alloc : memref<!tpu.dma_semaphore, #tpu.memory_space<semaphore_mem>>
      %dma_start3A_135 = arith.constant 0 : i32
      %dma_start3A_136 = tpu.memref_slice %arg22[%add3A_80, %dma_start3A_135] : memref<10000x128xf32, #tpu.memory_space<vmem_shared>> -> memref<48x128xf32, #tpu.memory_space<vmem_shared>>
      %dma_start3A_137 = arith.constant 0 : i32
      %dma_start3A_138 = tpu.memref_slice %arg22[%add3A_80, %dma_start3A_137] : memref<10000x128xf32, #tpu.memory_space<vmem_shared>> -> memref<48x128xf32, #tpu.memory_space<vmem_shared>>
      tpu.enqueue_dma source(%arg21 : memref<48x128xf32, #tpu.memory_space<vmem>>) target(%dma_start3A_138 : memref<48x128xf32, #tpu.memory_space<vmem_shared>>) target_semaphore(%run_scoped3A : memref<!tpu.dma_semaphore, #tpu.memory_space<semaphore_mem>>)
      %dma_wait3A_139 = arith.constant 0 : i32
      %dma_wait3A_140 = tpu.memref_slice %arg22[%add3A_80, %dma_wait3A_139] : memref<10000x128xf32, #tpu.memory_space<vmem_shared>> -> memref<48x128xf32, #tpu.memory_space<vmem_shared>>
      %dma_wait3A_141 = arith.constant 0 : i32
      %dma_wait3A_142 = tpu.memref_slice %arg22[%add3A_80, %dma_wait3A_141] : memref<10000x128xf32, #tpu.memory_space<vmem_shared>> -> memref<48x128xf32, #tpu.memory_space<vmem_shared>>
      tpu.wait_dma2 semaphore(%run_scoped3A : memref<!tpu.dma_semaphore, #tpu.memory_space<semaphore_mem>>) src(%arg21 : memref<48x128xf32, #tpu.memory_space<vmem>>) dst(%dma_wait3A_142 : memref<48x128xf32, #tpu.memory_space<vmem_shared>>)
      tpu.yield
    }) : () -> ()
    %mul3A_81 = arith.constant 624 : i32
    %mul3A_82 = arith.muli %arg1, %mul3A_81 : i32
    %add3A_83 = arith.constant 480 : i32
    %add3A_84 = arith.addi %mul3A_82, %add3A_83 : i32
    "tpu.region"() ({
      %run_scoped3A = tpu.sem_alloc : memref<!tpu.dma_semaphore, #tpu.memory_space<semaphore_mem>>
      %dma_start3A_135 = arith.constant 0 : i32
      %dma_start3A_136 = tpu.memref_slice %arg22[%add3A_84, %dma_start3A_135] : memref<10000x128xf32, #tpu.memory_space<vmem_shared>> -> memref<48x128xf32, #tpu.memory_space<vmem_shared>>
      %dma_start3A_137 = arith.constant 0 : i32
      %dma_start3A_138 = tpu.memref_slice %arg22[%add3A_84, %dma_start3A_137] : memref<10000x128xf32, #tpu.memory_space<vmem_shared>> -> memref<48x128xf32, #tpu.memory_space<vmem_shared>>
      tpu.enqueue_dma source(%arg21 : memref<48x128xf32, #tpu.memory_space<vmem>>) target(%dma_start3A_138 : memref<48x128xf32, #tpu.memory_space<vmem_shared>>) target_semaphore(%run_scoped3A : memref<!tpu.dma_semaphore, #tpu.memory_space<semaphore_mem>>)
      %dma_wait3A_139 = arith.constant 0 : i32
      %dma_wait3A_140 = tpu.memref_slice %arg22[%add3A_84, %dma_wait3A_139] : memref<10000x128xf32, #tpu.memory_space<vmem_shared>> -> memref<48x128xf32, #tpu.memory_space<vmem_shared>>
      %dma_wait3A_141 = arith.constant 0 : i32
      %dma_wait3A_142 = tpu.memref_slice %arg22[%add3A_84, %dma_wait3A_141] : memref<10000x128xf32, #tpu.memory_space<vmem_shared>> -> memref<48x128xf32, #tpu.memory_space<vmem_shared>>
      tpu.wait_dma2 semaphore(%run_scoped3A : memref<!tpu.dma_semaphore, #tpu.memory_space<semaphore_mem>>) src(%arg21 : memref<48x128xf32, #tpu.memory_space<vmem>>) dst(%dma_wait3A_142 : memref<48x128xf32, #tpu.memory_space<vmem_shared>>)
      tpu.yield
    }) : () -> ()
    %mul3A_85 = arith.constant 624 : i32
    %mul3A_86 = arith.muli %arg1, %mul3A_85 : i32
    %add3A_87 = arith.constant 528 : i32
    %add3A_88 = arith.addi %mul3A_86, %add3A_87 : i32
    "tpu.region"() ({
      %run_scoped3A = tpu.sem_alloc : memref<!tpu.dma_semaphore, #tpu.memory_space<semaphore_mem>>
      %dma_start3A_135 = arith.constant 0 : i32
      %dma_start3A_136 = tpu.memref_slice %arg22[%add3A_88, %dma_start3A_135] : memref<10000x128xf32, #tpu.memory_space<vmem_shared>> -> memref<48x128xf32, #tpu.memory_space<vmem_shared>>
      %dma_start3A_137 = arith.constant 0 : i32
      %dma_start3A_138 = tpu.memref_slice %arg22[%add3A_88, %dma_start3A_137] : memref<10000x128xf32, #tpu.memory_space<vmem_shared>> -> memref<48x128xf32, #tpu.memory_space<vmem_shared>>
      tpu.enqueue_dma source(%arg21 : memref<48x128xf32, #tpu.memory_space<vmem>>) target(%dma_start3A_138 : memref<48x128xf32, #tpu.memory_space<vmem_shared>>) target_semaphore(%run_scoped3A : memref<!tpu.dma_semaphore, #tpu.memory_space<semaphore_mem>>)
      %dma_wait3A_139 = arith.constant 0 : i32
      %dma_wait3A_140 = tpu.memref_slice %arg22[%add3A_88, %dma_wait3A_139] : memref<10000x128xf32, #tpu.memory_space<vmem_shared>> -> memref<48x128xf32, #tpu.memory_space<vmem_shared>>
      %dma_wait3A_141 = arith.constant 0 : i32
      %dma_wait3A_142 = tpu.memref_slice %arg22[%add3A_88, %dma_wait3A_141] : memref<10000x128xf32, #tpu.memory_space<vmem_shared>> -> memref<48x128xf32, #tpu.memory_space<vmem_shared>>
      tpu.wait_dma2 semaphore(%run_scoped3A : memref<!tpu.dma_semaphore, #tpu.memory_space<semaphore_mem>>) src(%arg21 : memref<48x128xf32, #tpu.memory_space<vmem>>) dst(%dma_wait3A_142 : memref<48x128xf32, #tpu.memory_space<vmem_shared>>)
      tpu.yield
    }) : () -> ()
    %mul3A_89 = arith.constant 624 : i32
    %mul3A_90 = arith.muli %arg1, %mul3A_89 : i32
    %add3A_91 = arith.constant 576 : i32
    %add3A_92 = arith.addi %mul3A_90, %add3A_91 : i32
    "tpu.region"() ({
      %run_scoped3A = tpu.sem_alloc : memref<!tpu.dma_semaphore, #tpu.memory_space<semaphore_mem>>
      %dma_start3A_135 = arith.constant 0 : i32
      %dma_start3A_136 = tpu.memref_slice %arg22[%add3A_92, %dma_start3A_135] : memref<10000x128xf32, #tpu.memory_space<vmem_shared>> -> memref<48x128xf32, #tpu.memory_space<vmem_shared>>
      %dma_start3A_137 = arith.constant 0 : i32
      %dma_start3A_138 = tpu.memref_slice %arg22[%add3A_92, %dma_start3A_137] : memref<10000x128xf32, #tpu.memory_space<vmem_shared>> -> memref<48x128xf32, #tpu.memory_space<vmem_shared>>
      tpu.enqueue_dma source(%arg21 : memref<48x128xf32, #tpu.memory_space<vmem>>) target(%dma_start3A_138 : memref<48x128xf32, #tpu.memory_space<vmem_shared>>) target_semaphore(%run_scoped3A : memref<!tpu.dma_semaphore, #tpu.memory_space<semaphore_mem>>)
      %dma_wait3A_139 = arith.constant 0 : i32
      %dma_wait3A_140 = tpu.memref_slice %arg22[%add3A_92, %dma_wait3A_139] : memref<10000x128xf32, #tpu.memory_space<vmem_shared>> -> memref<48x128xf32, #tpu.memory_space<vmem_shared>>
      %dma_wait3A_141 = arith.constant 0 : i32
      %dma_wait3A_142 = tpu.memref_slice %arg22[%add3A_92, %dma_wait3A_141] : memref<10000x128xf32, #tpu.memory_space<vmem_shared>> -> memref<48x128xf32, #tpu.memory_space<vmem_shared>>
      tpu.wait_dma2 semaphore(%run_scoped3A : memref<!tpu.dma_semaphore, #tpu.memory_space<semaphore_mem>>) src(%arg21 : memref<48x128xf32, #tpu.memory_space<vmem>>) dst(%dma_wait3A_142 : memref<48x128xf32, #tpu.memory_space<vmem_shared>>)
      tpu.yield
    }) : () -> ()
    %eq3A = arith.constant 15 : i32
    %eq3A_93 = arith.cmpi eq, %arg1, %eq3A : i32
    %convert_element_type3A = arith.extui %eq3A_93 : i1 to i32
    %cond3A = arith.constant 0 : i32
    %cond3A_94 = arith.cmpi ne, %convert_element_type3A, %cond3A : i32
    scf.if %cond3A_94 {
      "tpu.region"() ({
        %run_scoped3A = tpu.sem_alloc : memref<!tpu.dma_semaphore, #tpu.memory_space<semaphore_mem>>
        %dma_start3A_135 = arith.constant 0 : i32
        %dma_start3A_136 = arith.constant 0 : i32
        %dma_start3A_137 = tpu.memref_slice %arg21[%dma_start3A_135, %dma_start3A_136] : memref<48x128xf32, #tpu.memory_space<vmem>> -> memref<16x128xf32, #tpu.memory_space<vmem>>
        %dma_start3A_138 = arith.constant 9984 : i32
        %dma_start3A_139 = arith.constant 0 : i32
        %dma_start3A_140 = tpu.memref_slice %arg22[%dma_start3A_138, %dma_start3A_139] : memref<10000x128xf32, #tpu.memory_space<vmem_shared>> -> memref<16x128xf32, #tpu.memory_space<vmem_shared>>
        %dma_start3A_141 = arith.constant 9984 : i32
        %dma_start3A_142 = arith.constant 0 : i32
        %dma_start3A_143 = tpu.memref_slice %arg22[%dma_start3A_141, %dma_start3A_142] : memref<10000x128xf32, #tpu.memory_space<vmem_shared>> -> memref<16x128xf32, #tpu.memory_space<vmem_shared>>
        %dma_start3A_144 = arith.constant 0 : i32
        %dma_start3A_145 = arith.constant 0 : i32
        %dma_start3A_146 = tpu.memref_slice %arg21[%dma_start3A_144, %dma_start3A_145] : memref<48x128xf32, #tpu.memory_space<vmem>> -> memref<16x128xf32, #tpu.memory_space<vmem>>
        tpu.enqueue_dma source(%dma_start3A_146 : memref<16x128xf32, #tpu.memory_space<vmem>>) target(%dma_start3A_143 : memref<16x128xf32, #tpu.memory_space<vmem_shared>>) target_semaphore(%run_scoped3A : memref<!tpu.dma_semaphore, #tpu.memory_space<semaphore_mem>>)
        %dma_wait3A_147 = arith.constant 0 : i32
        %dma_wait3A_148 = arith.constant 0 : i32
        %dma_wait3A_149 = tpu.memref_slice %arg21[%dma_wait3A_147, %dma_wait3A_148] : memref<48x128xf32, #tpu.memory_space<vmem>> -> memref<16x128xf32, #tpu.memory_space<vmem>>
        %dma_wait3A_150 = arith.constant 9984 : i32
        %dma_wait3A_151 = arith.constant 0 : i32
        %dma_wait3A_152 = tpu.memref_slice %arg22[%dma_wait3A_150, %dma_wait3A_151] : memref<10000x128xf32, #tpu.memory_space<vmem_shared>> -> memref<16x128xf32, #tpu.memory_space<vmem_shared>>
        %dma_wait3A_153 = arith.constant 9984 : i32
        %dma_wait3A_154 = arith.constant 0 : i32
        %dma_wait3A_155 = tpu.memref_slice %arg22[%dma_wait3A_153, %dma_wait3A_154] : memref<10000x128xf32, #tpu.memory_space<vmem_shared>> -> memref<16x128xf32, #tpu.memory_space<vmem_shared>>
        %dma_wait3A_156 = arith.constant 0 : i32
        %dma_wait3A_157 = arith.constant 0 : i32
        %dma_wait3A_158 = tpu.memref_slice %arg21[%dma_wait3A_156, %dma_wait3A_157] : memref<48x128xf32, #tpu.memory_space<vmem>> -> memref<16x128xf32, #tpu.memory_space<vmem>>
        tpu.wait_dma2 semaphore(%run_scoped3A : memref<!tpu.dma_semaphore, #tpu.memory_space<semaphore_mem>>) src(%dma_wait3A_158 : memref<16x128xf32, #tpu.memory_space<vmem>>) dst(%dma_wait3A_155 : memref<16x128xf32, #tpu.memory_space<vmem_shared>>)
        tpu.yield
      }) : () -> ()
    } else {
    }
    "tpu.region"() ({
      %run_scoped3A = tpu.sem_alloc : memref<!tpu.dma_semaphore, #tpu.memory_space<semaphore_mem>>
      tpu.enqueue_dma source(%arg6 : memref<10000xf32, #tpu.memory_space<hbm>>) target(%arg8 : memref<10000xf32, #tpu.memory_space<vmem>>) target_semaphore(%run_scoped3A : memref<!tpu.dma_semaphore, #tpu.memory_space<semaphore_mem>>)
      tpu.wait_dma2 semaphore(%run_scoped3A : memref<!tpu.dma_semaphore, #tpu.memory_space<semaphore_mem>>) src(%arg6 : memref<10000xf32, #tpu.memory_space<hbm>>) dst(%arg8 : memref<10000xf32, #tpu.memory_space<vmem>>)
      tpu.yield
    }) : () -> ()
    %barrier3A = arith.constant 0 : index
    tpu.barrier barrier_id(%barrier3A)
    %scan3A_95 = arith.constant 0 : i32
    %scan3A_96 = arith.constant 0 : i32
    %scan3A_97 = arith.constant 62 : i32
    %scan3A_98 = arith.addi %scan3A_96, %scan3A_97 : i32
    %scan3A_99 = arith.constant 1 : i32
    %scan3A_100 = scf.for %scan3A_135 = %scan3A_96 to %scan3A_98 step %scan3A_99 iter_args(%scan3A_136 = %scan3A_95) -> (i32)  : i32 {
      %mul3A_137 = arith.constant 2 : i32
      %mul3A_138 = arith.muli %mul3A_137, %scan3A_135 : i32
      %add3A_139 = arith.constant 1 : i32
      %add3A_140 = arith.addi %mul3A_138, %add3A_139 : i32
      %mul3A_141 = arith.constant 80 : i32
      %mul3A_142 = arith.muli %mul3A_138, %mul3A_141 : i32
      %add3A_143 = arith.addi %add3A, %mul3A_142 : i32
      %dma_wait3A_144 = tpu.memref_slice %arg3[%add3A_143] : memref<320000xi32, #tpu.memory_space<hbm>> -> memref<80xi32, #tpu.memory_space<hbm>>
      %dma_wait3A_145 = tpu.memref_slice %arg3[%add3A_143] : memref<320000xi32, #tpu.memory_space<hbm>> -> memref<80xi32, #tpu.memory_space<hbm>>
      tpu.wait_dma2 semaphore(%arg25 : memref<!tpu.dma_semaphore, #tpu.memory_space<semaphore_mem>>) src(%dma_wait3A_145 : memref<80xi32, #tpu.memory_space<hbm>>) dst(%arg11 : memref<80xi32, #tpu.memory_space<vmem>>)
      %dma_wait3A_146 = tpu.memref_slice %arg4[%add3A_143] : memref<320000xf32, #tpu.memory_space<hbm>> -> memref<80xf32, #tpu.memory_space<hbm>>
      %dma_wait3A_147 = tpu.memref_slice %arg4[%add3A_143] : memref<320000xf32, #tpu.memory_space<hbm>> -> memref<80xf32, #tpu.memory_space<hbm>>
      tpu.wait_dma2 semaphore(%arg25 : memref<!tpu.dma_semaphore, #tpu.memory_space<semaphore_mem>>) src(%dma_wait3A_147 : memref<80xf32, #tpu.memory_space<hbm>>) dst(%arg15 : memref<80xf32, #tpu.memory_space<vmem>>)
      %scan3A_148 = arith.constant 0 : i32
      %scan3A_149 = arith.constant 0 : i32
      %scan3A_150 = arith.constant 5 : i32
      %scan3A_151 = arith.addi %scan3A_149, %scan3A_150 : i32
      %scan3A_152 = arith.constant 1 : i32
      %scan3A_153 = scf.for %scan3A_241 = %scan3A_149 to %scan3A_151 step %scan3A_152 iter_args(%scan3A_242 = %scan3A_148) -> (i32)  : i32 {
        %mul3A_243 = arith.constant 16 : i32
        %mul3A_244 = arith.muli %scan3A_241, %mul3A_243 : i32
        %get3A = arith.index_cast %mul3A_244 : i32 to index
        %get3A_245 = tpu.vector_load %arg11[%get3A] {strides = array<i32>} : memref<80xi32, #tpu.memory_space<vmem>>, vector<16xi32>,
        %gather3A = tpu.vector_load_idx %arg8[%get3A_245] : memref<10000xf32, #tpu.memory_space<vmem>>[vector<16xi32>], vector<16xf32>,
        %mul3A_246 = arith.constant 16 : i32
        %mul3A_247 = arith.muli %scan3A_241, %mul3A_246 : i32
        %get3A_248 = arith.index_cast %mul3A_247 : i32 to index
        %get3A_249 = tpu.vector_load %arg15[%get3A_248] {strides = array<i32>} : memref<80xf32, #tpu.memory_space<vmem>>, vector<16xf32>,
        %mul3A_250 = arith.mulf %get3A_249, %gather3A : vector<16xf32>
        %mul3A_251 = arith.constant 16 : i32
        %mul3A_252 = arith.muli %scan3A_241, %mul3A_251 : i32
        %swap3A = arith.index_cast %mul3A_252 : i32 to index
        %swap3A_253 = tpu.vector_load %arg17[%swap3A] {strides = array<i32>} : memref<80xf32, #tpu.memory_space<vmem>>, vector<16xf32>,
        tpu.vector_store %arg17[%swap3A], %mul3A_250 {strides = array<i32>} : memref<80xf32, #tpu.memory_space<vmem>>, vector<16xf32>,
        %scan3A_254 = arith.constant 0 : i32
        scf.yield %scan3A_254 : i32
      }
      %scan3A_154 = arith.constant 5 : i32
      %dma_wait3A_155 = arith.constant 0 : i32
      %dma_wait3A_156 = arith.constant 0 : i32
      %dma_wait3A_157 = tpu.memref_slice %arg5[%dma_wait3A_155, %dma_wait3A_156] : memref<10000x128xf32, #tpu.memory_space<hbm>> -> memref<10000x128xf32, #tpu.memory_space<hbm>>
      tpu.wait_indirect_dma semaphore(%arg23 : memref<!tpu.dma_semaphore, #tpu.memory_space<semaphore_mem>>) src(%dma_wait3A_157 : memref<10000x128xf32, #tpu.memory_space<hbm>>) dst(%arg19 : memref<80x128xf32, #tpu.memory_space<vmem>>)
      %add3A_158 = arith.constant 2 : i32
      %add3A_159 = arith.addi %mul3A_138, %add3A_158 : i32
      %lt3A = arith.constant 125 : i32
      %lt3A_160 = arith.cmpi slt, %add3A_159, %lt3A : i32
      %convert_element_type3A_161 = arith.extui %lt3A_160 : i1 to i32
      %cond3A_162 = arith.constant 0 : i32
      %cond3A_163 = arith.cmpi ne, %convert_element_type3A_161, %cond3A_162 : i32
      scf.if %cond3A_163 {
        %add3A_241 = arith.constant 2 : i32
        %add3A_242 = arith.addi %mul3A_138, %add3A_241 : i32
        %mul3A_243 = arith.constant 80 : i32
        %mul3A_244 = arith.muli %add3A_242, %mul3A_243 : i32
        %add3A_245 = arith.addi %add3A, %mul3A_244 : i32
        %dma_start3A_246 = tpu.memref_slice %arg2[%add3A_245] : memref<320000xi32, #tpu.memory_space<hbm>> -> memref<80xi32, #tpu.memory_space<hbm>>
        %dma_start3A_247 = tpu.memref_slice %arg2[%add3A_245] : memref<320000xi32, #tpu.memory_space<hbm>> -> memref<80xi32, #tpu.memory_space<hbm>>
        tpu.enqueue_dma source(%dma_start3A_247 : memref<80xi32, #tpu.memory_space<hbm>>) target(%arg9 : memref<80xi32, #tpu.memory_space<vmem>>) target_semaphore(%arg27 : memref<!tpu.dma_semaphore, #tpu.memory_space<semaphore_mem>>)
      } else {
      }
      %scan3A_164 = arith.constant 0 : i32
      %scan3A_165 = arith.constant 0 : i32
      %scan3A_166 = arith.constant 16 : i32
      %scan3A_167 = arith.addi %scan3A_165, %scan3A_166 : i32
      %scan3A_168 = arith.constant 1 : i32
      %scan3A_169 = scf.for %scan3A_241 = %scan3A_165 to %scan3A_167 step %scan3A_168 iter_args(%scan3A_242 = %scan3A_164) -> (i32)  : i32 {
        %mul3A_243 = arith.constant 5 : i32
        %mul3A_244 = arith.muli %scan3A_241, %mul3A_243 : i32
        %add3A_245 = arith.constant 0 : i32
        %add3A_246 = arith.addi %mul3A_244, %add3A_245 : i32
        %broadcast_in_dim3A = vector.broadcast %add3A_246 : i32 to vector<16xi32>
        %gather3A = tpu.vector_load_idx %arg17[%broadcast_in_dim3A] : memref<80xf32, #tpu.memory_space<vmem>>[vector<16xi32>], vector<16xf32>,
        %get3A = arith.index_cast %add3A_246 : i32 to index
        %get3A_247 = arith.constant 0 : index
        %get3A_248 = tpu.vector_load %arg19[%get3A, %get3A_247] {strides = array<i32>} : memref<80x128xf32, #tpu.memory_space<vmem>>, vector<16xf32>,
        %mul3A_249 = arith.mulf %get3A_248, %gather3A : vector<16xf32>
        %swap3A = arith.index_cast %add3A_246 : i32 to index
        %swap3A_250 = arith.constant 0 : index
        %swap3A_251 = tpu.vector_load %arg19[%swap3A, %swap3A_250] {strides = array<i32>} : memref<80x128xf32, #tpu.memory_space<vmem>>, vector<16xf32>,
        tpu.vector_store %arg19[%swap3A, %swap3A_250], %mul3A_249 {strides = array<i32>} : memref<80x128xf32, #tpu.memory_space<vmem>>, vector<16xf32>,
        %get3A_252 = arith.index_cast %add3A_246 : i32 to index
        %get3A_253 = arith.constant 16 : index
        %get3A_254 = tpu.vector_load %arg19[%get3A_252, %get3A_253] {strides = array<i32>} : memref<80x128xf32, #tpu.memory_space<vmem>>, vector<16xf32>,
        %mul3A_255 = arith.mulf %get3A_254, %gather3A : vector<16xf32>
        %swap3A_256 = arith.index_cast %add3A_246 : i32 to index
        %swap3A_257 = arith.constant 16 : index
        %swap3A_258 = tpu.vector_load %arg19[%swap3A_256, %swap3A_257] {strides = array<i32>} : memref<80x128xf32, #tpu.memory_space<vmem>>, vector<16xf32>,
        tpu.vector_store %arg19[%swap3A_256, %swap3A_257], %mul3A_255 {strides = array<i32>} : memref<80x128xf32, #tpu.memory_space<vmem>>, vector<16xf32>,
        %get3A_259 = arith.index_cast %add3A_246 : i32 to index
        %get3A_260 = arith.constant 32 : index
        %get3A_261 = tpu.vector_load %arg19[%get3A_259, %get3A_260] {strides = array<i32>} : memref<80x128xf32, #tpu.memory_space<vmem>>, vector<16xf32>,
        %mul3A_262 = arith.mulf %get3A_261, %gather3A : vector<16xf32>
        %swap3A_263 = arith.index_cast %add3A_246 : i32 to index
        %swap3A_264 = arith.constant 32 : index
        %swap3A_265 = tpu.vector_load %arg19[%swap3A_263, %swap3A_264] {strides = array<i32>} : memref<80x128xf32, #tpu.memory_space<vmem>>, vector<16xf32>,
        tpu.vector_store %arg19[%swap3A_263, %swap3A_264], %mul3A_262 {strides = array<i32>} : memref<80x128xf32, #tpu.memory_space<vmem>>, vector<16xf32>,
        %get3A_266 = arith.index_cast %add3A_246 : i32 to index
        %get3A_267 = arith.constant 48 : index
        %get3A_268 = tpu.vector_load %arg19[%get3A_266, %get3A_267] {strides = array<i32>} : memref<80x128xf32, #tpu.memory_space<vmem>>, vector<16xf32>,
        %mul3A_269 = arith.mulf %get3A_268, %gather3A : vector<16xf32>
        %swap3A_270 = arith.index_cast %add3A_246 : i32 to index
        %swap3A_271 = arith.constant 48 : index
        %swap3A_272 = tpu.vector_load %arg19[%swap3A_270, %swap3A_271] {strides = array<i32>} : memref<80x128xf32, #tpu.memory_space<vmem>>, vector<16xf32>,
        tpu.vector_store %arg19[%swap3A_270, %swap3A_271], %mul3A_269 {strides = array<i32>} : memref<80x128xf32, #tpu.memory_space<vmem>>, vector<16xf32>,
        %get3A_273 = arith.index_cast %add3A_246 : i32 to index
        %get3A_274 = arith.constant 64 : index
        %get3A_275 = tpu.vector_load %arg19[%get3A_273, %get3A_274] {strides = array<i32>} : memref<80x128xf32, #tpu.memory_space<vmem>>, vector<16xf32>,
        %mul3A_276 = arith.mulf %get3A_275, %gather3A : vector<16xf32>
        %swap3A_277 = arith.index_cast %add3A_246 : i32 to index
        %swap3A_278 = arith.constant 64 : index
        %swap3A_279 = tpu.vector_load %arg19[%swap3A_277, %swap3A_278] {strides = array<i32>} : memref<80x128xf32, #tpu.memory_space<vmem>>, vector<16xf32>,
        tpu.vector_store %arg19[%swap3A_277, %swap3A_278], %mul3A_276 {strides = array<i32>} : memref<80x128xf32, #tpu.memory_space<vmem>>, vector<16xf32>,
        %get3A_280 = arith.index_cast %add3A_246 : i32 to index
        %get3A_281 = arith.constant 80 : index
        %get3A_282 = tpu.vector_load %arg19[%get3A_280, %get3A_281] {strides = array<i32>} : memref<80x128xf32, #tpu.memory_space<vmem>>, vector<16xf32>,
        %mul3A_283 = arith.mulf %get3A_282, %gather3A : vector<16xf32>
        %swap3A_284 = arith.index_cast %add3A_246 : i32 to index
        %swap3A_285 = arith.constant 80 : index
        %swap3A_286 = tpu.vector_load %arg19[%swap3A_284, %swap3A_285] {strides = array<i32>} : memref<80x128xf32, #tpu.memory_space<vmem>>, vector<16xf32>,
        tpu.vector_store %arg19[%swap3A_284, %swap3A_285], %mul3A_283 {strides = array<i32>} : memref<80x128xf32, #tpu.memory_space<vmem>>, vector<16xf32>,
        %get3A_287 = arith.index_cast %add3A_246 : i32 to index
        %get3A_288 = arith.constant 96 : index
        %get3A_289 = tpu.vector_load %arg19[%get3A_287, %get3A_288] {strides = array<i32>} : memref<80x128xf32, #tpu.memory_space<vmem>>, vector<16xf32>,
        %mul3A_290 = arith.mulf %get3A_289, %gather3A : vector<16xf32>
        %swap3A_291 = arith.index_cast %add3A_246 : i32 to index
        %swap3A_292 = arith.constant 96 : index
        %swap3A_293 = tpu.vector_load %arg19[%swap3A_291, %swap3A_292] {strides = array<i32>} : memref<80x128xf32, #tpu.memory_space<vmem>>, vector<16xf32>,
        tpu.vector_store %arg19[%swap3A_291, %swap3A_292], %mul3A_290 {strides = array<i32>} : memref<80x128xf32, #tpu.memory_space<vmem>>, vector<16xf32>,
        %get3A_294 = arith.index_cast %add3A_246 : i32 to index
        %get3A_295 = arith.constant 112 : index
        %get3A_296 = tpu.vector_load %arg19[%get3A_294, %get3A_295] {strides = array<i32>} : memref<80x128xf32, #tpu.memory_space<vmem>>, vector<16xf32>,
        %mul3A_297 = arith.mulf %get3A_296, %gather3A : vector<16xf32>
        %swap3A_298 = arith.index_cast %add3A_246 : i32 to index
        %swap3A_299 = arith.constant 112 : index
        %swap3A_300 = tpu.vector_load %arg19[%swap3A_298, %swap3A_299] {strides = array<i32>} : memref<80x128xf32, #tpu.memory_space<vmem>>, vector<16xf32>,
        tpu.vector_store %arg19[%swap3A_298, %swap3A_299], %mul3A_297 {strides = array<i32>} : memref<80x128xf32, #tpu.memory_space<vmem>>, vector<16xf32>,
        %mul3A_301 = arith.constant 5 : i32
        %mul3A_302 = arith.muli %scan3A_241, %mul3A_301 : i32
        %add3A_303 = arith.constant 1 : i32
        %add3A_304 = arith.addi %mul3A_302, %add3A_303 : i32
        %broadcast_in_dim3A_305 = vector.broadcast %add3A_304 : i32 to vector<16xi32>
        %gather3A_306 = tpu.vector_load_idx %arg17[%broadcast_in_dim3A_305] : memref<80xf32, #tpu.memory_space<vmem>>[vector<16xi32>], vector<16xf32>,
        %get3A_307 = arith.index_cast %add3A_304 : i32 to index
        %get3A_308 = arith.constant 0 : index
        %get3A_309 = tpu.vector_load %arg19[%get3A_307, %get3A_308] {strides = array<i32>} : memref<80x128xf32, #tpu.memory_space<vmem>>, vector<16xf32>,
        %mul3A_310 = arith.mulf %get3A_309, %gather3A_306 : vector<16xf32>
        %swap3A_311 = arith.index_cast %add3A_304 : i32 to index
        %swap3A_312 = arith.constant 0 : index
        %swap3A_313 = tpu.vector_load %arg19[%swap3A_311, %swap3A_312] {strides = array<i32>} : memref<80x128xf32, #tpu.memory_space<vmem>>, vector<16xf32>,
        tpu.vector_store %arg19[%swap3A_311, %swap3A_312], %mul3A_310 {strides = array<i32>} : memref<80x128xf32, #tpu.memory_space<vmem>>, vector<16xf32>,
        %get3A_314 = arith.index_cast %add3A_304 : i32 to index
        %get3A_315 = arith.constant 16 : index
        %get3A_316 = tpu.vector_load %arg19[%get3A_314, %get3A_315] {strides = array<i32>} : memref<80x128xf32, #tpu.memory_space<vmem>>, vector<16xf32>,
        %mul3A_317 = arith.mulf %get3A_316, %gather3A_306 : vector<16xf32>
        %swap3A_318 = arith.index_cast %add3A_304 : i32 to index
        %swap3A_319 = arith.constant 16 : index
        %swap3A_320 = tpu.vector_load %arg19[%swap3A_318, %swap3A_319] {strides = array<i32>} : memref<80x128xf32, #tpu.memory_space<vmem>>, vector<16xf32>,
        tpu.vector_store %arg19[%swap3A_318, %swap3A_319], %mul3A_317 {strides = array<i32>} : memref<80x128xf32, #tpu.memory_space<vmem>>, vector<16xf32>,
        %get3A_321 = arith.index_cast %add3A_304 : i32 to index
        %get3A_322 = arith.constant 32 : index
        %get3A_323 = tpu.vector_load %arg19[%get3A_321, %get3A_322] {strides = array<i32>} : memref<80x128xf32, #tpu.memory_space<vmem>>, vector<16xf32>,
        %mul3A_324 = arith.mulf %get3A_323, %gather3A_306 : vector<16xf32>
        %swap3A_325 = arith.index_cast %add3A_304 : i32 to index
        %swap3A_326 = arith.constant 32 : index
        %swap3A_327 = tpu.vector_load %arg19[%swap3A_325, %swap3A_326] {strides = array<i32>} : memref<80x128xf32, #tpu.memory_space<vmem>>, vector<16xf32>,
        tpu.vector_store %arg19[%swap3A_325, %swap3A_326], %mul3A_324 {strides = array<i32>} : memref<80x128xf32, #tpu.memory_space<vmem>>, vector<16xf32>,
        %get3A_328 = arith.index_cast %add3A_304 : i32 to index
        %get3A_329 = arith.constant 48 : index
        %get3A_330 = tpu.vector_load %arg19[%get3A_328, %get3A_329] {strides = array<i32>} : memref<80x128xf32, #tpu.memory_space<vmem>>, vector<16xf32>,
        %mul3A_331 = arith.mulf %get3A_330, %gather3A_306 : vector<16xf32>
        %swap3A_332 = arith.index_cast %add3A_304 : i32 to index
        %swap3A_333 = arith.constant 48 : index
        %swap3A_334 = tpu.vector_load %arg19[%swap3A_332, %swap3A_333] {strides = array<i32>} : memref<80x128xf32, #tpu.memory_space<vmem>>, vector<16xf32>,
        tpu.vector_store %arg19[%swap3A_332, %swap3A_333], %mul3A_331 {strides = array<i32>} : memref<80x128xf32, #tpu.memory_space<vmem>>, vector<16xf32>,
        %get3A_335 = arith.index_cast %add3A_304 : i32 to index
        %get3A_336 = arith.constant 64 : index
        %get3A_337 = tpu.vector_load %arg19[%get3A_335, %get3A_336] {strides = array<i32>} : memref<80x128xf32, #tpu.memory_space<vmem>>, vector<16xf32>,
        %mul3A_338 = arith.mulf %get3A_337, %gather3A_306 : vector<16xf32>
        %swap3A_339 = arith.index_cast %add3A_304 : i32 to index
        %swap3A_340 = arith.constant 64 : index
        %swap3A_341 = tpu.vector_load %arg19[%swap3A_339, %swap3A_340] {strides = array<i32>} : memref<80x128xf32, #tpu.memory_space<vmem>>, vector<16xf32>,
        tpu.vector_store %arg19[%swap3A_339, %swap3A_340], %mul3A_338 {strides = array<i32>} : memref<80x128xf32, #tpu.memory_space<vmem>>, vector<16xf32>,
        %get3A_342 = arith.index_cast %add3A_304 : i32 to index
        %get3A_343 = arith.constant 80 : index
        %get3A_344 = tpu.vector_load %arg19[%get3A_342, %get3A_343] {strides = array<i32>} : memref<80x128xf32, #tpu.memory_space<vmem>>, vector<16xf32>,
        %mul3A_345 = arith.mulf %get3A_344, %gather3A_306 : vector<16xf32>
        %swap3A_346 = arith.index_cast %add3A_304 : i32 to index
        %swap3A_347 = arith.constant 80 : index
        %swap3A_348 = tpu.vector_load %arg19[%swap3A_346, %swap3A_347] {strides = array<i32>} : memref<80x128xf32, #tpu.memory_space<vmem>>, vector<16xf32>,
        tpu.vector_store %arg19[%swap3A_346, %swap3A_347], %mul3A_345 {strides = array<i32>} : memref<80x128xf32, #tpu.memory_space<vmem>>, vector<16xf32>,
        %get3A_349 = arith.index_cast %add3A_304 : i32 to index
        %get3A_350 = arith.constant 96 : index
        %get3A_351 = tpu.vector_load %arg19[%get3A_349, %get3A_350] {strides = array<i32>} : memref<80x128xf32, #tpu.memory_space<vmem>>, vector<16xf32>,
        %mul3A_352 = arith.mulf %get3A_351, %gather3A_306 : vector<16xf32>
        %swap3A_353 = arith.index_cast %add3A_304 : i32 to index
        %swap3A_354 = arith.constant 96 : index
        %swap3A_355 = tpu.vector_load %arg19[%swap3A_353, %swap3A_354] {strides = array<i32>} : memref<80x128xf32, #tpu.memory_space<vmem>>, vector<16xf32>,
        tpu.vector_store %arg19[%swap3A_353, %swap3A_354], %mul3A_352 {strides = array<i32>} : memref<80x128xf32, #tpu.memory_space<vmem>>, vector<16xf32>,
        %get3A_356 = arith.index_cast %add3A_304 : i32 to index
        %get3A_357 = arith.constant 112 : index
        %get3A_358 = tpu.vector_load %arg19[%get3A_356, %get3A_357] {strides = array<i32>} : memref<80x128xf32, #tpu.memory_space<vmem>>, vector<16xf32>,
        %mul3A_359 = arith.mulf %get3A_358, %gather3A_306 : vector<16xf32>
        %swap3A_360 = arith.index_cast %add3A_304 : i32 to index
        %swap3A_361 = arith.constant 112 : index
        %swap3A_362 = tpu.vector_load %arg19[%swap3A_360, %swap3A_361] {strides = array<i32>} : memref<80x128xf32, #tpu.memory_space<vmem>>, vector<16xf32>,
        tpu.vector_store %arg19[%swap3A_360, %swap3A_361], %mul3A_359 {strides = array<i32>} : memref<80x128xf32, #tpu.memory_space<vmem>>, vector<16xf32>,
        %mul3A_363 = arith.constant 5 : i32
        %mul3A_364 = arith.muli %scan3A_241, %mul3A_363 : i32
        %add3A_365 = arith.constant 2 : i32
        %add3A_366 = arith.addi %mul3A_364, %add3A_365 : i32
        %broadcast_in_dim3A_367 = vector.broadcast %add3A_366 : i32 to vector<16xi32>
        %gather3A_368 = tpu.vector_load_idx %arg17[%broadcast_in_dim3A_367] : memref<80xf32, #tpu.memory_space<vmem>>[vector<16xi32>], vector<16xf32>,
        %get3A_369 = arith.index_cast %add3A_366 : i32 to index
        %get3A_370 = arith.constant 0 : index
        %get3A_371 = tpu.vector_load %arg19[%get3A_369, %get3A_370] {strides = array<i32>} : memref<80x128xf32, #tpu.memory_space<vmem>>, vector<16xf32>,
        %mul3A_372 = arith.mulf %get3A_371, %gather3A_368 : vector<16xf32>
        %swap3A_373 = arith.index_cast %add3A_366 : i32 to index
        %swap3A_374 = arith.constant 0 : index
        %swap3A_375 = tpu.vector_load %arg19[%swap3A_373, %swap3A_374] {strides = array<i32>} : memref<80x128xf32, #tpu.memory_space<vmem>>, vector<16xf32>,
        tpu.vector_store %arg19[%swap3A_373, %swap3A_374], %mul3A_372 {strides = array<i32>} : memref<80x128xf32, #tpu.memory_space<vmem>>, vector<16xf32>,
        %get3A_376 = arith.index_cast %add3A_366 : i32 to index
        %get3A_377 = arith.constant 16 : index
        %get3A_378 = tpu.vector_load %arg19[%get3A_376, %get3A_377] {strides = array<i32>} : memref<80x128xf32, #tpu.memory_space<vmem>>, vector<16xf32>,
        %mul3A_379 = arith.mulf %get3A_378, %gather3A_368 : vector<16xf32>
        %swap3A_380 = arith.index_cast %add3A_366 : i32 to index
        %swap3A_381 = arith.constant 16 : index
        %swap3A_382 = tpu.vector_load %arg19[%swap3A_380, %swap3A_381] {strides = array<i32>} : memref<80x128xf32, #tpu.memory_space<vmem>>, vector<16xf32>,
        tpu.vector_store %arg19[%swap3A_380, %swap3A_381], %mul3A_379 {strides = array<i32>} : memref<80x128xf32, #tpu.memory_space<vmem>>, vector<16xf32>,
        %get3A_383 = arith.index_cast %add3A_366 : i32 to index
        %get3A_384 = arith.constant 32 : index
        %get3A_385 = tpu.vector_load %arg19[%get3A_383, %get3A_384] {strides = array<i32>} : memref<80x128xf32, #tpu.memory_space<vmem>>, vector<16xf32>,
        %mul3A_386 = arith.mulf %get3A_385, %gather3A_368 : vector<16xf32>
        %swap3A_387 = arith.index_cast %add3A_366 : i32 to index
        %swap3A_388 = arith.constant 32 : index
        %swap3A_389 = tpu.vector_load %arg19[%swap3A_387, %swap3A_388] {strides = array<i32>} : memref<80x128xf32, #tpu.memory_space<vmem>>, vector<16xf32>,
        tpu.vector_store %arg19[%swap3A_387, %swap3A_388], %mul3A_386 {strides = array<i32>} : memref<80x128xf32, #tpu.memory_space<vmem>>, vector<16xf32>,
        %get3A_390 = arith.index_cast %add3A_366 : i32 to index
        %get3A_391 = arith.constant 48 : index
        %get3A_392 = tpu.vector_load %arg19[%get3A_390, %get3A_391] {strides = array<i32>} : memref<80x128xf32, #tpu.memory_space<vmem>>, vector<16xf32>,
        %mul3A_393 = arith.mulf %get3A_392, %gather3A_368 : vector<16xf32>
        %swap3A_394 = arith.index_cast %add3A_366 : i32 to index
        %swap3A_395 = arith.constant 48 : index
        %swap3A_396 = tpu.vector_load %arg19[%swap3A_394, %swap3A_395] {strides = array<i32>} : memref<80x128xf32, #tpu.memory_space<vmem>>, vector<16xf32>,
        tpu.vector_store %arg19[%swap3A_394, %swap3A_395], %mul3A_393 {strides = array<i32>} : memref<80x128xf32, #tpu.memory_space<vmem>>, vector<16xf32>,
        %get3A_397 = arith.index_cast %add3A_366 : i32 to index
        %get3A_398 = arith.constant 64 : index
        %get3A_399 = tpu.vector_load %arg19[%get3A_397, %get3A_398] {strides = array<i32>} : memref<80x128xf32, #tpu.memory_space<vmem>>, vector<16xf32>,
        %mul3A_400 = arith.mulf %get3A_399, %gather3A_368 : vector<16xf32>
        %swap3A_401 = arith.index_cast %add3A_366 : i32 to index
        %swap3A_402 = arith.constant 64 : index
        %swap3A_403 = tpu.vector_load %arg19[%swap3A_401, %swap3A_402] {strides = array<i32>} : memref<80x128xf32, #tpu.memory_space<vmem>>, vector<16xf32>,
        tpu.vector_store %arg19[%swap3A_401, %swap3A_402], %mul3A_400 {strides = array<i32>} : memref<80x128xf32, #tpu.memory_space<vmem>>, vector<16xf32>,
        %get3A_404 = arith.index_cast %add3A_366 : i32 to index
        %get3A_405 = arith.constant 80 : index
        %get3A_406 = tpu.vector_load %arg19[%get3A_404, %get3A_405] {strides = array<i32>} : memref<80x128xf32, #tpu.memory_space<vmem>>, vector<16xf32>,
        %mul3A_407 = arith.mulf %get3A_406, %gather3A_368 : vector<16xf32>
        %swap3A_408 = arith.index_cast %add3A_366 : i32 to index
        %swap3A_409 = arith.constant 80 : index
        %swap3A_410 = tpu.vector_load %arg19[%swap3A_408, %swap3A_409] {strides = array<i32>} : memref<80x128xf32, #tpu.memory_space<vmem>>, vector<16xf32>,
        tpu.vector_store %arg19[%swap3A_408, %swap3A_409], %mul3A_407 {strides = array<i32>} : memref<80x128xf32, #tpu.memory_space<vmem>>, vector<16xf32>,
        %get3A_411 = arith.index_cast %add3A_366 : i32 to index
        %get3A_412 = arith.constant 96 : index
        %get3A_413 = tpu.vector_load %arg19[%get3A_411, %get3A_412] {strides = array<i32>} : memref<80x128xf32, #tpu.memory_space<vmem>>, vector<16xf32>,
        %mul3A_414 = arith.mulf %get3A_413, %gather3A_368 : vector<16xf32>
        %swap3A_415 = arith.index_cast %add3A_366 : i32 to index
        %swap3A_416 = arith.constant 96 : index
        %swap3A_417 = tpu.vector_load %arg19[%swap3A_415, %swap3A_416] {strides = array<i32>} : memref<80x128xf32, #tpu.memory_space<vmem>>, vector<16xf32>,
        tpu.vector_store %arg19[%swap3A_415, %swap3A_416], %mul3A_414 {strides = array<i32>} : memref<80x128xf32, #tpu.memory_space<vmem>>, vector<16xf32>,
        %get3A_418 = arith.index_cast %add3A_366 : i32 to index
        %get3A_419 = arith.constant 112 : index
        %get3A_420 = tpu.vector_load %arg19[%get3A_418, %get3A_419] {strides = array<i32>} : memref<80x128xf32, #tpu.memory_space<vmem>>, vector<16xf32>,
        %mul3A_421 = arith.mulf %get3A_420, %gather3A_368 : vector<16xf32>
        %swap3A_422 = arith.index_cast %add3A_366 : i32 to index
        %swap3A_423 = arith.constant 112 : index
        %swap3A_424 = tpu.vector_load %arg19[%swap3A_422, %swap3A_423] {strides = array<i32>} : memref<80x128xf32, #tpu.memory_space<vmem>>, vector<16xf32>,
        tpu.vector_store %arg19[%swap3A_422, %swap3A_423], %mul3A_421 {strides = array<i32>} : memref<80x128xf32, #tpu.memory_space<vmem>>, vector<16xf32>,
        %mul3A_425 = arith.constant 5 : i32
        %mul3A_426 = arith.muli %scan3A_241, %mul3A_425 : i32
        %add3A_427 = arith.constant 3 : i32
        %add3A_428 = arith.addi %mul3A_426, %add3A_427 : i32
        %broadcast_in_dim3A_429 = vector.broadcast %add3A_428 : i32 to vector<16xi32>
        %gather3A_430 = tpu.vector_load_idx %arg17[%broadcast_in_dim3A_429] : memref<80xf32, #tpu.memory_space<vmem>>[vector<16xi32>], vector<16xf32>,
        %get3A_431 = arith.index_cast %add3A_428 : i32 to index
        %get3A_432 = arith.constant 0 : index
        %get3A_433 = tpu.vector_load %arg19[%get3A_431, %get3A_432] {strides = array<i32>} : memref<80x128xf32, #tpu.memory_space<vmem>>, vector<16xf32>,
        %mul3A_434 = arith.mulf %get3A_433, %gather3A_430 : vector<16xf32>
        %swap3A_435 = arith.index_cast %add3A_428 : i32 to index
        %swap3A_436 = arith.constant 0 : index
        %swap3A_437 = tpu.vector_load %arg19[%swap3A_435, %swap3A_436] {strides = array<i32>} : memref<80x128xf32, #tpu.memory_space<vmem>>, vector<16xf32>,
        tpu.vector_store %arg19[%swap3A_435, %swap3A_436], %mul3A_434 {strides = array<i32>} : memref<80x128xf32, #tpu.memory_space<vmem>>, vector<16xf32>,
        %get3A_438 = arith.index_cast %add3A_428 : i32 to index
        %get3A_439 = arith.constant 16 : index
        %get3A_440 = tpu.vector_load %arg19[%get3A_438, %get3A_439] {strides = array<i32>} : memref<80x128xf32, #tpu.memory_space<vmem>>, vector<16xf32>,
        %mul3A_441 = arith.mulf %get3A_440, %gather3A_430 : vector<16xf32>
        %swap3A_442 = arith.index_cast %add3A_428 : i32 to index
        %swap3A_443 = arith.constant 16 : index
        %swap3A_444 = tpu.vector_load %arg19[%swap3A_442, %swap3A_443] {strides = array<i32>} : memref<80x128xf32, #tpu.memory_space<vmem>>, vector<16xf32>,
        tpu.vector_store %arg19[%swap3A_442, %swap3A_443], %mul3A_441 {strides = array<i32>} : memref<80x128xf32, #tpu.memory_space<vmem>>, vector<16xf32>,
        %get3A_445 = arith.index_cast %add3A_428 : i32 to index
        %get3A_446 = arith.constant 32 : index
        %get3A_447 = tpu.vector_load %arg19[%get3A_445, %get3A_446] {strides = array<i32>} : memref<80x128xf32, #tpu.memory_space<vmem>>, vector<16xf32>,
        %mul3A_448 = arith.mulf %get3A_447, %gather3A_430 : vector<16xf32>
        %swap3A_449 = arith.index_cast %add3A_428 : i32 to index
        %swap3A_450 = arith.constant 32 : index
        %swap3A_451 = tpu.vector_load %arg19[%swap3A_449, %swap3A_450] {strides = array<i32>} : memref<80x128xf32, #tpu.memory_space<vmem>>, vector<16xf32>,
        tpu.vector_store %arg19[%swap3A_449, %swap3A_450], %mul3A_448 {strides = array<i32>} : memref<80x128xf32, #tpu.memory_space<vmem>>, vector<16xf32>,
        %get3A_452 = arith.index_cast %add3A_428 : i32 to index
        %get3A_453 = arith.constant 48 : index
        %get3A_454 = tpu.vector_load %arg19[%get3A_452, %get3A_453] {strides = array<i32>} : memref<80x128xf32, #tpu.memory_space<vmem>>, vector<16xf32>,
        %mul3A_455 = arith.mulf %get3A_454, %gather3A_430 : vector<16xf32>
        %swap3A_456 = arith.index_cast %add3A_428 : i32 to index
        %swap3A_457 = arith.constant 48 : index
        %swap3A_458 = tpu.vector_load %arg19[%swap3A_456, %swap3A_457] {strides = array<i32>} : memref<80x128xf32, #tpu.memory_space<vmem>>, vector<16xf32>,
        tpu.vector_store %arg19[%swap3A_456, %swap3A_457], %mul3A_455 {strides = array<i32>} : memref<80x128xf32, #tpu.memory_space<vmem>>, vector<16xf32>,
        %get3A_459 = arith.index_cast %add3A_428 : i32 to index
        %get3A_460 = arith.constant 64 : index
        %get3A_461 = tpu.vector_load %arg19[%get3A_459, %get3A_460] {strides = array<i32>} : memref<80x128xf32, #tpu.memory_space<vmem>>, vector<16xf32>,
        %mul3A_462 = arith.mulf %get3A_461, %gather3A_430 : vector<16xf32>
        %swap3A_463 = arith.index_cast %add3A_428 : i32 to index
        %swap3A_464 = arith.constant 64 : index
        %swap3A_465 = tpu.vector_load %arg19[%swap3A_463, %swap3A_464] {strides = array<i32>} : memref<80x128xf32, #tpu.memory_space<vmem>>, vector<16xf32>,
        tpu.vector_store %arg19[%swap3A_463, %swap3A_464], %mul3A_462 {strides = array<i32>} : memref<80x128xf32, #tpu.memory_space<vmem>>, vector<16xf32>,
        %get3A_466 = arith.index_cast %add3A_428 : i32 to index
        %get3A_467 = arith.constant 80 : index
        %get3A_468 = tpu.vector_load %arg19[%get3A_466, %get3A_467] {strides = array<i32>} : memref<80x128xf32, #tpu.memory_space<vmem>>, vector<16xf32>,
        %mul3A_469 = arith.mulf %get3A_468, %gather3A_430 : vector<16xf32>
        %swap3A_470 = arith.index_cast %add3A_428 : i32 to index
        %swap3A_471 = arith.constant 80 : index
        %swap3A_472 = tpu.vector_load %arg19[%swap3A_470, %swap3A_471] {strides = array<i32>} : memref<80x128xf32, #tpu.memory_space<vmem>>, vector<16xf32>,
        tpu.vector_store %arg19[%swap3A_470, %swap3A_471], %mul3A_469 {strides = array<i32>} : memref<80x128xf32, #tpu.memory_space<vmem>>, vector<16xf32>,
        %get3A_473 = arith.index_cast %add3A_428 : i32 to index
        %get3A_474 = arith.constant 96 : index
        %get3A_475 = tpu.vector_load %arg19[%get3A_473, %get3A_474] {strides = array<i32>} : memref<80x128xf32, #tpu.memory_space<vmem>>, vector<16xf32>,
        %mul3A_476 = arith.mulf %get3A_475, %gather3A_430 : vector<16xf32>
        %swap3A_477 = arith.index_cast %add3A_428 : i32 to index
        %swap3A_478 = arith.constant 96 : index
        %swap3A_479 = tpu.vector_load %arg19[%swap3A_477, %swap3A_478] {strides = array<i32>} : memref<80x128xf32, #tpu.memory_space<vmem>>, vector<16xf32>,
        tpu.vector_store %arg19[%swap3A_477, %swap3A_478], %mul3A_476 {strides = array<i32>} : memref<80x128xf32, #tpu.memory_space<vmem>>, vector<16xf32>,
        %get3A_480 = arith.index_cast %add3A_428 : i32 to index
        %get3A_481 = arith.constant 112 : index
        %get3A_482 = tpu.vector_load %arg19[%get3A_480, %get3A_481] {strides = array<i32>} : memref<80x128xf32, #tpu.memory_space<vmem>>, vector<16xf32>,
        %mul3A_483 = arith.mulf %get3A_482, %gather3A_430 : vector<16xf32>
        %swap3A_484 = arith.index_cast %add3A_428 : i32 to index
        %swap3A_485 = arith.constant 112 : index
        %swap3A_486 = tpu.vector_load %arg19[%swap3A_484, %swap3A_485] {strides = array<i32>} : memref<80x128xf32, #tpu.memory_space<vmem>>, vector<16xf32>,
        tpu.vector_store %arg19[%swap3A_484, %swap3A_485], %mul3A_483 {strides = array<i32>} : memref<80x128xf32, #tpu.memory_space<vmem>>, vector<16xf32>,
        %mul3A_487 = arith.constant 5 : i32
        %mul3A_488 = arith.muli %scan3A_241, %mul3A_487 : i32
        %add3A_489 = arith.constant 4 : i32
        %add3A_490 = arith.addi %mul3A_488, %add3A_489 : i32
        %broadcast_in_dim3A_491 = vector.broadcast %add3A_490 : i32 to vector<16xi32>
        %gather3A_492 = tpu.vector_load_idx %arg17[%broadcast_in_dim3A_491] : memref<80xf32, #tpu.memory_space<vmem>>[vector<16xi32>], vector<16xf32>,
        %get3A_493 = arith.index_cast %add3A_490 : i32 to index
        %get3A_494 = arith.constant 0 : index
        %get3A_495 = tpu.vector_load %arg19[%get3A_493, %get3A_494] {strides = array<i32>} : memref<80x128xf32, #tpu.memory_space<vmem>>, vector<16xf32>,
        %mul3A_496 = arith.mulf %get3A_495, %gather3A_492 : vector<16xf32>
        %swap3A_497 = arith.index_cast %add3A_490 : i32 to index
        %swap3A_498 = arith.constant 0 : index
        %swap3A_499 = tpu.vector_load %arg19[%swap3A_497, %swap3A_498] {strides = array<i32>} : memref<80x128xf32, #tpu.memory_space<vmem>>, vector<16xf32>,
        tpu.vector_store %arg19[%swap3A_497, %swap3A_498], %mul3A_496 {strides = array<i32>} : memref<80x128xf32, #tpu.memory_space<vmem>>, vector<16xf32>,
        %get3A_500 = arith.index_cast %add3A_490 : i32 to index
        %get3A_501 = arith.constant 16 : index
        %get3A_502 = tpu.vector_load %arg19[%get3A_500, %get3A_501] {strides = array<i32>} : memref<80x128xf32, #tpu.memory_space<vmem>>, vector<16xf32>,
        %mul3A_503 = arith.mulf %get3A_502, %gather3A_492 : vector<16xf32>
        %swap3A_504 = arith.index_cast %add3A_490 : i32 to index
        %swap3A_505 = arith.constant 16 : index
        %swap3A_506 = tpu.vector_load %arg19[%swap3A_504, %swap3A_505] {strides = array<i32>} : memref<80x128xf32, #tpu.memory_space<vmem>>, vector<16xf32>,
        tpu.vector_store %arg19[%swap3A_504, %swap3A_505], %mul3A_503 {strides = array<i32>} : memref<80x128xf32, #tpu.memory_space<vmem>>, vector<16xf32>,
        %get3A_507 = arith.index_cast %add3A_490 : i32 to index
        %get3A_508 = arith.constant 32 : index
        %get3A_509 = tpu.vector_load %arg19[%get3A_507, %get3A_508] {strides = array<i32>} : memref<80x128xf32, #tpu.memory_space<vmem>>, vector<16xf32>,
        %mul3A_510 = arith.mulf %get3A_509, %gather3A_492 : vector<16xf32>
        %swap3A_511 = arith.index_cast %add3A_490 : i32 to index
        %swap3A_512 = arith.constant 32 : index
        %swap3A_513 = tpu.vector_load %arg19[%swap3A_511, %swap3A_512] {strides = array<i32>} : memref<80x128xf32, #tpu.memory_space<vmem>>, vector<16xf32>,
        tpu.vector_store %arg19[%swap3A_511, %swap3A_512], %mul3A_510 {strides = array<i32>} : memref<80x128xf32, #tpu.memory_space<vmem>>, vector<16xf32>,
        %get3A_514 = arith.index_cast %add3A_490 : i32 to index
        %get3A_515 = arith.constant 48 : index
        %get3A_516 = tpu.vector_load %arg19[%get3A_514, %get3A_515] {strides = array<i32>} : memref<80x128xf32, #tpu.memory_space<vmem>>, vector<16xf32>,
        %mul3A_517 = arith.mulf %get3A_516, %gather3A_492 : vector<16xf32>
        %swap3A_518 = arith.index_cast %add3A_490 : i32 to index
        %swap3A_519 = arith.constant 48 : index
        %swap3A_520 = tpu.vector_load %arg19[%swap3A_518, %swap3A_519] {strides = array<i32>} : memref<80x128xf32, #tpu.memory_space<vmem>>, vector<16xf32>,
        tpu.vector_store %arg19[%swap3A_518, %swap3A_519], %mul3A_517 {strides = array<i32>} : memref<80x128xf32, #tpu.memory_space<vmem>>, vector<16xf32>,
        %get3A_521 = arith.index_cast %add3A_490 : i32 to index
        %get3A_522 = arith.constant 64 : index
        %get3A_523 = tpu.vector_load %arg19[%get3A_521, %get3A_522] {strides = array<i32>} : memref<80x128xf32, #tpu.memory_space<vmem>>, vector<16xf32>,
        %mul3A_524 = arith.mulf %get3A_523, %gather3A_492 : vector<16xf32>
        %swap3A_525 = arith.index_cast %add3A_490 : i32 to index
        %swap3A_526 = arith.constant 64 : index
        %swap3A_527 = tpu.vector_load %arg19[%swap3A_525, %swap3A_526] {strides = array<i32>} : memref<80x128xf32, #tpu.memory_space<vmem>>, vector<16xf32>,
        tpu.vector_store %arg19[%swap3A_525, %swap3A_526], %mul3A_524 {strides = array<i32>} : memref<80x128xf32, #tpu.memory_space<vmem>>, vector<16xf32>,
        %get3A_528 = arith.index_cast %add3A_490 : i32 to index
        %get3A_529 = arith.constant 80 : index
        %get3A_530 = tpu.vector_load %arg19[%get3A_528, %get3A_529] {strides = array<i32>} : memref<80x128xf32, #tpu.memory_space<vmem>>, vector<16xf32>,
        %mul3A_531 = arith.mulf %get3A_530, %gather3A_492 : vector<16xf32>
        %swap3A_532 = arith.index_cast %add3A_490 : i32 to index
        %swap3A_533 = arith.constant 80 : index
        %swap3A_534 = tpu.vector_load %arg19[%swap3A_532, %swap3A_533] {strides = array<i32>} : memref<80x128xf32, #tpu.memory_space<vmem>>, vector<16xf32>,
        tpu.vector_store %arg19[%swap3A_532, %swap3A_533], %mul3A_531 {strides = array<i32>} : memref<80x128xf32, #tpu.memory_space<vmem>>, vector<16xf32>,
        %get3A_535 = arith.index_cast %add3A_490 : i32 to index
        %get3A_536 = arith.constant 96 : index
        %get3A_537 = tpu.vector_load %arg19[%get3A_535, %get3A_536] {strides = array<i32>} : memref<80x128xf32, #tpu.memory_space<vmem>>, vector<16xf32>,
        %mul3A_538 = arith.mulf %get3A_537, %gather3A_492 : vector<16xf32>
        %swap3A_539 = arith.index_cast %add3A_490 : i32 to index
        %swap3A_540 = arith.constant 96 : index
        %swap3A_541 = tpu.vector_load %arg19[%swap3A_539, %swap3A_540] {strides = array<i32>} : memref<80x128xf32, #tpu.memory_space<vmem>>, vector<16xf32>,
        tpu.vector_store %arg19[%swap3A_539, %swap3A_540], %mul3A_538 {strides = array<i32>} : memref<80x128xf32, #tpu.memory_space<vmem>>, vector<16xf32>,
        %get3A_542 = arith.index_cast %add3A_490 : i32 to index
        %get3A_543 = arith.constant 112 : index
        %get3A_544 = tpu.vector_load %arg19[%get3A_542, %get3A_543] {strides = array<i32>} : memref<80x128xf32, #tpu.memory_space<vmem>>, vector<16xf32>,
        %mul3A_545 = arith.mulf %get3A_544, %gather3A_492 : vector<16xf32>
        %swap3A_546 = arith.index_cast %add3A_490 : i32 to index
        %swap3A_547 = arith.constant 112 : index
        %swap3A_548 = tpu.vector_load %arg19[%swap3A_546, %swap3A_547] {strides = array<i32>} : memref<80x128xf32, #tpu.memory_space<vmem>>, vector<16xf32>,
        tpu.vector_store %arg19[%swap3A_546, %swap3A_547], %mul3A_545 {strides = array<i32>} : memref<80x128xf32, #tpu.memory_space<vmem>>, vector<16xf32>,
        %scan3A_549 = arith.constant 0 : i32
        scf.yield %scan3A_549 : i32
      }
      %scan3A_170 = arith.constant 16 : i32
      %dma_start3A_171 = arith.constant 0 : i32
      %dma_start3A_172 = arith.constant 0 : i32
      %dma_start3A_173 = tpu.memref_slice %arg22[%dma_start3A_171, %dma_start3A_172] : memref<10000x128xf32, #tpu.memory_space<vmem_shared>> -> memref<10000x128xf32, #tpu.memory_space<vmem_shared>>
      tpu.enqueue_indirect_dma source(%arg19 : memref<80x128xf32, #tpu.memory_space<vmem>>) target(%dma_start3A_173 : memref<10000x128xf32, #tpu.memory_space<vmem_shared>>) offsets(%arg11 : memref<80xi32, #tpu.memory_space<vmem>>) semaphore(%arg29 : memref<!tpu.dma_semaphore, #tpu.memory_space<semaphore_mem>>) {add = true}
      %mul3A_174 = arith.constant 80 : i32
      %mul3A_175 = arith.muli %add3A_140, %mul3A_174 : i32
      %add3A_176 = arith.addi %add3A, %mul3A_175 : i32
      %dma_wait3A_177 = tpu.memref_slice %arg3[%add3A_176] : memref<320000xi32, #tpu.memory_space<hbm>> -> memref<80xi32, #tpu.memory_space<hbm>>
      %dma_wait3A_178 = tpu.memref_slice %arg3[%add3A_176] : memref<320000xi32, #tpu.memory_space<hbm>> -> memref<80xi32, #tpu.memory_space<hbm>>
      tpu.wait_dma2 semaphore(%arg26 : memref<!tpu.dma_semaphore, #tpu.memory_space<semaphore_mem>>) src(%dma_wait3A_178 : memref<80xi32, #tpu.memory_space<hbm>>) dst(%arg12 : memref<80xi32, #tpu.memory_space<vmem>>)
      %dma_wait3A_179 = tpu.memref_slice %arg4[%add3A_176] : memref<320000xf32, #tpu.memory_space<hbm>> -> memref<80xf32, #tpu.memory_space<hbm>>
      %dma_wait3A_180 = tpu.memref_slice %arg4[%add3A_176] : memref<320000xf32, #tpu.memory_space<hbm>> -> memref<80xf32, #tpu.memory_space<hbm>>
      tpu.wait_dma2 semaphore(%arg26 : memref<!tpu.dma_semaphore, #tpu.memory_space<semaphore_mem>>) src(%dma_wait3A_180 : memref<80xf32, #tpu.memory_space<hbm>>) dst(%arg16 : memref<80xf32, #tpu.memory_space<vmem>>)
      %scan3A_181 = arith.constant 0 : i32
      %scan3A_182 = arith.constant 0 : i32
      %scan3A_183 = arith.constant 5 : i32
      %scan3A_184 = arith.addi %scan3A_182, %scan3A_183 : i32
      %scan3A_185 = arith.constant 1 : i32
      %scan3A_186 = scf.for %scan3A_241 = %scan3A_182 to %scan3A_184 step %scan3A_185 iter_args(%scan3A_242 = %scan3A_181) -> (i32)  : i32 {
        %mul3A_243 = arith.constant 16 : i32
        %mul3A_244 = arith.muli %scan3A_241, %mul3A_243 : i32
        %get3A = arith.index_cast %mul3A_244 : i32 to index
        %get3A_245 = tpu.vector_load %arg12[%get3A] {strides = array<i32>} : memref<80xi32, #tpu.memory_space<vmem>>, vector<16xi32>,
        %gather3A = tpu.vector_load_idx %arg8[%get3A_245] : memref<10000xf32, #tpu.memory_space<vmem>>[vector<16xi32>], vector<16xf32>,
        %mul3A_246 = arith.constant 16 : i32
        %mul3A_247 = arith.muli %scan3A_241, %mul3A_246 : i32
        %get3A_248 = arith.index_cast %mul3A_247 : i32 to index
        %get3A_249 = tpu.vector_load %arg16[%get3A_248] {strides = array<i32>} : memref<80xf32, #tpu.memory_space<vmem>>, vector<16xf32>,
        %mul3A_250 = arith.mulf %get3A_249, %gather3A : vector<16xf32>
        %mul3A_251 = arith.constant 16 : i32
        %mul3A_252 = arith.muli %scan3A_241, %mul3A_251 : i32
        %swap3A = arith.index_cast %mul3A_252 : i32 to index
        %swap3A_253 = tpu.vector_load %arg18[%swap3A] {strides = array<i32>} : memref<80xf32, #tpu.memory_space<vmem>>, vector<16xf32>,
        tpu.vector_store %arg18[%swap3A], %mul3A_250 {strides = array<i32>} : memref<80xf32, #tpu.memory_space<vmem>>, vector<16xf32>,
        %scan3A_254 = arith.constant 0 : i32
        scf.yield %scan3A_254 : i32
      }
      %scan3A_187 = arith.constant 5 : i32
      %dma_wait3A_188 = arith.constant 0 : i32
      %dma_wait3A_189 = arith.constant 0 : i32
      %dma_wait3A_190 = tpu.memref_slice %arg5[%dma_wait3A_188, %dma_wait3A_189] : memref<10000x128xf32, #tpu.memory_space<hbm>> -> memref<10000x128xf32, #tpu.memory_space<hbm>>
      tpu.wait_indirect_dma semaphore(%arg24 : memref<!tpu.dma_semaphore, #tpu.memory_space<semaphore_mem>>) src(%dma_wait3A_190 : memref<10000x128xf32, #tpu.memory_space<hbm>>) dst(%arg20 : memref<80x128xf32, #tpu.memory_space<vmem>>)
      %add3A_191 = arith.constant 2 : i32
      %add3A_192 = arith.addi %add3A_140, %add3A_191 : i32
      %lt3A_193 = arith.constant 125 : i32
      %lt3A_194 = arith.cmpi slt, %add3A_192, %lt3A_193 : i32
      %convert_element_type3A_195 = arith.extui %lt3A_194 : i1 to i32
      %cond3A_196 = arith.constant 0 : i32
      %cond3A_197 = arith.cmpi ne, %convert_element_type3A_195, %cond3A_196 : i32
      scf.if %cond3A_197 {
        %add3A_241 = arith.constant 2 : i32
        %add3A_242 = arith.addi %add3A_140, %add3A_241 : i32
        %mul3A_243 = arith.constant 80 : i32
        %mul3A_244 = arith.muli %add3A_242, %mul3A_243 : i32
        %add3A_245 = arith.addi %add3A, %mul3A_244 : i32
        %dma_start3A_246 = tpu.memref_slice %arg2[%add3A_245] : memref<320000xi32, #tpu.memory_space<hbm>> -> memref<80xi32, #tpu.memory_space<hbm>>
        %dma_start3A_247 = tpu.memref_slice %arg2[%add3A_245] : memref<320000xi32, #tpu.memory_space<hbm>> -> memref<80xi32, #tpu.memory_space<hbm>>
        tpu.enqueue_dma source(%dma_start3A_247 : memref<80xi32, #tpu.memory_space<hbm>>) target(%arg10 : memref<80xi32, #tpu.memory_space<vmem>>) target_semaphore(%arg28 : memref<!tpu.dma_semaphore, #tpu.memory_space<semaphore_mem>>)
      } else {
      }
      %scan3A_198 = arith.constant 0 : i32
      %scan3A_199 = arith.constant 0 : i32
      %scan3A_200 = arith.constant 16 : i32
      %scan3A_201 = arith.addi %scan3A_199, %scan3A_200 : i32
      %scan3A_202 = arith.constant 1 : i32
      %scan3A_203 = scf.for %scan3A_241 = %scan3A_199 to %scan3A_201 step %scan3A_202 iter_args(%scan3A_242 = %scan3A_198) -> (i32)  : i32 {
        %mul3A_243 = arith.constant 5 : i32
        %mul3A_244 = arith.muli %scan3A_241, %mul3A_243 : i32
        %add3A_245 = arith.constant 0 : i32
        %add3A_246 = arith.addi %mul3A_244, %add3A_245 : i32
        %broadcast_in_dim3A = vector.broadcast %add3A_246 : i32 to vector<16xi32>
        %gather3A = tpu.vector_load_idx %arg18[%broadcast_in_dim3A] : memref<80xf32, #tpu.memory_space<vmem>>[vector<16xi32>], vector<16xf32>,
        %get3A = arith.index_cast %add3A_246 : i32 to index
        %get3A_247 = arith.constant 0 : index
        %get3A_248 = tpu.vector_load %arg20[%get3A, %get3A_247] {strides = array<i32>} : memref<80x128xf32, #tpu.memory_space<vmem>>, vector<16xf32>,
        %mul3A_249 = arith.mulf %get3A_248, %gather3A : vector<16xf32>
        %swap3A = arith.index_cast %add3A_246 : i32 to index
        %swap3A_250 = arith.constant 0 : index
        %swap3A_251 = tpu.vector_load %arg20[%swap3A, %swap3A_250] {strides = array<i32>} : memref<80x128xf32, #tpu.memory_space<vmem>>, vector<16xf32>,
        tpu.vector_store %arg20[%swap3A, %swap3A_250], %mul3A_249 {strides = array<i32>} : memref<80x128xf32, #tpu.memory_space<vmem>>, vector<16xf32>,
        %get3A_252 = arith.index_cast %add3A_246 : i32 to index
        %get3A_253 = arith.constant 16 : index
        %get3A_254 = tpu.vector_load %arg20[%get3A_252, %get3A_253] {strides = array<i32>} : memref<80x128xf32, #tpu.memory_space<vmem>>, vector<16xf32>,
        %mul3A_255 = arith.mulf %get3A_254, %gather3A : vector<16xf32>
        %swap3A_256 = arith.index_cast %add3A_246 : i32 to index
        %swap3A_257 = arith.constant 16 : index
        %swap3A_258 = tpu.vector_load %arg20[%swap3A_256, %swap3A_257] {strides = array<i32>} : memref<80x128xf32, #tpu.memory_space<vmem>>, vector<16xf32>,
        tpu.vector_store %arg20[%swap3A_256, %swap3A_257], %mul3A_255 {strides = array<i32>} : memref<80x128xf32, #tpu.memory_space<vmem>>, vector<16xf32>,
        %get3A_259 = arith.index_cast %add3A_246 : i32 to index
        %get3A_260 = arith.constant 32 : index
        %get3A_261 = tpu.vector_load %arg20[%get3A_259, %get3A_260] {strides = array<i32>} : memref<80x128xf32, #tpu.memory_space<vmem>>, vector<16xf32>,
        %mul3A_262 = arith.mulf %get3A_261, %gather3A : vector<16xf32>
        %swap3A_263 = arith.index_cast %add3A_246 : i32 to index
        %swap3A_264 = arith.constant 32 : index
        %swap3A_265 = tpu.vector_load %arg20[%swap3A_263, %swap3A_264] {strides = array<i32>} : memref<80x128xf32, #tpu.memory_space<vmem>>, vector<16xf32>,
        tpu.vector_store %arg20[%swap3A_263, %swap3A_264], %mul3A_262 {strides = array<i32>} : memref<80x128xf32, #tpu.memory_space<vmem>>, vector<16xf32>,
        %get3A_266 = arith.index_cast %add3A_246 : i32 to index
        %get3A_267 = arith.constant 48 : index
        %get3A_268 = tpu.vector_load %arg20[%get3A_266, %get3A_267] {strides = array<i32>} : memref<80x128xf32, #tpu.memory_space<vmem>>, vector<16xf32>,
        %mul3A_269 = arith.mulf %get3A_268, %gather3A : vector<16xf32>
        %swap3A_270 = arith.index_cast %add3A_246 : i32 to index
        %swap3A_271 = arith.constant 48 : index
        %swap3A_272 = tpu.vector_load %arg20[%swap3A_270, %swap3A_271] {strides = array<i32>} : memref<80x128xf32, #tpu.memory_space<vmem>>, vector<16xf32>,
        tpu.vector_store %arg20[%swap3A_270, %swap3A_271], %mul3A_269 {strides = array<i32>} : memref<80x128xf32, #tpu.memory_space<vmem>>, vector<16xf32>,
        %get3A_273 = arith.index_cast %add3A_246 : i32 to index
        %get3A_274 = arith.constant 64 : index
        %get3A_275 = tpu.vector_load %arg20[%get3A_273, %get3A_274] {strides = array<i32>} : memref<80x128xf32, #tpu.memory_space<vmem>>, vector<16xf32>,
        %mul3A_276 = arith.mulf %get3A_275, %gather3A : vector<16xf32>
        %swap3A_277 = arith.index_cast %add3A_246 : i32 to index
        %swap3A_278 = arith.constant 64 : index
        %swap3A_279 = tpu.vector_load %arg20[%swap3A_277, %swap3A_278] {strides = array<i32>} : memref<80x128xf32, #tpu.memory_space<vmem>>, vector<16xf32>,
        tpu.vector_store %arg20[%swap3A_277, %swap3A_278], %mul3A_276 {strides = array<i32>} : memref<80x128xf32, #tpu.memory_space<vmem>>, vector<16xf32>,
        %get3A_280 = arith.index_cast %add3A_246 : i32 to index
        %get3A_281 = arith.constant 80 : index
        %get3A_282 = tpu.vector_load %arg20[%get3A_280, %get3A_281] {strides = array<i32>} : memref<80x128xf32, #tpu.memory_space<vmem>>, vector<16xf32>,
        %mul3A_283 = arith.mulf %get3A_282, %gather3A : vector<16xf32>
        %swap3A_284 = arith.index_cast %add3A_246 : i32 to index
        %swap3A_285 = arith.constant 80 : index
        %swap3A_286 = tpu.vector_load %arg20[%swap3A_284, %swap3A_285] {strides = array<i32>} : memref<80x128xf32, #tpu.memory_space<vmem>>, vector<16xf32>,
        tpu.vector_store %arg20[%swap3A_284, %swap3A_285], %mul3A_283 {strides = array<i32>} : memref<80x128xf32, #tpu.memory_space<vmem>>, vector<16xf32>,
        %get3A_287 = arith.index_cast %add3A_246 : i32 to index
        %get3A_288 = arith.constant 96 : index
        %get3A_289 = tpu.vector_load %arg20[%get3A_287, %get3A_288] {strides = array<i32>} : memref<80x128xf32, #tpu.memory_space<vmem>>, vector<16xf32>,
        %mul3A_290 = arith.mulf %get3A_289, %gather3A : vector<16xf32>
        %swap3A_291 = arith.index_cast %add3A_246 : i32 to index
        %swap3A_292 = arith.constant 96 : index
        %swap3A_293 = tpu.vector_load %arg20[%swap3A_291, %swap3A_292] {strides = array<i32>} : memref<80x128xf32, #tpu.memory_space<vmem>>, vector<16xf32>,
        tpu.vector_store %arg20[%swap3A_291, %swap3A_292], %mul3A_290 {strides = array<i32>} : memref<80x128xf32, #tpu.memory_space<vmem>>, vector<16xf32>,
        %get3A_294 = arith.index_cast %add3A_246 : i32 to index
        %get3A_295 = arith.constant 112 : index
        %get3A_296 = tpu.vector_load %arg20[%get3A_294, %get3A_295] {strides = array<i32>} : memref<80x128xf32, #tpu.memory_space<vmem>>, vector<16xf32>,
        %mul3A_297 = arith.mulf %get3A_296, %gather3A : vector<16xf32>
        %swap3A_298 = arith.index_cast %add3A_246 : i32 to index
        %swap3A_299 = arith.constant 112 : index
        %swap3A_300 = tpu.vector_load %arg20[%swap3A_298, %swap3A_299] {strides = array<i32>} : memref<80x128xf32, #tpu.memory_space<vmem>>, vector<16xf32>,
        tpu.vector_store %arg20[%swap3A_298, %swap3A_299], %mul3A_297 {strides = array<i32>} : memref<80x128xf32, #tpu.memory_space<vmem>>, vector<16xf32>,
        %mul3A_301 = arith.constant 5 : i32
        %mul3A_302 = arith.muli %scan3A_241, %mul3A_301 : i32
        %add3A_303 = arith.constant 1 : i32
        %add3A_304 = arith.addi %mul3A_302, %add3A_303 : i32
        %broadcast_in_dim3A_305 = vector.broadcast %add3A_304 : i32 to vector<16xi32>
        %gather3A_306 = tpu.vector_load_idx %arg18[%broadcast_in_dim3A_305] : memref<80xf32, #tpu.memory_space<vmem>>[vector<16xi32>], vector<16xf32>,
        %get3A_307 = arith.index_cast %add3A_304 : i32 to index
        %get3A_308 = arith.constant 0 : index
        %get3A_309 = tpu.vector_load %arg20[%get3A_307, %get3A_308] {strides = array<i32>} : memref<80x128xf32, #tpu.memory_space<vmem>>, vector<16xf32>,
        %mul3A_310 = arith.mulf %get3A_309, %gather3A_306 : vector<16xf32>
        %swap3A_311 = arith.index_cast %add3A_304 : i32 to index
        %swap3A_312 = arith.constant 0 : index
        %swap3A_313 = tpu.vector_load %arg20[%swap3A_311, %swap3A_312] {strides = array<i32>} : memref<80x128xf32, #tpu.memory_space<vmem>>, vector<16xf32>,
        tpu.vector_store %arg20[%swap3A_311, %swap3A_312], %mul3A_310 {strides = array<i32>} : memref<80x128xf32, #tpu.memory_space<vmem>>, vector<16xf32>,
        %get3A_314 = arith.index_cast %add3A_304 : i32 to index
        %get3A_315 = arith.constant 16 : index
        %get3A_316 = tpu.vector_load %arg20[%get3A_314, %get3A_315] {strides = array<i32>} : memref<80x128xf32, #tpu.memory_space<vmem>>, vector<16xf32>,
        %mul3A_317 = arith.mulf %get3A_316, %gather3A_306 : vector<16xf32>
        %swap3A_318 = arith.index_cast %add3A_304 : i32 to index
        %swap3A_319 = arith.constant 16 : index
        %swap3A_320 = tpu.vector_load %arg20[%swap3A_318, %swap3A_319] {strides = array<i32>} : memref<80x128xf32, #tpu.memory_space<vmem>>, vector<16xf32>,
        tpu.vector_store %arg20[%swap3A_318, %swap3A_319], %mul3A_317 {strides = array<i32>} : memref<80x128xf32, #tpu.memory_space<vmem>>, vector<16xf32>,
        %get3A_321 = arith.index_cast %add3A_304 : i32 to index
        %get3A_322 = arith.constant 32 : index
        %get3A_323 = tpu.vector_load %arg20[%get3A_321, %get3A_322] {strides = array<i32>} : memref<80x128xf32, #tpu.memory_space<vmem>>, vector<16xf32>,
        %mul3A_324 = arith.mulf %get3A_323, %gather3A_306 : vector<16xf32>
        %swap3A_325 = arith.index_cast %add3A_304 : i32 to index
        %swap3A_326 = arith.constant 32 : index
        %swap3A_327 = tpu.vector_load %arg20[%swap3A_325, %swap3A_326] {strides = array<i32>} : memref<80x128xf32, #tpu.memory_space<vmem>>, vector<16xf32>,
        tpu.vector_store %arg20[%swap3A_325, %swap3A_326], %mul3A_324 {strides = array<i32>} : memref<80x128xf32, #tpu.memory_space<vmem>>, vector<16xf32>,
        %get3A_328 = arith.index_cast %add3A_304 : i32 to index
        %get3A_329 = arith.constant 48 : index
        %get3A_330 = tpu.vector_load %arg20[%get3A_328, %get3A_329] {strides = array<i32>} : memref<80x128xf32, #tpu.memory_space<vmem>>, vector<16xf32>,
        %mul3A_331 = arith.mulf %get3A_330, %gather3A_306 : vector<16xf32>
        %swap3A_332 = arith.index_cast %add3A_304 : i32 to index
        %swap3A_333 = arith.constant 48 : index
        %swap3A_334 = tpu.vector_load %arg20[%swap3A_332, %swap3A_333] {strides = array<i32>} : memref<80x128xf32, #tpu.memory_space<vmem>>, vector<16xf32>,
        tpu.vector_store %arg20[%swap3A_332, %swap3A_333], %mul3A_331 {strides = array<i32>} : memref<80x128xf32, #tpu.memory_space<vmem>>, vector<16xf32>,
        %get3A_335 = arith.index_cast %add3A_304 : i32 to index
        %get3A_336 = arith.constant 64 : index
        %get3A_337 = tpu.vector_load %arg20[%get3A_335, %get3A_336] {strides = array<i32>} : memref<80x128xf32, #tpu.memory_space<vmem>>, vector<16xf32>,
        %mul3A_338 = arith.mulf %get3A_337, %gather3A_306 : vector<16xf32>
        %swap3A_339 = arith.index_cast %add3A_304 : i32 to index
        %swap3A_340 = arith.constant 64 : index
        %swap3A_341 = tpu.vector_load %arg20[%swap3A_339, %swap3A_340] {strides = array<i32>} : memref<80x128xf32, #tpu.memory_space<vmem>>, vector<16xf32>,
        tpu.vector_store %arg20[%swap3A_339, %swap3A_340], %mul3A_338 {strides = array<i32>} : memref<80x128xf32, #tpu.memory_space<vmem>>, vector<16xf32>,
        %get3A_342 = arith.index_cast %add3A_304 : i32 to index
        %get3A_343 = arith.constant 80 : index
        %get3A_344 = tpu.vector_load %arg20[%get3A_342, %get3A_343] {strides = array<i32>} : memref<80x128xf32, #tpu.memory_space<vmem>>, vector<16xf32>,
        %mul3A_345 = arith.mulf %get3A_344, %gather3A_306 : vector<16xf32>
        %swap3A_346 = arith.index_cast %add3A_304 : i32 to index
        %swap3A_347 = arith.constant 80 : index
        %swap3A_348 = tpu.vector_load %arg20[%swap3A_346, %swap3A_347] {strides = array<i32>} : memref<80x128xf32, #tpu.memory_space<vmem>>, vector<16xf32>,
        tpu.vector_store %arg20[%swap3A_346, %swap3A_347], %mul3A_345 {strides = array<i32>} : memref<80x128xf32, #tpu.memory_space<vmem>>, vector<16xf32>,
        %get3A_349 = arith.index_cast %add3A_304 : i32 to index
        %get3A_350 = arith.constant 96 : index
        %get3A_351 = tpu.vector_load %arg20[%get3A_349, %get3A_350] {strides = array<i32>} : memref<80x128xf32, #tpu.memory_space<vmem>>, vector<16xf32>,
        %mul3A_352 = arith.mulf %get3A_351, %gather3A_306 : vector<16xf32>
        %swap3A_353 = arith.index_cast %add3A_304 : i32 to index
        %swap3A_354 = arith.constant 96 : index
        %swap3A_355 = tpu.vector_load %arg20[%swap3A_353, %swap3A_354] {strides = array<i32>} : memref<80x128xf32, #tpu.memory_space<vmem>>, vector<16xf32>,
        tpu.vector_store %arg20[%swap3A_353, %swap3A_354], %mul3A_352 {strides = array<i32>} : memref<80x128xf32, #tpu.memory_space<vmem>>, vector<16xf32>,
        %get3A_356 = arith.index_cast %add3A_304 : i32 to index
        %get3A_357 = arith.constant 112 : index
        %get3A_358 = tpu.vector_load %arg20[%get3A_356, %get3A_357] {strides = array<i32>} : memref<80x128xf32, #tpu.memory_space<vmem>>, vector<16xf32>,
        %mul3A_359 = arith.mulf %get3A_358, %gather3A_306 : vector<16xf32>
        %swap3A_360 = arith.index_cast %add3A_304 : i32 to index
        %swap3A_361 = arith.constant 112 : index
        %swap3A_362 = tpu.vector_load %arg20[%swap3A_360, %swap3A_361] {strides = array<i32>} : memref<80x128xf32, #tpu.memory_space<vmem>>, vector<16xf32>,
        tpu.vector_store %arg20[%swap3A_360, %swap3A_361], %mul3A_359 {strides = array<i32>} : memref<80x128xf32, #tpu.memory_space<vmem>>, vector<16xf32>,
        %mul3A_363 = arith.constant 5 : i32
        %mul3A_364 = arith.muli %scan3A_241, %mul3A_363 : i32
        %add3A_365 = arith.constant 2 : i32
        %add3A_366 = arith.addi %mul3A_364, %add3A_365 : i32
        %broadcast_in_dim3A_367 = vector.broadcast %add3A_366 : i32 to vector<16xi32>
        %gather3A_368 = tpu.vector_load_idx %arg18[%broadcast_in_dim3A_367] : memref<80xf32, #tpu.memory_space<vmem>>[vector<16xi32>], vector<16xf32>,
        %get3A_369 = arith.index_cast %add3A_366 : i32 to index
        %get3A_370 = arith.constant 0 : index
        %get3A_371 = tpu.vector_load %arg20[%get3A_369, %get3A_370] {strides = array<i32>} : memref<80x128xf32, #tpu.memory_space<vmem>>, vector<16xf32>,
        %mul3A_372 = arith.mulf %get3A_371, %gather3A_368 : vector<16xf32>
        %swap3A_373 = arith.index_cast %add3A_366 : i32 to index
        %swap3A_374 = arith.constant 0 : index
        %swap3A_375 = tpu.vector_load %arg20[%swap3A_373, %swap3A_374] {strides = array<i32>} : memref<80x128xf32, #tpu.memory_space<vmem>>, vector<16xf32>,
        tpu.vector_store %arg20[%swap3A_373, %swap3A_374], %mul3A_372 {strides = array<i32>} : memref<80x128xf32, #tpu.memory_space<vmem>>, vector<16xf32>,
        %get3A_376 = arith.index_cast %add3A_366 : i32 to index
        %get3A_377 = arith.constant 16 : index
        %get3A_378 = tpu.vector_load %arg20[%get3A_376, %get3A_377] {strides = array<i32>} : memref<80x128xf32, #tpu.memory_space<vmem>>, vector<16xf32>,
        %mul3A_379 = arith.mulf %get3A_378, %gather3A_368 : vector<16xf32>
        %swap3A_380 = arith.index_cast %add3A_366 : i32 to index
        %swap3A_381 = arith.constant 16 : index
        %swap3A_382 = tpu.vector_load %arg20[%swap3A_380, %swap3A_381] {strides = array<i32>} : memref<80x128xf32, #tpu.memory_space<vmem>>, vector<16xf32>,
        tpu.vector_store %arg20[%swap3A_380, %swap3A_381], %mul3A_379 {strides = array<i32>} : memref<80x128xf32, #tpu.memory_space<vmem>>, vector<16xf32>,
        %get3A_383 = arith.index_cast %add3A_366 : i32 to index
        %get3A_384 = arith.constant 32 : index
        %get3A_385 = tpu.vector_load %arg20[%get3A_383, %get3A_384] {strides = array<i32>} : memref<80x128xf32, #tpu.memory_space<vmem>>, vector<16xf32>,
        %mul3A_386 = arith.mulf %get3A_385, %gather3A_368 : vector<16xf32>
        %swap3A_387 = arith.index_cast %add3A_366 : i32 to index
        %swap3A_388 = arith.constant 32 : index
        %swap3A_389 = tpu.vector_load %arg20[%swap3A_387, %swap3A_388] {strides = array<i32>} : memref<80x128xf32, #tpu.memory_space<vmem>>, vector<16xf32>,
        tpu.vector_store %arg20[%swap3A_387, %swap3A_388], %mul3A_386 {strides = array<i32>} : memref<80x128xf32, #tpu.memory_space<vmem>>, vector<16xf32>,
        %get3A_390 = arith.index_cast %add3A_366 : i32 to index
        %get3A_391 = arith.constant 48 : index
        %get3A_392 = tpu.vector_load %arg20[%get3A_390, %get3A_391] {strides = array<i32>} : memref<80x128xf32, #tpu.memory_space<vmem>>, vector<16xf32>,
        %mul3A_393 = arith.mulf %get3A_392, %gather3A_368 : vector<16xf32>
        %swap3A_394 = arith.index_cast %add3A_366 : i32 to index
        %swap3A_395 = arith.constant 48 : index
        %swap3A_396 = tpu.vector_load %arg20[%swap3A_394, %swap3A_395] {strides = array<i32>} : memref<80x128xf32, #tpu.memory_space<vmem>>, vector<16xf32>,
        tpu.vector_store %arg20[%swap3A_394, %swap3A_395], %mul3A_393 {strides = array<i32>} : memref<80x128xf32, #tpu.memory_space<vmem>>, vector<16xf32>,
        %get3A_397 = arith.index_cast %add3A_366 : i32 to index
        %get3A_398 = arith.constant 64 : index
        %get3A_399 = tpu.vector_load %arg20[%get3A_397, %get3A_398] {strides = array<i32>} : memref<80x128xf32, #tpu.memory_space<vmem>>, vector<16xf32>,
        %mul3A_400 = arith.mulf %get3A_399, %gather3A_368 : vector<16xf32>
        %swap3A_401 = arith.index_cast %add3A_366 : i32 to index
        %swap3A_402 = arith.constant 64 : index
        %swap3A_403 = tpu.vector_load %arg20[%swap3A_401, %swap3A_402] {strides = array<i32>} : memref<80x128xf32, #tpu.memory_space<vmem>>, vector<16xf32>,
        tpu.vector_store %arg20[%swap3A_401, %swap3A_402], %mul3A_400 {strides = array<i32>} : memref<80x128xf32, #tpu.memory_space<vmem>>, vector<16xf32>,
        %get3A_404 = arith.index_cast %add3A_366 : i32 to index
        %get3A_405 = arith.constant 80 : index
        %get3A_406 = tpu.vector_load %arg20[%get3A_404, %get3A_405] {strides = array<i32>} : memref<80x128xf32, #tpu.memory_space<vmem>>, vector<16xf32>,
        %mul3A_407 = arith.mulf %get3A_406, %gather3A_368 : vector<16xf32>
        %swap3A_408 = arith.index_cast %add3A_366 : i32 to index
        %swap3A_409 = arith.constant 80 : index
        %swap3A_410 = tpu.vector_load %arg20[%swap3A_408, %swap3A_409] {strides = array<i32>} : memref<80x128xf32, #tpu.memory_space<vmem>>, vector<16xf32>,
        tpu.vector_store %arg20[%swap3A_408, %swap3A_409], %mul3A_407 {strides = array<i32>} : memref<80x128xf32, #tpu.memory_space<vmem>>, vector<16xf32>,
        %get3A_411 = arith.index_cast %add3A_366 : i32 to index
        %get3A_412 = arith.constant 96 : index
        %get3A_413 = tpu.vector_load %arg20[%get3A_411, %get3A_412] {strides = array<i32>} : memref<80x128xf32, #tpu.memory_space<vmem>>, vector<16xf32>,
        %mul3A_414 = arith.mulf %get3A_413, %gather3A_368 : vector<16xf32>
        %swap3A_415 = arith.index_cast %add3A_366 : i32 to index
        %swap3A_416 = arith.constant 96 : index
        %swap3A_417 = tpu.vector_load %arg20[%swap3A_415, %swap3A_416] {strides = array<i32>} : memref<80x128xf32, #tpu.memory_space<vmem>>, vector<16xf32>,
        tpu.vector_store %arg20[%swap3A_415, %swap3A_416], %mul3A_414 {strides = array<i32>} : memref<80x128xf32, #tpu.memory_space<vmem>>, vector<16xf32>,
        %get3A_418 = arith.index_cast %add3A_366 : i32 to index
        %get3A_419 = arith.constant 112 : index
        %get3A_420 = tpu.vector_load %arg20[%get3A_418, %get3A_419] {strides = array<i32>} : memref<80x128xf32, #tpu.memory_space<vmem>>, vector<16xf32>,
        %mul3A_421 = arith.mulf %get3A_420, %gather3A_368 : vector<16xf32>
        %swap3A_422 = arith.index_cast %add3A_366 : i32 to index
        %swap3A_423 = arith.constant 112 : index
        %swap3A_424 = tpu.vector_load %arg20[%swap3A_422, %swap3A_423] {strides = array<i32>} : memref<80x128xf32, #tpu.memory_space<vmem>>, vector<16xf32>,
        tpu.vector_store %arg20[%swap3A_422, %swap3A_423], %mul3A_421 {strides = array<i32>} : memref<80x128xf32, #tpu.memory_space<vmem>>, vector<16xf32>,
        %mul3A_425 = arith.constant 5 : i32
        %mul3A_426 = arith.muli %scan3A_241, %mul3A_425 : i32
        %add3A_427 = arith.constant 3 : i32
        %add3A_428 = arith.addi %mul3A_426, %add3A_427 : i32
        %broadcast_in_dim3A_429 = vector.broadcast %add3A_428 : i32 to vector<16xi32>
        %gather3A_430 = tpu.vector_load_idx %arg18[%broadcast_in_dim3A_429] : memref<80xf32, #tpu.memory_space<vmem>>[vector<16xi32>], vector<16xf32>,
        %get3A_431 = arith.index_cast %add3A_428 : i32 to index
        %get3A_432 = arith.constant 0 : index
        %get3A_433 = tpu.vector_load %arg20[%get3A_431, %get3A_432] {strides = array<i32>} : memref<80x128xf32, #tpu.memory_space<vmem>>, vector<16xf32>,
        %mul3A_434 = arith.mulf %get3A_433, %gather3A_430 : vector<16xf32>
        %swap3A_435 = arith.index_cast %add3A_428 : i32 to index
        %swap3A_436 = arith.constant 0 : index
        %swap3A_437 = tpu.vector_load %arg20[%swap3A_435, %swap3A_436] {strides = array<i32>} : memref<80x128xf32, #tpu.memory_space<vmem>>, vector<16xf32>,
        tpu.vector_store %arg20[%swap3A_435, %swap3A_436], %mul3A_434 {strides = array<i32>} : memref<80x128xf32, #tpu.memory_space<vmem>>, vector<16xf32>,
        %get3A_438 = arith.index_cast %add3A_428 : i32 to index
        %get3A_439 = arith.constant 16 : index
        %get3A_440 = tpu.vector_load %arg20[%get3A_438, %get3A_439] {strides = array<i32>} : memref<80x128xf32, #tpu.memory_space<vmem>>, vector<16xf32>,
        %mul3A_441 = arith.mulf %get3A_440, %gather3A_430 : vector<16xf32>
        %swap3A_442 = arith.index_cast %add3A_428 : i32 to index
        %swap3A_443 = arith.constant 16 : index
        %swap3A_444 = tpu.vector_load %arg20[%swap3A_442, %swap3A_443] {strides = array<i32>} : memref<80x128xf32, #tpu.memory_space<vmem>>, vector<16xf32>,
        tpu.vector_store %arg20[%swap3A_442, %swap3A_443], %mul3A_441 {strides = array<i32>} : memref<80x128xf32, #tpu.memory_space<vmem>>, vector<16xf32>,
        %get3A_445 = arith.index_cast %add3A_428 : i32 to index
        %get3A_446 = arith.constant 32 : index
        %get3A_447 = tpu.vector_load %arg20[%get3A_445, %get3A_446] {strides = array<i32>} : memref<80x128xf32, #tpu.memory_space<vmem>>, vector<16xf32>,
        %mul3A_448 = arith.mulf %get3A_447, %gather3A_430 : vector<16xf32>
        %swap3A_449 = arith.index_cast %add3A_428 : i32 to index
        %swap3A_450 = arith.constant 32 : index
        %swap3A_451 = tpu.vector_load %arg20[%swap3A_449, %swap3A_450] {strides = array<i32>} : memref<80x128xf32, #tpu.memory_space<vmem>>, vector<16xf32>,
        tpu.vector_store %arg20[%swap3A_449, %swap3A_450], %mul3A_448 {strides = array<i32>} : memref<80x128xf32, #tpu.memory_space<vmem>>, vector<16xf32>,
        %get3A_452 = arith.index_cast %add3A_428 : i32 to index
        %get3A_453 = arith.constant 48 : index
        %get3A_454 = tpu.vector_load %arg20[%get3A_452, %get3A_453] {strides = array<i32>} : memref<80x128xf32, #tpu.memory_space<vmem>>, vector<16xf32>,
        %mul3A_455 = arith.mulf %get3A_454, %gather3A_430 : vector<16xf32>
        %swap3A_456 = arith.index_cast %add3A_428 : i32 to index
        %swap3A_457 = arith.constant 48 : index
        %swap3A_458 = tpu.vector_load %arg20[%swap3A_456, %swap3A_457] {strides = array<i32>} : memref<80x128xf32, #tpu.memory_space<vmem>>, vector<16xf32>,
        tpu.vector_store %arg20[%swap3A_456, %swap3A_457], %mul3A_455 {strides = array<i32>} : memref<80x128xf32, #tpu.memory_space<vmem>>, vector<16xf32>,
        %get3A_459 = arith.index_cast %add3A_428 : i32 to index
        %get3A_460 = arith.constant 64 : index
        %get3A_461 = tpu.vector_load %arg20[%get3A_459, %get3A_460] {strides = array<i32>} : memref<80x128xf32, #tpu.memory_space<vmem>>, vector<16xf32>,
        %mul3A_462 = arith.mulf %get3A_461, %gather3A_430 : vector<16xf32>
        %swap3A_463 = arith.index_cast %add3A_428 : i32 to index
        %swap3A_464 = arith.constant 64 : index
        %swap3A_465 = tpu.vector_load %arg20[%swap3A_463, %swap3A_464] {strides = array<i32>} : memref<80x128xf32, #tpu.memory_space<vmem>>, vector<16xf32>,
        tpu.vector_store %arg20[%swap3A_463, %swap3A_464], %mul3A_462 {strides = array<i32>} : memref<80x128xf32, #tpu.memory_space<vmem>>, vector<16xf32>,
        %get3A_466 = arith.index_cast %add3A_428 : i32 to index
        %get3A_467 = arith.constant 80 : index
        %get3A_468 = tpu.vector_load %arg20[%get3A_466, %get3A_467] {strides = array<i32>} : memref<80x128xf32, #tpu.memory_space<vmem>>, vector<16xf32>,
        %mul3A_469 = arith.mulf %get3A_468, %gather3A_430 : vector<16xf32>
        %swap3A_470 = arith.index_cast %add3A_428 : i32 to index
        %swap3A_471 = arith.constant 80 : index
        %swap3A_472 = tpu.vector_load %arg20[%swap3A_470, %swap3A_471] {strides = array<i32>} : memref<80x128xf32, #tpu.memory_space<vmem>>, vector<16xf32>,
        tpu.vector_store %arg20[%swap3A_470, %swap3A_471], %mul3A_469 {strides = array<i32>} : memref<80x128xf32, #tpu.memory_space<vmem>>, vector<16xf32>,
        %get3A_473 = arith.index_cast %add3A_428 : i32 to index
        %get3A_474 = arith.constant 96 : index
        %get3A_475 = tpu.vector_load %arg20[%get3A_473, %get3A_474] {strides = array<i32>} : memref<80x128xf32, #tpu.memory_space<vmem>>, vector<16xf32>,
        %mul3A_476 = arith.mulf %get3A_475, %gather3A_430 : vector<16xf32>
        %swap3A_477 = arith.index_cast %add3A_428 : i32 to index
        %swap3A_478 = arith.constant 96 : index
        %swap3A_479 = tpu.vector_load %arg20[%swap3A_477, %swap3A_478] {strides = array<i32>} : memref<80x128xf32, #tpu.memory_space<vmem>>, vector<16xf32>,
        tpu.vector_store %arg20[%swap3A_477, %swap3A_478], %mul3A_476 {strides = array<i32>} : memref<80x128xf32, #tpu.memory_space<vmem>>, vector<16xf32>,
        %get3A_480 = arith.index_cast %add3A_428 : i32 to index
        %get3A_481 = arith.constant 112 : index
        %get3A_482 = tpu.vector_load %arg20[%get3A_480, %get3A_481] {strides = array<i32>} : memref<80x128xf32, #tpu.memory_space<vmem>>, vector<16xf32>,
        %mul3A_483 = arith.mulf %get3A_482, %gather3A_430 : vector<16xf32>
        %swap3A_484 = arith.index_cast %add3A_428 : i32 to index
        %swap3A_485 = arith.constant 112 : index
        %swap3A_486 = tpu.vector_load %arg20[%swap3A_484, %swap3A_485] {strides = array<i32>} : memref<80x128xf32, #tpu.memory_space<vmem>>, vector<16xf32>,
        tpu.vector_store %arg20[%swap3A_484, %swap3A_485], %mul3A_483 {strides = array<i32>} : memref<80x128xf32, #tpu.memory_space<vmem>>, vector<16xf32>,
        %mul3A_487 = arith.constant 5 : i32
        %mul3A_488 = arith.muli %scan3A_241, %mul3A_487 : i32
        %add3A_489 = arith.constant 4 : i32
        %add3A_490 = arith.addi %mul3A_488, %add3A_489 : i32
        %broadcast_in_dim3A_491 = vector.broadcast %add3A_490 : i32 to vector<16xi32>
        %gather3A_492 = tpu.vector_load_idx %arg18[%broadcast_in_dim3A_491] : memref<80xf32, #tpu.memory_space<vmem>>[vector<16xi32>], vector<16xf32>,
        %get3A_493 = arith.index_cast %add3A_490 : i32 to index
        %get3A_494 = arith.constant 0 : index
        %get3A_495 = tpu.vector_load %arg20[%get3A_493, %get3A_494] {strides = array<i32>} : memref<80x128xf32, #tpu.memory_space<vmem>>, vector<16xf32>,
        %mul3A_496 = arith.mulf %get3A_495, %gather3A_492 : vector<16xf32>
        %swap3A_497 = arith.index_cast %add3A_490 : i32 to index
        %swap3A_498 = arith.constant 0 : index
        %swap3A_499 = tpu.vector_load %arg20[%swap3A_497, %swap3A_498] {strides = array<i32>} : memref<80x128xf32, #tpu.memory_space<vmem>>, vector<16xf32>,
        tpu.vector_store %arg20[%swap3A_497, %swap3A_498], %mul3A_496 {strides = array<i32>} : memref<80x128xf32, #tpu.memory_space<vmem>>, vector<16xf32>,
        %get3A_500 = arith.index_cast %add3A_490 : i32 to index
        %get3A_501 = arith.constant 16 : index
        %get3A_502 = tpu.vector_load %arg20[%get3A_500, %get3A_501] {strides = array<i32>} : memref<80x128xf32, #tpu.memory_space<vmem>>, vector<16xf32>,
        %mul3A_503 = arith.mulf %get3A_502, %gather3A_492 : vector<16xf32>
        %swap3A_504 = arith.index_cast %add3A_490 : i32 to index
        %swap3A_505 = arith.constant 16 : index
        %swap3A_506 = tpu.vector_load %arg20[%swap3A_504, %swap3A_505] {strides = array<i32>} : memref<80x128xf32, #tpu.memory_space<vmem>>, vector<16xf32>,
        tpu.vector_store %arg20[%swap3A_504, %swap3A_505], %mul3A_503 {strides = array<i32>} : memref<80x128xf32, #tpu.memory_space<vmem>>, vector<16xf32>,
        %get3A_507 = arith.index_cast %add3A_490 : i32 to index
        %get3A_508 = arith.constant 32 : index
        %get3A_509 = tpu.vector_load %arg20[%get3A_507, %get3A_508] {strides = array<i32>} : memref<80x128xf32, #tpu.memory_space<vmem>>, vector<16xf32>,
        %mul3A_510 = arith.mulf %get3A_509, %gather3A_492 : vector<16xf32>
        %swap3A_511 = arith.index_cast %add3A_490 : i32 to index
        %swap3A_512 = arith.constant 32 : index
        %swap3A_513 = tpu.vector_load %arg20[%swap3A_511, %swap3A_512] {strides = array<i32>} : memref<80x128xf32, #tpu.memory_space<vmem>>, vector<16xf32>,
        tpu.vector_store %arg20[%swap3A_511, %swap3A_512], %mul3A_510 {strides = array<i32>} : memref<80x128xf32, #tpu.memory_space<vmem>>, vector<16xf32>,
        %get3A_514 = arith.index_cast %add3A_490 : i32 to index
        %get3A_515 = arith.constant 48 : index
        %get3A_516 = tpu.vector_load %arg20[%get3A_514, %get3A_515] {strides = array<i32>} : memref<80x128xf32, #tpu.memory_space<vmem>>, vector<16xf32>,
        %mul3A_517 = arith.mulf %get3A_516, %gather3A_492 : vector<16xf32>
        %swap3A_518 = arith.index_cast %add3A_490 : i32 to index
        %swap3A_519 = arith.constant 48 : index
        %swap3A_520 = tpu.vector_load %arg20[%swap3A_518, %swap3A_519] {strides = array<i32>} : memref<80x128xf32, #tpu.memory_space<vmem>>, vector<16xf32>,
        tpu.vector_store %arg20[%swap3A_518, %swap3A_519], %mul3A_517 {strides = array<i32>} : memref<80x128xf32, #tpu.memory_space<vmem>>, vector<16xf32>,
        %get3A_521 = arith.index_cast %add3A_490 : i32 to index
        %get3A_522 = arith.constant 64 : index
        %get3A_523 = tpu.vector_load %arg20[%get3A_521, %get3A_522] {strides = array<i32>} : memref<80x128xf32, #tpu.memory_space<vmem>>, vector<16xf32>,
        %mul3A_524 = arith.mulf %get3A_523, %gather3A_492 : vector<16xf32>
        %swap3A_525 = arith.index_cast %add3A_490 : i32 to index
        %swap3A_526 = arith.constant 64 : index
        %swap3A_527 = tpu.vector_load %arg20[%swap3A_525, %swap3A_526] {strides = array<i32>} : memref<80x128xf32, #tpu.memory_space<vmem>>, vector<16xf32>,
        tpu.vector_store %arg20[%swap3A_525, %swap3A_526], %mul3A_524 {strides = array<i32>} : memref<80x128xf32, #tpu.memory_space<vmem>>, vector<16xf32>,
        %get3A_528 = arith.index_cast %add3A_490 : i32 to index
        %get3A_529 = arith.constant 80 : index
        %get3A_530 = tpu.vector_load %arg20[%get3A_528, %get3A_529] {strides = array<i32>} : memref<80x128xf32, #tpu.memory_space<vmem>>, vector<16xf32>,
        %mul3A_531 = arith.mulf %get3A_530, %gather3A_492 : vector<16xf32>
        %swap3A_532 = arith.index_cast %add3A_490 : i32 to index
        %swap3A_533 = arith.constant 80 : index
        %swap3A_534 = tpu.vector_load %arg20[%swap3A_532, %swap3A_533] {strides = array<i32>} : memref<80x128xf32, #tpu.memory_space<vmem>>, vector<16xf32>,
        tpu.vector_store %arg20[%swap3A_532, %swap3A_533], %mul3A_531 {strides = array<i32>} : memref<80x128xf32, #tpu.memory_space<vmem>>, vector<16xf32>,
        %get3A_535 = arith.index_cast %add3A_490 : i32 to index
        %get3A_536 = arith.constant 96 : index
        %get3A_537 = tpu.vector_load %arg20[%get3A_535, %get3A_536] {strides = array<i32>} : memref<80x128xf32, #tpu.memory_space<vmem>>, vector<16xf32>,
        %mul3A_538 = arith.mulf %get3A_537, %gather3A_492 : vector<16xf32>
        %swap3A_539 = arith.index_cast %add3A_490 : i32 to index
        %swap3A_540 = arith.constant 96 : index
        %swap3A_541 = tpu.vector_load %arg20[%swap3A_539, %swap3A_540] {strides = array<i32>} : memref<80x128xf32, #tpu.memory_space<vmem>>, vector<16xf32>,
        tpu.vector_store %arg20[%swap3A_539, %swap3A_540], %mul3A_538 {strides = array<i32>} : memref<80x128xf32, #tpu.memory_space<vmem>>, vector<16xf32>,
        %get3A_542 = arith.index_cast %add3A_490 : i32 to index
        %get3A_543 = arith.constant 112 : index
        %get3A_544 = tpu.vector_load %arg20[%get3A_542, %get3A_543] {strides = array<i32>} : memref<80x128xf32, #tpu.memory_space<vmem>>, vector<16xf32>,
        %mul3A_545 = arith.mulf %get3A_544, %gather3A_492 : vector<16xf32>
        %swap3A_546 = arith.index_cast %add3A_490 : i32 to index
        %swap3A_547 = arith.constant 112 : index
        %swap3A_548 = tpu.vector_load %arg20[%swap3A_546, %swap3A_547] {strides = array<i32>} : memref<80x128xf32, #tpu.memory_space<vmem>>, vector<16xf32>,
        tpu.vector_store %arg20[%swap3A_546, %swap3A_547], %mul3A_545 {strides = array<i32>} : memref<80x128xf32, #tpu.memory_space<vmem>>, vector<16xf32>,
        %scan3A_549 = arith.constant 0 : i32
        scf.yield %scan3A_549 : i32
      }
      %scan3A_204 = arith.constant 16 : i32
      %dma_start3A_205 = arith.constant 0 : i32
      %dma_start3A_206 = arith.constant 0 : i32
      %dma_start3A_207 = tpu.memref_slice %arg22[%dma_start3A_205, %dma_start3A_206] : memref<10000x128xf32, #tpu.memory_space<vmem_shared>> -> memref<10000x128xf32, #tpu.memory_space<vmem_shared>>
      tpu.enqueue_indirect_dma source(%arg20 : memref<80x128xf32, #tpu.memory_space<vmem>>) target(%dma_start3A_207 : memref<10000x128xf32, #tpu.memory_space<vmem_shared>>) offsets(%arg12 : memref<80xi32, #tpu.memory_space<vmem>>) semaphore(%arg30 : memref<!tpu.dma_semaphore, #tpu.memory_space<semaphore_mem>>) {add = true}
      %dma_wait3A_208 = arith.constant 0 : i32
      %dma_wait3A_209 = arith.constant 0 : i32
      %dma_wait3A_210 = tpu.memref_slice %arg22[%dma_wait3A_208, %dma_wait3A_209] : memref<10000x128xf32, #tpu.memory_space<vmem_shared>> -> memref<10000x128xf32, #tpu.memory_space<vmem_shared>>
      tpu.wait_indirect_dma semaphore(%arg29 : memref<!tpu.dma_semaphore, #tpu.memory_space<semaphore_mem>>) src(%arg19 : memref<80x128xf32, #tpu.memory_space<vmem>>) dst(%dma_wait3A_210 : memref<10000x128xf32, #tpu.memory_space<vmem_shared>>)
      %add3A_211 = arith.constant 2 : i32
      %add3A_212 = arith.addi %mul3A_138, %add3A_211 : i32
      %mul3A_213 = arith.constant 80 : i32
      %mul3A_214 = arith.muli %add3A_212, %mul3A_213 : i32
      %add3A_215 = arith.addi %add3A, %mul3A_214 : i32
      %dma_start3A_216 = tpu.memref_slice %arg3[%add3A_215] : memref<320000xi32, #tpu.memory_space<hbm>> -> memref<80xi32, #tpu.memory_space<hbm>>
      %dma_start3A_217 = tpu.memref_slice %arg3[%add3A_215] : memref<320000xi32, #tpu.memory_space<hbm>> -> memref<80xi32, #tpu.memory_space<hbm>>
      tpu.enqueue_dma source(%dma_start3A_217 : memref<80xi32, #tpu.memory_space<hbm>>) target(%arg11 : memref<80xi32, #tpu.memory_space<vmem>>) target_semaphore(%arg25 : memref<!tpu.dma_semaphore, #tpu.memory_space<semaphore_mem>>)
      %dma_start3A_218 = tpu.memref_slice %arg4[%add3A_215] : memref<320000xf32, #tpu.memory_space<hbm>> -> memref<80xf32, #tpu.memory_space<hbm>>
      %dma_start3A_219 = tpu.memref_slice %arg4[%add3A_215] : memref<320000xf32, #tpu.memory_space<hbm>> -> memref<80xf32, #tpu.memory_space<hbm>>
      tpu.enqueue_dma source(%dma_start3A_219 : memref<80xf32, #tpu.memory_space<hbm>>) target(%arg15 : memref<80xf32, #tpu.memory_space<vmem>>) target_semaphore(%arg25 : memref<!tpu.dma_semaphore, #tpu.memory_space<semaphore_mem>>)
      %add3A_220 = arith.constant 2 : i32
      %add3A_221 = arith.addi %mul3A_138, %add3A_220 : i32
      %mul3A_222 = arith.constant 80 : i32
      %mul3A_223 = arith.muli %add3A_221, %mul3A_222 : i32
      %add3A_224 = arith.addi %add3A, %mul3A_223 : i32
      %dma_wait3A_225 = tpu.memref_slice %arg2[%add3A_224] : memref<320000xi32, #tpu.memory_space<hbm>> -> memref<80xi32, #tpu.memory_space<hbm>>
      %dma_wait3A_226 = tpu.memref_slice %arg2[%add3A_224] : memref<320000xi32, #tpu.memory_space<hbm>> -> memref<80xi32, #tpu.memory_space<hbm>>
      tpu.wait_dma2 semaphore(%arg27 : memref<!tpu.dma_semaphore, #tpu.memory_space<semaphore_mem>>) src(%dma_wait3A_226 : memref<80xi32, #tpu.memory_space<hbm>>) dst(%arg9 : memref<80xi32, #tpu.memory_space<vmem>>)
      %dma_start3A_227 = arith.constant 0 : i32
      %dma_start3A_228 = arith.constant 0 : i32
      %dma_start3A_229 = tpu.memref_slice %arg5[%dma_start3A_227, %dma_start3A_228] : memref<10000x128xf32, #tpu.memory_space<hbm>> -> memref<10000x128xf32, #tpu.memory_space<hbm>>
      tpu.enqueue_indirect_dma source(%dma_start3A_229 : memref<10000x128xf32, #tpu.memory_space<hbm>>) target(%arg19 : memref<80x128xf32, #tpu.memory_space<vmem>>) offsets(%arg9 : memref<80xi32, #tpu.memory_space<vmem>>) semaphore(%arg23 : memref<!tpu.dma_semaphore, #tpu.memory_space<semaphore_mem>>)
      %dma_wait3A_230 = arith.constant 0 : i32
      %dma_wait3A_231 = arith.constant 0 : i32
      %dma_wait3A_232 = tpu.memref_slice %arg22[%dma_wait3A_230, %dma_wait3A_231] : memref<10000x128xf32, #tpu.memory_space<vmem_shared>> -> memref<10000x128xf32, #tpu.memory_space<vmem_shared>>
      tpu.wait_indirect_dma semaphore(%arg30 : memref<!tpu.dma_semaphore, #tpu.memory_space<semaphore_mem>>) src(%arg20 : memref<80x128xf32, #tpu.memory_space<vmem>>) dst(%dma_wait3A_232 : memref<10000x128xf32, #tpu.memory_space<vmem_shared>>)
      %add3A_233 = arith.constant 2 : i32
      %add3A_234 = arith.addi %add3A_140, %add3A_233 : i32
      %lt3A_235 = arith.constant 125 : i32
      %lt3A_236 = arith.cmpi slt, %add3A_234, %lt3A_235 : i32
      %convert_element_type3A_237 = arith.extui %lt3A_236 : i1 to i32
      %cond3A_238 = arith.constant 0 : i32
      %cond3A_239 = arith.cmpi ne, %convert_element_type3A_237, %cond3A_238 : i32
      scf.if %cond3A_239 {
        %add3A_241 = arith.constant 2 : i32
        %add3A_242 = arith.addi %add3A_140, %add3A_241 : i32
        %mul3A_243 = arith.constant 80 : i32
        %mul3A_244 = arith.muli %add3A_242, %mul3A_243 : i32
        %add3A_245 = arith.addi %add3A, %mul3A_244 : i32
        %dma_start3A_246 = tpu.memref_slice %arg3[%add3A_245] : memref<320000xi32, #tpu.memory_space<hbm>> -> memref<80xi32, #tpu.memory_space<hbm>>
        %dma_start3A_247 = tpu.memref_slice %arg3[%add3A_245] : memref<320000xi32, #tpu.memory_space<hbm>> -> memref<80xi32, #tpu.memory_space<hbm>>
        tpu.enqueue_dma source(%dma_start3A_247 : memref<80xi32, #tpu.memory_space<hbm>>) target(%arg12 : memref<80xi32, #tpu.memory_space<vmem>>) target_semaphore(%arg26 : memref<!tpu.dma_semaphore, #tpu.memory_space<semaphore_mem>>)
        %dma_start3A_248 = tpu.memref_slice %arg4[%add3A_245] : memref<320000xf32, #tpu.memory_space<hbm>> -> memref<80xf32, #tpu.memory_space<hbm>>
        %dma_start3A_249 = tpu.memref_slice %arg4[%add3A_245] : memref<320000xf32, #tpu.memory_space<hbm>> -> memref<80xf32, #tpu.memory_space<hbm>>
        tpu.enqueue_dma source(%dma_start3A_249 : memref<80xf32, #tpu.memory_space<hbm>>) target(%arg16 : memref<80xf32, #tpu.memory_space<vmem>>) target_semaphore(%arg26 : memref<!tpu.dma_semaphore, #tpu.memory_space<semaphore_mem>>)
        %add3A_250 = arith.constant 2 : i32
        %add3A_251 = arith.addi %add3A_140, %add3A_250 : i32
        %mul3A_252 = arith.constant 80 : i32
        %mul3A_253 = arith.muli %add3A_251, %mul3A_252 : i32
        %add3A_254 = arith.addi %add3A, %mul3A_253 : i32
        %dma_wait3A_255 = tpu.memref_slice %arg2[%add3A_254] : memref<320000xi32, #tpu.memory_space<hbm>> -> memref<80xi32, #tpu.memory_space<hbm>>
        %dma_wait3A_256 = tpu.memref_slice %arg2[%add3A_254] : memref<320000xi32, #tpu.memory_space<hbm>> -> memref<80xi32, #tpu.memory_space<hbm>>
        tpu.wait_dma2 semaphore(%arg28 : memref<!tpu.dma_semaphore, #tpu.memory_space<semaphore_mem>>) src(%dma_wait3A_256 : memref<80xi32, #tpu.memory_space<hbm>>) dst(%arg10 : memref<80xi32, #tpu.memory_space<vmem>>)
        %dma_start3A_257 = arith.constant 0 : i32
        %dma_start3A_258 = arith.constant 0 : i32
        %dma_start3A_259 = tpu.memref_slice %arg5[%dma_start3A_257, %dma_start3A_258] : memref<10000x128xf32, #tpu.memory_space<hbm>> -> memref<10000x128xf32, #tpu.memory_space<hbm>>
        tpu.enqueue_indirect_dma source(%dma_start3A_259 : memref<10000x128xf32, #tpu.memory_space<hbm>>) target(%arg20 : memref<80x128xf32, #tpu.memory_space<vmem>>) offsets(%arg10 : memref<80xi32, #tpu.memory_space<vmem>>) semaphore(%arg24 : memref<!tpu.dma_semaphore, #tpu.memory_space<semaphore_mem>>)
      } else {
      }
      %scan3A_240 = arith.constant 0 : i32
      scf.yield %scan3A_240 : i32
    }
    %scan3A_101 = arith.constant 62 : i32
    %add3A_102 = arith.constant 9920 : i32
    %add3A_103 = arith.addi %add3A, %add3A_102 : i32
    %dma_wait3A_104 = tpu.memref_slice %arg3[%add3A_103] : memref<320000xi32, #tpu.memory_space<hbm>> -> memref<80xi32, #tpu.memory_space<hbm>>
    %dma_wait3A_105 = tpu.memref_slice %arg3[%add3A_103] : memref<320000xi32, #tpu.memory_space<hbm>> -> memref<80xi32, #tpu.memory_space<hbm>>
    tpu.wait_dma2 semaphore(%arg25 : memref<!tpu.dma_semaphore, #tpu.memory_space<semaphore_mem>>) src(%dma_wait3A_105 : memref<80xi32, #tpu.memory_space<hbm>>) dst(%arg11 : memref<80xi32, #tpu.memory_space<vmem>>)
    %dma_wait3A_106 = tpu.memref_slice %arg4[%add3A_103] : memref<320000xf32, #tpu.memory_space<hbm>> -> memref<80xf32, #tpu.memory_space<hbm>>
    %dma_wait3A_107 = tpu.memref_slice %arg4[%add3A_103] : memref<320000xf32, #tpu.memory_space<hbm>> -> memref<80xf32, #tpu.memory_space<hbm>>
    tpu.wait_dma2 semaphore(%arg25 : memref<!tpu.dma_semaphore, #tpu.memory_space<semaphore_mem>>) src(%dma_wait3A_107 : memref<80xf32, #tpu.memory_space<hbm>>) dst(%arg15 : memref<80xf32, #tpu.memory_space<vmem>>)
    %scan3A_108 = arith.constant 0 : i32
    %scan3A_109 = arith.constant 0 : i32
    %scan3A_110 = arith.constant 5 : i32
    %scan3A_111 = arith.addi %scan3A_109, %scan3A_110 : i32
    %scan3A_112 = arith.constant 1 : i32
    %scan3A_113 = scf.for %scan3A_135 = %scan3A_109 to %scan3A_111 step %scan3A_112 iter_args(%scan3A_136 = %scan3A_108) -> (i32)  : i32 {
      %mul3A_137 = arith.constant 16 : i32
      %mul3A_138 = arith.muli %scan3A_135, %mul3A_137 : i32
      %get3A = arith.index_cast %mul3A_138 : i32 to index
      %get3A_139 = tpu.vector_load %arg11[%get3A] {strides = array<i32>} : memref<80xi32, #tpu.memory_space<vmem>>, vector<16xi32>,
      %gather3A = tpu.vector_load_idx %arg8[%get3A_139] : memref<10000xf32, #tpu.memory_space<vmem>>[vector<16xi32>], vector<16xf32>,
      %mul3A_140 = arith.constant 16 : i32
      %mul3A_141 = arith.muli %scan3A_135, %mul3A_140 : i32
      %get3A_142 = arith.index_cast %mul3A_141 : i32 to index
      %get3A_143 = tpu.vector_load %arg15[%get3A_142] {strides = array<i32>} : memref<80xf32, #tpu.memory_space<vmem>>, vector<16xf32>,
      %mul3A_144 = arith.mulf %get3A_143, %gather3A : vector<16xf32>
      %mul3A_145 = arith.constant 16 : i32
      %mul3A_146 = arith.muli %scan3A_135, %mul3A_145 : i32
      %swap3A = arith.index_cast %mul3A_146 : i32 to index
      %swap3A_147 = tpu.vector_load %arg17[%swap3A] {strides = array<i32>} : memref<80xf32, #tpu.memory_space<vmem>>, vector<16xf32>,
      tpu.vector_store %arg17[%swap3A], %mul3A_144 {strides = array<i32>} : memref<80xf32, #tpu.memory_space<vmem>>, vector<16xf32>,
      %scan3A_148 = arith.constant 0 : i32
      scf.yield %scan3A_148 : i32
    }
    %scan3A_114 = arith.constant 5 : i32
    %dma_wait3A_115 = arith.constant 0 : i32
    %dma_wait3A_116 = arith.constant 0 : i32
    %dma_wait3A_117 = tpu.memref_slice %arg5[%dma_wait3A_115, %dma_wait3A_116] : memref<10000x128xf32, #tpu.memory_space<hbm>> -> memref<10000x128xf32, #tpu.memory_space<hbm>>
    tpu.wait_indirect_dma semaphore(%arg23 : memref<!tpu.dma_semaphore, #tpu.memory_space<semaphore_mem>>) src(%dma_wait3A_117 : memref<10000x128xf32, #tpu.memory_space<hbm>>) dst(%arg19 : memref<80x128xf32, #tpu.memory_space<vmem>>)
    %scan3A_118 = arith.constant 0 : i32
    %scan3A_119 = arith.constant 0 : i32
    %scan3A_120 = arith.constant 16 : i32
    %scan3A_121 = arith.addi %scan3A_119, %scan3A_120 : i32
    %scan3A_122 = arith.constant 1 : i32
    %scan3A_123 = scf.for %scan3A_135 = %scan3A_119 to %scan3A_121 step %scan3A_122 iter_args(%scan3A_136 = %scan3A_118) -> (i32)  : i32 {
      %mul3A_137 = arith.constant 5 : i32
      %mul3A_138 = arith.muli %scan3A_135, %mul3A_137 : i32
      %add3A_139 = arith.constant 0 : i32
      %add3A_140 = arith.addi %mul3A_138, %add3A_139 : i32
      %broadcast_in_dim3A = vector.broadcast %add3A_140 : i32 to vector<16xi32>
      %gather3A = tpu.vector_load_idx %arg17[%broadcast_in_dim3A] : memref<80xf32, #tpu.memory_space<vmem>>[vector<16xi32>], vector<16xf32>,
      %get3A = arith.index_cast %add3A_140 : i32 to index
      %get3A_141 = arith.constant 0 : index
      %get3A_142 = tpu.vector_load %arg19[%get3A, %get3A_141] {strides = array<i32>} : memref<80x128xf32, #tpu.memory_space<vmem>>, vector<16xf32>,
      %mul3A_143 = arith.mulf %get3A_142, %gather3A : vector<16xf32>
      %swap3A = arith.index_cast %add3A_140 : i32 to index
      %swap3A_144 = arith.constant 0 : index
      %swap3A_145 = tpu.vector_load %arg19[%swap3A, %swap3A_144] {strides = array<i32>} : memref<80x128xf32, #tpu.memory_space<vmem>>, vector<16xf32>,
      tpu.vector_store %arg19[%swap3A, %swap3A_144], %mul3A_143 {strides = array<i32>} : memref<80x128xf32, #tpu.memory_space<vmem>>, vector<16xf32>,
      %get3A_146 = arith.index_cast %add3A_140 : i32 to index
      %get3A_147 = arith.constant 16 : index
      %get3A_148 = tpu.vector_load %arg19[%get3A_146, %get3A_147] {strides = array<i32>} : memref<80x128xf32, #tpu.memory_space<vmem>>, vector<16xf32>,
      %mul3A_149 = arith.mulf %get3A_148, %gather3A : vector<16xf32>
      %swap3A_150 = arith.index_cast %add3A_140 : i32 to index
      %swap3A_151 = arith.constant 16 : index
      %swap3A_152 = tpu.vector_load %arg19[%swap3A_150, %swap3A_151] {strides = array<i32>} : memref<80x128xf32, #tpu.memory_space<vmem>>, vector<16xf32>,
      tpu.vector_store %arg19[%swap3A_150, %swap3A_151], %mul3A_149 {strides = array<i32>} : memref<80x128xf32, #tpu.memory_space<vmem>>, vector<16xf32>,
      %get3A_153 = arith.index_cast %add3A_140 : i32 to index
      %get3A_154 = arith.constant 32 : index
      %get3A_155 = tpu.vector_load %arg19[%get3A_153, %get3A_154] {strides = array<i32>} : memref<80x128xf32, #tpu.memory_space<vmem>>, vector<16xf32>,
      %mul3A_156 = arith.mulf %get3A_155, %gather3A : vector<16xf32>
      %swap3A_157 = arith.index_cast %add3A_140 : i32 to index
      %swap3A_158 = arith.constant 32 : index
      %swap3A_159 = tpu.vector_load %arg19[%swap3A_157, %swap3A_158] {strides = array<i32>} : memref<80x128xf32, #tpu.memory_space<vmem>>, vector<16xf32>,
      tpu.vector_store %arg19[%swap3A_157, %swap3A_158], %mul3A_156 {strides = array<i32>} : memref<80x128xf32, #tpu.memory_space<vmem>>, vector<16xf32>,
      %get3A_160 = arith.index_cast %add3A_140 : i32 to index
      %get3A_161 = arith.constant 48 : index
      %get3A_162 = tpu.vector_load %arg19[%get3A_160, %get3A_161] {strides = array<i32>} : memref<80x128xf32, #tpu.memory_space<vmem>>, vector<16xf32>,
      %mul3A_163 = arith.mulf %get3A_162, %gather3A : vector<16xf32>
      %swap3A_164 = arith.index_cast %add3A_140 : i32 to index
      %swap3A_165 = arith.constant 48 : index
      %swap3A_166 = tpu.vector_load %arg19[%swap3A_164, %swap3A_165] {strides = array<i32>} : memref<80x128xf32, #tpu.memory_space<vmem>>, vector<16xf32>,
      tpu.vector_store %arg19[%swap3A_164, %swap3A_165], %mul3A_163 {strides = array<i32>} : memref<80x128xf32, #tpu.memory_space<vmem>>, vector<16xf32>,
      %get3A_167 = arith.index_cast %add3A_140 : i32 to index
      %get3A_168 = arith.constant 64 : index
      %get3A_169 = tpu.vector_load %arg19[%get3A_167, %get3A_168] {strides = array<i32>} : memref<80x128xf32, #tpu.memory_space<vmem>>, vector<16xf32>,
      %mul3A_170 = arith.mulf %get3A_169, %gather3A : vector<16xf32>
      %swap3A_171 = arith.index_cast %add3A_140 : i32 to index
      %swap3A_172 = arith.constant 64 : index
      %swap3A_173 = tpu.vector_load %arg19[%swap3A_171, %swap3A_172] {strides = array<i32>} : memref<80x128xf32, #tpu.memory_space<vmem>>, vector<16xf32>,
      tpu.vector_store %arg19[%swap3A_171, %swap3A_172], %mul3A_170 {strides = array<i32>} : memref<80x128xf32, #tpu.memory_space<vmem>>, vector<16xf32>,
      %get3A_174 = arith.index_cast %add3A_140 : i32 to index
      %get3A_175 = arith.constant 80 : index
      %get3A_176 = tpu.vector_load %arg19[%get3A_174, %get3A_175] {strides = array<i32>} : memref<80x128xf32, #tpu.memory_space<vmem>>, vector<16xf32>,
      %mul3A_177 = arith.mulf %get3A_176, %gather3A : vector<16xf32>
      %swap3A_178 = arith.index_cast %add3A_140 : i32 to index
      %swap3A_179 = arith.constant 80 : index
      %swap3A_180 = tpu.vector_load %arg19[%swap3A_178, %swap3A_179] {strides = array<i32>} : memref<80x128xf32, #tpu.memory_space<vmem>>, vector<16xf32>,
      tpu.vector_store %arg19[%swap3A_178, %swap3A_179], %mul3A_177 {strides = array<i32>} : memref<80x128xf32, #tpu.memory_space<vmem>>, vector<16xf32>,
      %get3A_181 = arith.index_cast %add3A_140 : i32 to index
      %get3A_182 = arith.constant 96 : index
      %get3A_183 = tpu.vector_load %arg19[%get3A_181, %get3A_182] {strides = array<i32>} : memref<80x128xf32, #tpu.memory_space<vmem>>, vector<16xf32>,
      %mul3A_184 = arith.mulf %get3A_183, %gather3A : vector<16xf32>
      %swap3A_185 = arith.index_cast %add3A_140 : i32 to index
      %swap3A_186 = arith.constant 96 : index
      %swap3A_187 = tpu.vector_load %arg19[%swap3A_185, %swap3A_186] {strides = array<i32>} : memref<80x128xf32, #tpu.memory_space<vmem>>, vector<16xf32>,
      tpu.vector_store %arg19[%swap3A_185, %swap3A_186], %mul3A_184 {strides = array<i32>} : memref<80x128xf32, #tpu.memory_space<vmem>>, vector<16xf32>,
      %get3A_188 = arith.index_cast %add3A_140 : i32 to index
      %get3A_189 = arith.constant 112 : index
      %get3A_190 = tpu.vector_load %arg19[%get3A_188, %get3A_189] {strides = array<i32>} : memref<80x128xf32, #tpu.memory_space<vmem>>, vector<16xf32>,
      %mul3A_191 = arith.mulf %get3A_190, %gather3A : vector<16xf32>
      %swap3A_192 = arith.index_cast %add3A_140 : i32 to index
      %swap3A_193 = arith.constant 112 : index
      %swap3A_194 = tpu.vector_load %arg19[%swap3A_192, %swap3A_193] {strides = array<i32>} : memref<80x128xf32, #tpu.memory_space<vmem>>, vector<16xf32>,
      tpu.vector_store %arg19[%swap3A_192, %swap3A_193], %mul3A_191 {strides = array<i32>} : memref<80x128xf32, #tpu.memory_space<vmem>>, vector<16xf32>,
      %mul3A_195 = arith.constant 5 : i32
      %mul3A_196 = arith.muli %scan3A_135, %mul3A_195 : i32
      %add3A_197 = arith.constant 1 : i32
      %add3A_198 = arith.addi %mul3A_196, %add3A_197 : i32
      %broadcast_in_dim3A_199 = vector.broadcast %add3A_198 : i32 to vector<16xi32>
      %gather3A_200 = tpu.vector_load_idx %arg17[%broadcast_in_dim3A_199] : memref<80xf32, #tpu.memory_space<vmem>>[vector<16xi32>], vector<16xf32>,
      %get3A_201 = arith.index_cast %add3A_198 : i32 to index
      %get3A_202 = arith.constant 0 : index
      %get3A_203 = tpu.vector_load %arg19[%get3A_201, %get3A_202] {strides = array<i32>} : memref<80x128xf32, #tpu.memory_space<vmem>>, vector<16xf32>,
      %mul3A_204 = arith.mulf %get3A_203, %gather3A_200 : vector<16xf32>
      %swap3A_205 = arith.index_cast %add3A_198 : i32 to index
      %swap3A_206 = arith.constant 0 : index
      %swap3A_207 = tpu.vector_load %arg19[%swap3A_205, %swap3A_206] {strides = array<i32>} : memref<80x128xf32, #tpu.memory_space<vmem>>, vector<16xf32>,
      tpu.vector_store %arg19[%swap3A_205, %swap3A_206], %mul3A_204 {strides = array<i32>} : memref<80x128xf32, #tpu.memory_space<vmem>>, vector<16xf32>,
      %get3A_208 = arith.index_cast %add3A_198 : i32 to index
      %get3A_209 = arith.constant 16 : index
      %get3A_210 = tpu.vector_load %arg19[%get3A_208, %get3A_209] {strides = array<i32>} : memref<80x128xf32, #tpu.memory_space<vmem>>, vector<16xf32>,
      %mul3A_211 = arith.mulf %get3A_210, %gather3A_200 : vector<16xf32>
      %swap3A_212 = arith.index_cast %add3A_198 : i32 to index
      %swap3A_213 = arith.constant 16 : index
      %swap3A_214 = tpu.vector_load %arg19[%swap3A_212, %swap3A_213] {strides = array<i32>} : memref<80x128xf32, #tpu.memory_space<vmem>>, vector<16xf32>,
      tpu.vector_store %arg19[%swap3A_212, %swap3A_213], %mul3A_211 {strides = array<i32>} : memref<80x128xf32, #tpu.memory_space<vmem>>, vector<16xf32>,
      %get3A_215 = arith.index_cast %add3A_198 : i32 to index
      %get3A_216 = arith.constant 32 : index
      %get3A_217 = tpu.vector_load %arg19[%get3A_215, %get3A_216] {strides = array<i32>} : memref<80x128xf32, #tpu.memory_space<vmem>>, vector<16xf32>,
      %mul3A_218 = arith.mulf %get3A_217, %gather3A_200 : vector<16xf32>
      %swap3A_219 = arith.index_cast %add3A_198 : i32 to index
      %swap3A_220 = arith.constant 32 : index
      %swap3A_221 = tpu.vector_load %arg19[%swap3A_219, %swap3A_220] {strides = array<i32>} : memref<80x128xf32, #tpu.memory_space<vmem>>, vector<16xf32>,
      tpu.vector_store %arg19[%swap3A_219, %swap3A_220], %mul3A_218 {strides = array<i32>} : memref<80x128xf32, #tpu.memory_space<vmem>>, vector<16xf32>,
      %get3A_222 = arith.index_cast %add3A_198 : i32 to index
      %get3A_223 = arith.constant 48 : index
      %get3A_224 = tpu.vector_load %arg19[%get3A_222, %get3A_223] {strides = array<i32>} : memref<80x128xf32, #tpu.memory_space<vmem>>, vector<16xf32>,
      %mul3A_225 = arith.mulf %get3A_224, %gather3A_200 : vector<16xf32>
      %swap3A_226 = arith.index_cast %add3A_198 : i32 to index
      %swap3A_227 = arith.constant 48 : index
      %swap3A_228 = tpu.vector_load %arg19[%swap3A_226, %swap3A_227] {strides = array<i32>} : memref<80x128xf32, #tpu.memory_space<vmem>>, vector<16xf32>,
      tpu.vector_store %arg19[%swap3A_226, %swap3A_227], %mul3A_225 {strides = array<i32>} : memref<80x128xf32, #tpu.memory_space<vmem>>, vector<16xf32>,
      %get3A_229 = arith.index_cast %add3A_198 : i32 to index
      %get3A_230 = arith.constant 64 : index
      %get3A_231 = tpu.vector_load %arg19[%get3A_229, %get3A_230] {strides = array<i32>} : memref<80x128xf32, #tpu.memory_space<vmem>>, vector<16xf32>,
      %mul3A_232 = arith.mulf %get3A_231, %gather3A_200 : vector<16xf32>
      %swap3A_233 = arith.index_cast %add3A_198 : i32 to index
      %swap3A_234 = arith.constant 64 : index
      %swap3A_235 = tpu.vector_load %arg19[%swap3A_233, %swap3A_234] {strides = array<i32>} : memref<80x128xf32, #tpu.memory_space<vmem>>, vector<16xf32>,
      tpu.vector_store %arg19[%swap3A_233, %swap3A_234], %mul3A_232 {strides = array<i32>} : memref<80x128xf32, #tpu.memory_space<vmem>>, vector<16xf32>,
      %get3A_236 = arith.index_cast %add3A_198 : i32 to index
      %get3A_237 = arith.constant 80 : index
      %get3A_238 = tpu.vector_load %arg19[%get3A_236, %get3A_237] {strides = array<i32>} : memref<80x128xf32, #tpu.memory_space<vmem>>, vector<16xf32>,
      %mul3A_239 = arith.mulf %get3A_238, %gather3A_200 : vector<16xf32>
      %swap3A_240 = arith.index_cast %add3A_198 : i32 to index
      %swap3A_241 = arith.constant 80 : index
      %swap3A_242 = tpu.vector_load %arg19[%swap3A_240, %swap3A_241] {strides = array<i32>} : memref<80x128xf32, #tpu.memory_space<vmem>>, vector<16xf32>,
      tpu.vector_store %arg19[%swap3A_240, %swap3A_241], %mul3A_239 {strides = array<i32>} : memref<80x128xf32, #tpu.memory_space<vmem>>, vector<16xf32>,
      %get3A_243 = arith.index_cast %add3A_198 : i32 to index
      %get3A_244 = arith.constant 96 : index
      %get3A_245 = tpu.vector_load %arg19[%get3A_243, %get3A_244] {strides = array<i32>} : memref<80x128xf32, #tpu.memory_space<vmem>>, vector<16xf32>,
      %mul3A_246 = arith.mulf %get3A_245, %gather3A_200 : vector<16xf32>
      %swap3A_247 = arith.index_cast %add3A_198 : i32 to index
      %swap3A_248 = arith.constant 96 : index
      %swap3A_249 = tpu.vector_load %arg19[%swap3A_247, %swap3A_248] {strides = array<i32>} : memref<80x128xf32, #tpu.memory_space<vmem>>, vector<16xf32>,
      tpu.vector_store %arg19[%swap3A_247, %swap3A_248], %mul3A_246 {strides = array<i32>} : memref<80x128xf32, #tpu.memory_space<vmem>>, vector<16xf32>,
      %get3A_250 = arith.index_cast %add3A_198 : i32 to index
      %get3A_251 = arith.constant 112 : index
      %get3A_252 = tpu.vector_load %arg19[%get3A_250, %get3A_251] {strides = array<i32>} : memref<80x128xf32, #tpu.memory_space<vmem>>, vector<16xf32>,
      %mul3A_253 = arith.mulf %get3A_252, %gather3A_200 : vector<16xf32>
      %swap3A_254 = arith.index_cast %add3A_198 : i32 to index
      %swap3A_255 = arith.constant 112 : index
      %swap3A_256 = tpu.vector_load %arg19[%swap3A_254, %swap3A_255] {strides = array<i32>} : memref<80x128xf32, #tpu.memory_space<vmem>>, vector<16xf32>,
      tpu.vector_store %arg19[%swap3A_254, %swap3A_255], %mul3A_253 {strides = array<i32>} : memref<80x128xf32, #tpu.memory_space<vmem>>, vector<16xf32>,
      %mul3A_257 = arith.constant 5 : i32
      %mul3A_258 = arith.muli %scan3A_135, %mul3A_257 : i32
      %add3A_259 = arith.constant 2 : i32
      %add3A_260 = arith.addi %mul3A_258, %add3A_259 : i32
      %broadcast_in_dim3A_261 = vector.broadcast %add3A_260 : i32 to vector<16xi32>
      %gather3A_262 = tpu.vector_load_idx %arg17[%broadcast_in_dim3A_261] : memref<80xf32, #tpu.memory_space<vmem>>[vector<16xi32>], vector<16xf32>,
      %get3A_263 = arith.index_cast %add3A_260 : i32 to index
      %get3A_264 = arith.constant 0 : index
      %get3A_265 = tpu.vector_load %arg19[%get3A_263, %get3A_264] {strides = array<i32>} : memref<80x128xf32, #tpu.memory_space<vmem>>, vector<16xf32>,
      %mul3A_266 = arith.mulf %get3A_265, %gather3A_262 : vector<16xf32>
      %swap3A_267 = arith.index_cast %add3A_260 : i32 to index
      %swap3A_268 = arith.constant 0 : index
      %swap3A_269 = tpu.vector_load %arg19[%swap3A_267, %swap3A_268] {strides = array<i32>} : memref<80x128xf32, #tpu.memory_space<vmem>>, vector<16xf32>,
      tpu.vector_store %arg19[%swap3A_267, %swap3A_268], %mul3A_266 {strides = array<i32>} : memref<80x128xf32, #tpu.memory_space<vmem>>, vector<16xf32>,
      %get3A_270 = arith.index_cast %add3A_260 : i32 to index
      %get3A_271 = arith.constant 16 : index
      %get3A_272 = tpu.vector_load %arg19[%get3A_270, %get3A_271] {strides = array<i32>} : memref<80x128xf32, #tpu.memory_space<vmem>>, vector<16xf32>,
      %mul3A_273 = arith.mulf %get3A_272, %gather3A_262 : vector<16xf32>
      %swap3A_274 = arith.index_cast %add3A_260 : i32 to index
      %swap3A_275 = arith.constant 16 : index
      %swap3A_276 = tpu.vector_load %arg19[%swap3A_274, %swap3A_275] {strides = array<i32>} : memref<80x128xf32, #tpu.memory_space<vmem>>, vector<16xf32>,
      tpu.vector_store %arg19[%swap3A_274, %swap3A_275], %mul3A_273 {strides = array<i32>} : memref<80x128xf32, #tpu.memory_space<vmem>>, vector<16xf32>,
      %get3A_277 = arith.index_cast %add3A_260 : i32 to index
      %get3A_278 = arith.constant 32 : index
      %get3A_279 = tpu.vector_load %arg19[%get3A_277, %get3A_278] {strides = array<i32>} : memref<80x128xf32, #tpu.memory_space<vmem>>, vector<16xf32>,
      %mul3A_280 = arith.mulf %get3A_279, %gather3A_262 : vector<16xf32>
      %swap3A_281 = arith.index_cast %add3A_260 : i32 to index
      %swap3A_282 = arith.constant 32 : index
      %swap3A_283 = tpu.vector_load %arg19[%swap3A_281, %swap3A_282] {strides = array<i32>} : memref<80x128xf32, #tpu.memory_space<vmem>>, vector<16xf32>,
      tpu.vector_store %arg19[%swap3A_281, %swap3A_282], %mul3A_280 {strides = array<i32>} : memref<80x128xf32, #tpu.memory_space<vmem>>, vector<16xf32>,
      %get3A_284 = arith.index_cast %add3A_260 : i32 to index
      %get3A_285 = arith.constant 48 : index
      %get3A_286 = tpu.vector_load %arg19[%get3A_284, %get3A_285] {strides = array<i32>} : memref<80x128xf32, #tpu.memory_space<vmem>>, vector<16xf32>,
      %mul3A_287 = arith.mulf %get3A_286, %gather3A_262 : vector<16xf32>
      %swap3A_288 = arith.index_cast %add3A_260 : i32 to index
      %swap3A_289 = arith.constant 48 : index
      %swap3A_290 = tpu.vector_load %arg19[%swap3A_288, %swap3A_289] {strides = array<i32>} : memref<80x128xf32, #tpu.memory_space<vmem>>, vector<16xf32>,
      tpu.vector_store %arg19[%swap3A_288, %swap3A_289], %mul3A_287 {strides = array<i32>} : memref<80x128xf32, #tpu.memory_space<vmem>>, vector<16xf32>,
      %get3A_291 = arith.index_cast %add3A_260 : i32 to index
      %get3A_292 = arith.constant 64 : index
      %get3A_293 = tpu.vector_load %arg19[%get3A_291, %get3A_292] {strides = array<i32>} : memref<80x128xf32, #tpu.memory_space<vmem>>, vector<16xf32>,
      %mul3A_294 = arith.mulf %get3A_293, %gather3A_262 : vector<16xf32>
      %swap3A_295 = arith.index_cast %add3A_260 : i32 to index
      %swap3A_296 = arith.constant 64 : index
      %swap3A_297 = tpu.vector_load %arg19[%swap3A_295, %swap3A_296] {strides = array<i32>} : memref<80x128xf32, #tpu.memory_space<vmem>>, vector<16xf32>,
      tpu.vector_store %arg19[%swap3A_295, %swap3A_296], %mul3A_294 {strides = array<i32>} : memref<80x128xf32, #tpu.memory_space<vmem>>, vector<16xf32>,
      %get3A_298 = arith.index_cast %add3A_260 : i32 to index
      %get3A_299 = arith.constant 80 : index
      %get3A_300 = tpu.vector_load %arg19[%get3A_298, %get3A_299] {strides = array<i32>} : memref<80x128xf32, #tpu.memory_space<vmem>>, vector<16xf32>,
      %mul3A_301 = arith.mulf %get3A_300, %gather3A_262 : vector<16xf32>
      %swap3A_302 = arith.index_cast %add3A_260 : i32 to index
      %swap3A_303 = arith.constant 80 : index
      %swap3A_304 = tpu.vector_load %arg19[%swap3A_302, %swap3A_303] {strides = array<i32>} : memref<80x128xf32, #tpu.memory_space<vmem>>, vector<16xf32>,
      tpu.vector_store %arg19[%swap3A_302, %swap3A_303], %mul3A_301 {strides = array<i32>} : memref<80x128xf32, #tpu.memory_space<vmem>>, vector<16xf32>,
      %get3A_305 = arith.index_cast %add3A_260 : i32 to index
      %get3A_306 = arith.constant 96 : index
      %get3A_307 = tpu.vector_load %arg19[%get3A_305, %get3A_306] {strides = array<i32>} : memref<80x128xf32, #tpu.memory_space<vmem>>, vector<16xf32>,
      %mul3A_308 = arith.mulf %get3A_307, %gather3A_262 : vector<16xf32>
      %swap3A_309 = arith.index_cast %add3A_260 : i32 to index
      %swap3A_310 = arith.constant 96 : index
      %swap3A_311 = tpu.vector_load %arg19[%swap3A_309, %swap3A_310] {strides = array<i32>} : memref<80x128xf32, #tpu.memory_space<vmem>>, vector<16xf32>,
      tpu.vector_store %arg19[%swap3A_309, %swap3A_310], %mul3A_308 {strides = array<i32>} : memref<80x128xf32, #tpu.memory_space<vmem>>, vector<16xf32>,
      %get3A_312 = arith.index_cast %add3A_260 : i32 to index
      %get3A_313 = arith.constant 112 : index
      %get3A_314 = tpu.vector_load %arg19[%get3A_312, %get3A_313] {strides = array<i32>} : memref<80x128xf32, #tpu.memory_space<vmem>>, vector<16xf32>,
      %mul3A_315 = arith.mulf %get3A_314, %gather3A_262 : vector<16xf32>
      %swap3A_316 = arith.index_cast %add3A_260 : i32 to index
      %swap3A_317 = arith.constant 112 : index
      %swap3A_318 = tpu.vector_load %arg19[%swap3A_316, %swap3A_317] {strides = array<i32>} : memref<80x128xf32, #tpu.memory_space<vmem>>, vector<16xf32>,
      tpu.vector_store %arg19[%swap3A_316, %swap3A_317], %mul3A_315 {strides = array<i32>} : memref<80x128xf32, #tpu.memory_space<vmem>>, vector<16xf32>,
      %mul3A_319 = arith.constant 5 : i32
      %mul3A_320 = arith.muli %scan3A_135, %mul3A_319 : i32
      %add3A_321 = arith.constant 3 : i32
      %add3A_322 = arith.addi %mul3A_320, %add3A_321 : i32
      %broadcast_in_dim3A_323 = vector.broadcast %add3A_322 : i32 to vector<16xi32>
      %gather3A_324 = tpu.vector_load_idx %arg17[%broadcast_in_dim3A_323] : memref<80xf32, #tpu.memory_space<vmem>>[vector<16xi32>], vector<16xf32>,
      %get3A_325 = arith.index_cast %add3A_322 : i32 to index
      %get3A_326 = arith.constant 0 : index
      %get3A_327 = tpu.vector_load %arg19[%get3A_325, %get3A_326] {strides = array<i32>} : memref<80x128xf32, #tpu.memory_space<vmem>>, vector<16xf32>,
      %mul3A_328 = arith.mulf %get3A_327, %gather3A_324 : vector<16xf32>
      %swap3A_329 = arith.index_cast %add3A_322 : i32 to index
      %swap3A_330 = arith.constant 0 : index
      %swap3A_331 = tpu.vector_load %arg19[%swap3A_329, %swap3A_330] {strides = array<i32>} : memref<80x128xf32, #tpu.memory_space<vmem>>, vector<16xf32>,
      tpu.vector_store %arg19[%swap3A_329, %swap3A_330], %mul3A_328 {strides = array<i32>} : memref<80x128xf32, #tpu.memory_space<vmem>>, vector<16xf32>,
      %get3A_332 = arith.index_cast %add3A_322 : i32 to index
      %get3A_333 = arith.constant 16 : index
      %get3A_334 = tpu.vector_load %arg19[%get3A_332, %get3A_333] {strides = array<i32>} : memref<80x128xf32, #tpu.memory_space<vmem>>, vector<16xf32>,
      %mul3A_335 = arith.mulf %get3A_334, %gather3A_324 : vector<16xf32>
      %swap3A_336 = arith.index_cast %add3A_322 : i32 to index
      %swap3A_337 = arith.constant 16 : index
      %swap3A_338 = tpu.vector_load %arg19[%swap3A_336, %swap3A_337] {strides = array<i32>} : memref<80x128xf32, #tpu.memory_space<vmem>>, vector<16xf32>,
      tpu.vector_store %arg19[%swap3A_336, %swap3A_337], %mul3A_335 {strides = array<i32>} : memref<80x128xf32, #tpu.memory_space<vmem>>, vector<16xf32>,
      %get3A_339 = arith.index_cast %add3A_322 : i32 to index
      %get3A_340 = arith.constant 32 : index
      %get3A_341 = tpu.vector_load %arg19[%get3A_339, %get3A_340] {strides = array<i32>} : memref<80x128xf32, #tpu.memory_space<vmem>>, vector<16xf32>,
      %mul3A_342 = arith.mulf %get3A_341, %gather3A_324 : vector<16xf32>
      %swap3A_343 = arith.index_cast %add3A_322 : i32 to index
      %swap3A_344 = arith.constant 32 : index
      %swap3A_345 = tpu.vector_load %arg19[%swap3A_343, %swap3A_344] {strides = array<i32>} : memref<80x128xf32, #tpu.memory_space<vmem>>, vector<16xf32>,
      tpu.vector_store %arg19[%swap3A_343, %swap3A_344], %mul3A_342 {strides = array<i32>} : memref<80x128xf32, #tpu.memory_space<vmem>>, vector<16xf32>,
      %get3A_346 = arith.index_cast %add3A_322 : i32 to index
      %get3A_347 = arith.constant 48 : index
      %get3A_348 = tpu.vector_load %arg19[%get3A_346, %get3A_347] {strides = array<i32>} : memref<80x128xf32, #tpu.memory_space<vmem>>, vector<16xf32>,
      %mul3A_349 = arith.mulf %get3A_348, %gather3A_324 : vector<16xf32>
      %swap3A_350 = arith.index_cast %add3A_322 : i32 to index
      %swap3A_351 = arith.constant 48 : index
      %swap3A_352 = tpu.vector_load %arg19[%swap3A_350, %swap3A_351] {strides = array<i32>} : memref<80x128xf32, #tpu.memory_space<vmem>>, vector<16xf32>,
      tpu.vector_store %arg19[%swap3A_350, %swap3A_351], %mul3A_349 {strides = array<i32>} : memref<80x128xf32, #tpu.memory_space<vmem>>, vector<16xf32>,
      %get3A_353 = arith.index_cast %add3A_322 : i32 to index
      %get3A_354 = arith.constant 64 : index
      %get3A_355 = tpu.vector_load %arg19[%get3A_353, %get3A_354] {strides = array<i32>} : memref<80x128xf32, #tpu.memory_space<vmem>>, vector<16xf32>,
      %mul3A_356 = arith.mulf %get3A_355, %gather3A_324 : vector<16xf32>
      %swap3A_357 = arith.index_cast %add3A_322 : i32 to index
      %swap3A_358 = arith.constant 64 : index
      %swap3A_359 = tpu.vector_load %arg19[%swap3A_357, %swap3A_358] {strides = array<i32>} : memref<80x128xf32, #tpu.memory_space<vmem>>, vector<16xf32>,
      tpu.vector_store %arg19[%swap3A_357, %swap3A_358], %mul3A_356 {strides = array<i32>} : memref<80x128xf32, #tpu.memory_space<vmem>>, vector<16xf32>,
      %get3A_360 = arith.index_cast %add3A_322 : i32 to index
      %get3A_361 = arith.constant 80 : index
      %get3A_362 = tpu.vector_load %arg19[%get3A_360, %get3A_361] {strides = array<i32>} : memref<80x128xf32, #tpu.memory_space<vmem>>, vector<16xf32>,
      %mul3A_363 = arith.mulf %get3A_362, %gather3A_324 : vector<16xf32>
      %swap3A_364 = arith.index_cast %add3A_322 : i32 to index
      %swap3A_365 = arith.constant 80 : index
      %swap3A_366 = tpu.vector_load %arg19[%swap3A_364, %swap3A_365] {strides = array<i32>} : memref<80x128xf32, #tpu.memory_space<vmem>>, vector<16xf32>,
      tpu.vector_store %arg19[%swap3A_364, %swap3A_365], %mul3A_363 {strides = array<i32>} : memref<80x128xf32, #tpu.memory_space<vmem>>, vector<16xf32>,
      %get3A_367 = arith.index_cast %add3A_322 : i32 to index
      %get3A_368 = arith.constant 96 : index
      %get3A_369 = tpu.vector_load %arg19[%get3A_367, %get3A_368] {strides = array<i32>} : memref<80x128xf32, #tpu.memory_space<vmem>>, vector<16xf32>,
      %mul3A_370 = arith.mulf %get3A_369, %gather3A_324 : vector<16xf32>
      %swap3A_371 = arith.index_cast %add3A_322 : i32 to index
      %swap3A_372 = arith.constant 96 : index
      %swap3A_373 = tpu.vector_load %arg19[%swap3A_371, %swap3A_372] {strides = array<i32>} : memref<80x128xf32, #tpu.memory_space<vmem>>, vector<16xf32>,
      tpu.vector_store %arg19[%swap3A_371, %swap3A_372], %mul3A_370 {strides = array<i32>} : memref<80x128xf32, #tpu.memory_space<vmem>>, vector<16xf32>,
      %get3A_374 = arith.index_cast %add3A_322 : i32 to index
      %get3A_375 = arith.constant 112 : index
      %get3A_376 = tpu.vector_load %arg19[%get3A_374, %get3A_375] {strides = array<i32>} : memref<80x128xf32, #tpu.memory_space<vmem>>, vector<16xf32>,
      %mul3A_377 = arith.mulf %get3A_376, %gather3A_324 : vector<16xf32>
      %swap3A_378 = arith.index_cast %add3A_322 : i32 to index
      %swap3A_379 = arith.constant 112 : index
      %swap3A_380 = tpu.vector_load %arg19[%swap3A_378, %swap3A_379] {strides = array<i32>} : memref<80x128xf32, #tpu.memory_space<vmem>>, vector<16xf32>,
      tpu.vector_store %arg19[%swap3A_378, %swap3A_379], %mul3A_377 {strides = array<i32>} : memref<80x128xf32, #tpu.memory_space<vmem>>, vector<16xf32>,
      %mul3A_381 = arith.constant 5 : i32
      %mul3A_382 = arith.muli %scan3A_135, %mul3A_381 : i32
      %add3A_383 = arith.constant 4 : i32
      %add3A_384 = arith.addi %mul3A_382, %add3A_383 : i32
      %broadcast_in_dim3A_385 = vector.broadcast %add3A_384 : i32 to vector<16xi32>
      %gather3A_386 = tpu.vector_load_idx %arg17[%broadcast_in_dim3A_385] : memref<80xf32, #tpu.memory_space<vmem>>[vector<16xi32>], vector<16xf32>,
      %get3A_387 = arith.index_cast %add3A_384 : i32 to index
      %get3A_388 = arith.constant 0 : index
      %get3A_389 = tpu.vector_load %arg19[%get3A_387, %get3A_388] {strides = array<i32>} : memref<80x128xf32, #tpu.memory_space<vmem>>, vector<16xf32>,
      %mul3A_390 = arith.mulf %get3A_389, %gather3A_386 : vector<16xf32>
      %swap3A_391 = arith.index_cast %add3A_384 : i32 to index
      %swap3A_392 = arith.constant 0 : index
      %swap3A_393 = tpu.vector_load %arg19[%swap3A_391, %swap3A_392] {strides = array<i32>} : memref<80x128xf32, #tpu.memory_space<vmem>>, vector<16xf32>,
      tpu.vector_store %arg19[%swap3A_391, %swap3A_392], %mul3A_390 {strides = array<i32>} : memref<80x128xf32, #tpu.memory_space<vmem>>, vector<16xf32>,
      %get3A_394 = arith.index_cast %add3A_384 : i32 to index
      %get3A_395 = arith.constant 16 : index
      %get3A_396 = tpu.vector_load %arg19[%get3A_394, %get3A_395] {strides = array<i32>} : memref<80x128xf32, #tpu.memory_space<vmem>>, vector<16xf32>,
      %mul3A_397 = arith.mulf %get3A_396, %gather3A_386 : vector<16xf32>
      %swap3A_398 = arith.index_cast %add3A_384 : i32 to index
      %swap3A_399 = arith.constant 16 : index
      %swap3A_400 = tpu.vector_load %arg19[%swap3A_398, %swap3A_399] {strides = array<i32>} : memref<80x128xf32, #tpu.memory_space<vmem>>, vector<16xf32>,
      tpu.vector_store %arg19[%swap3A_398, %swap3A_399], %mul3A_397 {strides = array<i32>} : memref<80x128xf32, #tpu.memory_space<vmem>>, vector<16xf32>,
      %get3A_401 = arith.index_cast %add3A_384 : i32 to index
      %get3A_402 = arith.constant 32 : index
      %get3A_403 = tpu.vector_load %arg19[%get3A_401, %get3A_402] {strides = array<i32>} : memref<80x128xf32, #tpu.memory_space<vmem>>, vector<16xf32>,
      %mul3A_404 = arith.mulf %get3A_403, %gather3A_386 : vector<16xf32>
      %swap3A_405 = arith.index_cast %add3A_384 : i32 to index
      %swap3A_406 = arith.constant 32 : index
      %swap3A_407 = tpu.vector_load %arg19[%swap3A_405, %swap3A_406] {strides = array<i32>} : memref<80x128xf32, #tpu.memory_space<vmem>>, vector<16xf32>,
      tpu.vector_store %arg19[%swap3A_405, %swap3A_406], %mul3A_404 {strides = array<i32>} : memref<80x128xf32, #tpu.memory_space<vmem>>, vector<16xf32>,
      %get3A_408 = arith.index_cast %add3A_384 : i32 to index
      %get3A_409 = arith.constant 48 : index
      %get3A_410 = tpu.vector_load %arg19[%get3A_408, %get3A_409] {strides = array<i32>} : memref<80x128xf32, #tpu.memory_space<vmem>>, vector<16xf32>,
      %mul3A_411 = arith.mulf %get3A_410, %gather3A_386 : vector<16xf32>
      %swap3A_412 = arith.index_cast %add3A_384 : i32 to index
      %swap3A_413 = arith.constant 48 : index
      %swap3A_414 = tpu.vector_load %arg19[%swap3A_412, %swap3A_413] {strides = array<i32>} : memref<80x128xf32, #tpu.memory_space<vmem>>, vector<16xf32>,
      tpu.vector_store %arg19[%swap3A_412, %swap3A_413], %mul3A_411 {strides = array<i32>} : memref<80x128xf32, #tpu.memory_space<vmem>>, vector<16xf32>,
      %get3A_415 = arith.index_cast %add3A_384 : i32 to index
      %get3A_416 = arith.constant 64 : index
      %get3A_417 = tpu.vector_load %arg19[%get3A_415, %get3A_416] {strides = array<i32>} : memref<80x128xf32, #tpu.memory_space<vmem>>, vector<16xf32>,
      %mul3A_418 = arith.mulf %get3A_417, %gather3A_386 : vector<16xf32>
      %swap3A_419 = arith.index_cast %add3A_384 : i32 to index
      %swap3A_420 = arith.constant 64 : index
      %swap3A_421 = tpu.vector_load %arg19[%swap3A_419, %swap3A_420] {strides = array<i32>} : memref<80x128xf32, #tpu.memory_space<vmem>>, vector<16xf32>,
      tpu.vector_store %arg19[%swap3A_419, %swap3A_420], %mul3A_418 {strides = array<i32>} : memref<80x128xf32, #tpu.memory_space<vmem>>, vector<16xf32>,
      %get3A_422 = arith.index_cast %add3A_384 : i32 to index
      %get3A_423 = arith.constant 80 : index
      %get3A_424 = tpu.vector_load %arg19[%get3A_422, %get3A_423] {strides = array<i32>} : memref<80x128xf32, #tpu.memory_space<vmem>>, vector<16xf32>,
      %mul3A_425 = arith.mulf %get3A_424, %gather3A_386 : vector<16xf32>
      %swap3A_426 = arith.index_cast %add3A_384 : i32 to index
      %swap3A_427 = arith.constant 80 : index
      %swap3A_428 = tpu.vector_load %arg19[%swap3A_426, %swap3A_427] {strides = array<i32>} : memref<80x128xf32, #tpu.memory_space<vmem>>, vector<16xf32>,
      tpu.vector_store %arg19[%swap3A_426, %swap3A_427], %mul3A_425 {strides = array<i32>} : memref<80x128xf32, #tpu.memory_space<vmem>>, vector<16xf32>,
      %get3A_429 = arith.index_cast %add3A_384 : i32 to index
      %get3A_430 = arith.constant 96 : index
      %get3A_431 = tpu.vector_load %arg19[%get3A_429, %get3A_430] {strides = array<i32>} : memref<80x128xf32, #tpu.memory_space<vmem>>, vector<16xf32>,
      %mul3A_432 = arith.mulf %get3A_431, %gather3A_386 : vector<16xf32>
      %swap3A_433 = arith.index_cast %add3A_384 : i32 to index
      %swap3A_434 = arith.constant 96 : index
      %swap3A_435 = tpu.vector_load %arg19[%swap3A_433, %swap3A_434] {strides = array<i32>} : memref<80x128xf32, #tpu.memory_space<vmem>>, vector<16xf32>,
      tpu.vector_store %arg19[%swap3A_433, %swap3A_434], %mul3A_432 {strides = array<i32>} : memref<80x128xf32, #tpu.memory_space<vmem>>, vector<16xf32>,
      %get3A_436 = arith.index_cast %add3A_384 : i32 to index
      %get3A_437 = arith.constant 112 : index
      %get3A_438 = tpu.vector_load %arg19[%get3A_436, %get3A_437] {strides = array<i32>} : memref<80x128xf32, #tpu.memory_space<vmem>>, vector<16xf32>,
      %mul3A_439 = arith.mulf %get3A_438, %gather3A_386 : vector<16xf32>
      %swap3A_440 = arith.index_cast %add3A_384 : i32 to index
      %swap3A_441 = arith.constant 112 : index
      %swap3A_442 = tpu.vector_load %arg19[%swap3A_440, %swap3A_441] {strides = array<i32>} : memref<80x128xf32, #tpu.memory_space<vmem>>, vector<16xf32>,
      tpu.vector_store %arg19[%swap3A_440, %swap3A_441], %mul3A_439 {strides = array<i32>} : memref<80x128xf32, #tpu.memory_space<vmem>>, vector<16xf32>,
      %scan3A_443 = arith.constant 0 : i32
      scf.yield %scan3A_443 : i32
    }
    %scan3A_124 = arith.constant 16 : i32
    "tpu.region"() ({
      %run_scoped3A = tpu.sem_alloc : memref<!tpu.dma_semaphore, #tpu.memory_space<semaphore_mem>>
      %dma_start3A_135 = arith.constant 0 : i32
      %dma_start3A_136 = arith.constant 0 : i32
      %dma_start3A_137 = tpu.memref_slice %arg22[%dma_start3A_135, %dma_start3A_136] : memref<10000x128xf32, #tpu.memory_space<vmem_shared>> -> memref<10000x128xf32, #tpu.memory_space<vmem_shared>>
      tpu.enqueue_indirect_dma source(%arg19 : memref<80x128xf32, #tpu.memory_space<vmem>>) target(%dma_start3A_137 : memref<10000x128xf32, #tpu.memory_space<vmem_shared>>) offsets(%arg11 : memref<80xi32, #tpu.memory_space<vmem>>) semaphore(%run_scoped3A : memref<!tpu.dma_semaphore, #tpu.memory_space<semaphore_mem>>) {add = true}
      %dma_wait3A_138 = arith.constant 0 : i32
      %dma_wait3A_139 = arith.constant 0 : i32
      %dma_wait3A_140 = tpu.memref_slice %arg22[%dma_wait3A_138, %dma_wait3A_139] : memref<10000x128xf32, #tpu.memory_space<vmem_shared>> -> memref<10000x128xf32, #tpu.memory_space<vmem_shared>>
      tpu.wait_indirect_dma semaphore(%run_scoped3A : memref<!tpu.dma_semaphore, #tpu.memory_space<semaphore_mem>>) src(%arg19 : memref<80x128xf32, #tpu.memory_space<vmem>>) dst(%dma_wait3A_140 : memref<10000x128xf32, #tpu.memory_space<vmem_shared>>)
      tpu.yield
    }) : () -> ()
    %barrier3A_125 = arith.constant 0 : index
    tpu.barrier barrier_id(%barrier3A_125)
    %mul3A_126 = arith.constant 624 : i32
    %mul3A_127 = arith.muli %arg1, %mul3A_126 : i32
    %mul3A_128 = arith.constant 624 : i32
    %mul3A_129 = arith.muli %arg1, %mul3A_128 : i32
    "tpu.region"() ({
      %run_scoped3A = tpu.sem_alloc : memref<!tpu.dma_semaphore, #tpu.memory_space<semaphore_mem>>
      %dma_start3A_135 = arith.constant 0 : i32
      %dma_start3A_136 = tpu.memref_slice %arg7[%arg0, %mul3A_129, %dma_start3A_135] : memref<2x10000x128xf32, #tpu.memory_space<hbm>> -> memref<1x624x128xf32, #tpu.memory_space<hbm>>
      %dma_start3A_137 = tpu.memref_squeeze %dma_start3A_136 : memref<1x624x128xf32, #tpu.memory_space<hbm>> -> memref<624x128xf32, #tpu.memory_space<hbm>>
      %dma_start3A_138 = arith.constant 0 : i32
      %dma_start3A_139 = tpu.memref_slice %arg22[%mul3A_127, %dma_start3A_138] : memref<10000x128xf32, #tpu.memory_space<vmem_shared>> -> memref<624x128xf32, #tpu.memory_space<vmem_shared>>
      tpu.enqueue_dma source(%dma_start3A_139 : memref<624x128xf32, #tpu.memory_space<vmem_shared>>) target(%dma_start3A_137 : memref<624x128xf32, #tpu.memory_space<hbm>>) target_semaphore(%run_scoped3A : memref<!tpu.dma_semaphore, #tpu.memory_space<semaphore_mem>>)
      %dma_wait3A_140 = arith.constant 0 : i32
      %dma_wait3A_141 = tpu.memref_slice %arg7[%arg0, %mul3A_129, %dma_wait3A_140] : memref<2x10000x128xf32, #tpu.memory_space<hbm>> -> memref<1x624x128xf32, #tpu.memory_space<hbm>>
      %dma_wait3A_142 = tpu.memref_squeeze %dma_wait3A_141 : memref<1x624x128xf32, #tpu.memory_space<hbm>> -> memref<624x128xf32, #tpu.memory_space<hbm>>
      %dma_wait3A_143 = arith.constant 0 : i32
      %dma_wait3A_144 = tpu.memref_slice %arg22[%mul3A_127, %dma_wait3A_143] : memref<10000x128xf32, #tpu.memory_space<vmem_shared>> -> memref<624x128xf32, #tpu.memory_space<vmem_shared>>
      tpu.wait_dma2 semaphore(%run_scoped3A : memref<!tpu.dma_semaphore, #tpu.memory_space<semaphore_mem>>) src(%dma_wait3A_144 : memref<624x128xf32, #tpu.memory_space<vmem_shared>>) dst(%dma_wait3A_142 : memref<624x128xf32, #tpu.memory_space<hbm>>)
      tpu.yield
    }) : () -> ()
    %eq3A_130 = arith.constant 15 : i32
    %eq3A_131 = arith.cmpi eq, %arg1, %eq3A_130 : i32
    %convert_element_type3A_132 = arith.extui %eq3A_131 : i1 to i32
    %cond3A_133 = arith.constant 0 : i32
    %cond3A_134 = arith.cmpi ne, %convert_element_type3A_132, %cond3A_133 : i32
    scf.if %cond3A_134 {
      "tpu.region"() ({
        %run_scoped3A = tpu.sem_alloc : memref<!tpu.dma_semaphore, #tpu.memory_space<semaphore_mem>>
        %dma_start3A_135 = arith.constant 9984 : i32
        %dma_start3A_136 = arith.constant 0 : i32
        %dma_start3A_137 = tpu.memref_slice %arg7[%arg0, %dma_start3A_135, %dma_start3A_136] : memref<2x10000x128xf32, #tpu.memory_space<hbm>> -> memref<1x16x128xf32, #tpu.memory_space<hbm>>
        %dma_start3A_138 = tpu.memref_squeeze %dma_start3A_137 : memref<1x16x128xf32, #tpu.memory_space<hbm>> -> memref<16x128xf32, #tpu.memory_space<hbm>>
        %dma_start3A_139 = arith.constant 9984 : i32
        %dma_start3A_140 = arith.constant 0 : i32
        %dma_start3A_141 = tpu.memref_slice %arg22[%dma_start3A_139, %dma_start3A_140] : memref<10000x128xf32, #tpu.memory_space<vmem_shared>> -> memref<16x128xf32, #tpu.memory_space<vmem_shared>>
        tpu.enqueue_dma source(%dma_start3A_141 : memref<16x128xf32, #tpu.memory_space<vmem_shared>>) target(%dma_start3A_138 : memref<16x128xf32, #tpu.memory_space<hbm>>) target_semaphore(%run_scoped3A : memref<!tpu.dma_semaphore, #tpu.memory_space<semaphore_mem>>)
        %dma_wait3A_142 = arith.constant 9984 : i32
        %dma_wait3A_143 = arith.constant 0 : i32
        %dma_wait3A_144 = tpu.memref_slice %arg7[%arg0, %dma_wait3A_142, %dma_wait3A_143] : memref<2x10000x128xf32, #tpu.memory_space<hbm>> -> memref<1x16x128xf32, #tpu.memory_space<hbm>>
        %dma_wait3A_145 = tpu.memref_squeeze %dma_wait3A_144 : memref<1x16x128xf32, #tpu.memory_space<hbm>> -> memref<16x128xf32, #tpu.memory_space<hbm>>
        %dma_wait3A_146 = arith.constant 9984 : i32
        %dma_wait3A_147 = arith.constant 0 : i32
        %dma_wait3A_148 = tpu.memref_slice %arg22[%dma_wait3A_146, %dma_wait3A_147] : memref<10000x128xf32, #tpu.memory_space<vmem_shared>> -> memref<16x128xf32, #tpu.memory_space<vmem_shared>>
        tpu.wait_dma2 semaphore(%run_scoped3A : memref<!tpu.dma_semaphore, #tpu.memory_space<semaphore_mem>>) src(%dma_wait3A_148 : memref<16x128xf32, #tpu.memory_space<vmem_shared>>) dst(%dma_wait3A_145 : memref<16x128xf32, #tpu.memory_space<hbm>>)
        tpu.yield
      }) : () -> ()
    } else {
    }
    return
  }
}

#map = affine_map<(d0, d1) -> (0)>
module attributes {stable_mosaic.version = 14 : i64} {
  func.func @_deg_kernel(%arg0: i32, %arg1: i32, %arg2: memref<320000xi32, #tpu.memory_space<hbm>>, %arg3: memref<320000xf32, #tpu.memory_space<hbm>>, %arg4: memref<320000xf32, #tpu.memory_space<hbm>>, %arg5: memref<10000xi32, #tpu.memory_space<vmem>>, %arg6: memref<10000xf32, #tpu.memory_space<vmem>>, %arg7: memref<10000xf32, #tpu.memory_space<vmem>>) attributes {dimension_semantics = [#tpu.dimension_semantics<core_parallel>, #tpu.dimension_semantics<subcore_parallel>], iteration_bounds = array<i64: 2, 16>, scalar_prefetch = 0 : i64, scratch_operands = 3 : i64, tpu.core_type = #tpu.core_type<sc_vector_subcore>, window_params = [{transform_indices = #map}, {transform_indices = #map}, {transform_indices = #map}]} {
    %mul3A = arith.constant 2 : i32
    %mul3A_0 = arith.muli %arg1, %mul3A : i32
    %add3A = arith.addi %mul3A_0, %arg0 : i32
    %mul3A_1 = arith.constant 10000 : i32
    %mul3A_2 = arith.muli %add3A, %mul3A_1 : i32
    %scan3A = arith.constant 0 : i32
    %scan3A_3 = arith.constant 0 : i32
    %scan3A_4 = arith.constant 625 : i32
    %scan3A_5 = arith.addi %scan3A_3, %scan3A_4 : i32
    %scan3A_6 = arith.constant 1 : i32
    %scan3A_7 = scf.for %scan3A_18 = %scan3A_3 to %scan3A_5 step %scan3A_6 iter_args(%scan3A_19 = %scan3A) -> (i32)  : i32 {
      %broadcast_in_dim3A = arith.constant 0.000000e+00 : f32
      %broadcast_in_dim3A_20 = vector.broadcast %broadcast_in_dim3A : f32 to vector<16xf32>
      %mul3A_21 = arith.constant 16 : i32
      %mul3A_22 = arith.muli %scan3A_18, %mul3A_21 : i32
      %swap3A = arith.index_cast %mul3A_22 : i32 to index
      %swap3A_23 = tpu.vector_load %arg7[%swap3A] {strides = array<i32>} : memref<10000xf32, #tpu.memory_space<vmem>>, vector<16xf32>,
      tpu.vector_store %arg7[%swap3A], %broadcast_in_dim3A_20 {strides = array<i32>} : memref<10000xf32, #tpu.memory_space<vmem>>, vector<16xf32>,
      %scan3A_24 = arith.constant 0 : i32
      scf.yield %scan3A_24 : i32
    }
    %scan3A_8 = arith.constant 625 : i32
    "tpu.region"() ({
      %run_scoped3A = tpu.sem_alloc : memref<!tpu.dma_semaphore, #tpu.memory_space<semaphore_mem>>
      %dma_start3A = tpu.memref_slice %arg2[%mul3A_2] : memref<320000xi32, #tpu.memory_space<hbm>> -> memref<10000xi32, #tpu.memory_space<hbm>>
      %dma_start3A_18 = tpu.memref_slice %arg2[%mul3A_2] : memref<320000xi32, #tpu.memory_space<hbm>> -> memref<10000xi32, #tpu.memory_space<hbm>>
      tpu.enqueue_dma source(%dma_start3A_18 : memref<10000xi32, #tpu.memory_space<hbm>>) target(%arg5 : memref<10000xi32, #tpu.memory_space<vmem>>) target_semaphore(%run_scoped3A : memref<!tpu.dma_semaphore, #tpu.memory_space<semaphore_mem>>)
      %dma_wait3A = tpu.memref_slice %arg2[%mul3A_2] : memref<320000xi32, #tpu.memory_space<hbm>> -> memref<10000xi32, #tpu.memory_space<hbm>>
      %dma_wait3A_19 = tpu.memref_slice %arg2[%mul3A_2] : memref<320000xi32, #tpu.memory_space<hbm>> -> memref<10000xi32, #tpu.memory_space<hbm>>
      tpu.wait_dma2 semaphore(%run_scoped3A : memref<!tpu.dma_semaphore, #tpu.memory_space<semaphore_mem>>) src(%dma_wait3A_19 : memref<10000xi32, #tpu.memory_space<hbm>>) dst(%arg5 : memref<10000xi32, #tpu.memory_space<vmem>>)
      tpu.yield
    }) : () -> ()
    "tpu.region"() ({
      %run_scoped3A = tpu.sem_alloc : memref<!tpu.dma_semaphore, #tpu.memory_space<semaphore_mem>>
      %dma_start3A = tpu.memref_slice %arg3[%mul3A_2] : memref<320000xf32, #tpu.memory_space<hbm>> -> memref<10000xf32, #tpu.memory_space<hbm>>
      %dma_start3A_18 = tpu.memref_slice %arg3[%mul3A_2] : memref<320000xf32, #tpu.memory_space<hbm>> -> memref<10000xf32, #tpu.memory_space<hbm>>
      tpu.enqueue_dma source(%dma_start3A_18 : memref<10000xf32, #tpu.memory_space<hbm>>) target(%arg6 : memref<10000xf32, #tpu.memory_space<vmem>>) target_semaphore(%run_scoped3A : memref<!tpu.dma_semaphore, #tpu.memory_space<semaphore_mem>>)
      %dma_wait3A = tpu.memref_slice %arg3[%mul3A_2] : memref<320000xf32, #tpu.memory_space<hbm>> -> memref<10000xf32, #tpu.memory_space<hbm>>
      %dma_wait3A_19 = tpu.memref_slice %arg3[%mul3A_2] : memref<320000xf32, #tpu.memory_space<hbm>> -> memref<10000xf32, #tpu.memory_space<hbm>>
      tpu.wait_dma2 semaphore(%run_scoped3A : memref<!tpu.dma_semaphore, #tpu.memory_space<semaphore_mem>>) src(%dma_wait3A_19 : memref<10000xf32, #tpu.memory_space<hbm>>) dst(%arg6 : memref<10000xf32, #tpu.memory_space<vmem>>)
      tpu.yield
    }) : () -> ()
    %scan3A_9 = arith.constant 0 : i32
    %scan3A_10 = arith.constant 0 : i32
    %scan3A_11 = arith.constant 625 : i32
    %scan3A_12 = arith.addi %scan3A_10, %scan3A_11 : i32
    %scan3A_13 = arith.constant 1 : i32
    %scan3A_14 = scf.for %scan3A_18 = %scan3A_10 to %scan3A_12 step %scan3A_13 iter_args(%scan3A_19 = %scan3A_9) -> (i32)  : i32 {
      %mul3A_20 = arith.constant 16 : i32
      %mul3A_21 = arith.muli %scan3A_18, %mul3A_20 : i32
      %get3A = arith.index_cast %mul3A_21 : i32 to index
      %get3A_22 = tpu.vector_load %arg5[%get3A] {strides = array<i32>} : memref<10000xi32, #tpu.memory_space<vmem>>, vector<16xi32>,
      %mul3A_23 = arith.constant 16 : i32
      %mul3A_24 = arith.muli %scan3A_18, %mul3A_23 : i32
      %get3A_25 = arith.index_cast %mul3A_24 : i32 to index
      %get3A_26 = tpu.vector_load %arg6[%get3A_25] {strides = array<i32>} : memref<10000xf32, #tpu.memory_space<vmem>>, vector<16xf32>,
      tpu.vector_store_idx %arg7[%get3A_22], %get3A_26 {add = true} : memref<10000xf32, #tpu.memory_space<vmem>>[vector<16xi32>], vector<16xf32>,
      %scan3A_27 = arith.constant 0 : i32
      scf.yield %scan3A_27 : i32
    }
    %scan3A_15 = arith.constant 625 : i32
    %mul3A_16 = arith.constant 10000 : i32
    %mul3A_17 = arith.muli %add3A, %mul3A_16 : i32
    "tpu.region"() ({
      %run_scoped3A = tpu.sem_alloc : memref<!tpu.dma_semaphore, #tpu.memory_space<semaphore_mem>>
      %dma_start3A = tpu.memref_slice %arg4[%mul3A_17] : memref<320000xf32, #tpu.memory_space<hbm>> -> memref<10000xf32, #tpu.memory_space<hbm>>
      %dma_start3A_18 = tpu.memref_slice %arg4[%mul3A_17] : memref<320000xf32, #tpu.memory_space<hbm>> -> memref<10000xf32, #tpu.memory_space<hbm>>
      tpu.enqueue_dma source(%arg7 : memref<10000xf32, #tpu.memory_space<vmem>>) target(%dma_start3A_18 : memref<10000xf32, #tpu.memory_space<hbm>>) target_semaphore(%run_scoped3A : memref<!tpu.dma_semaphore, #tpu.memory_space<semaphore_mem>>)
      %dma_wait3A = tpu.memref_slice %arg4[%mul3A_17] : memref<320000xf32, #tpu.memory_space<hbm>> -> memref<10000xf32, #tpu.memory_space<hbm>>
      %dma_wait3A_19 = tpu.memref_slice %arg4[%mul3A_17] : memref<320000xf32, #tpu.memory_space<hbm>> -> memref<10000xf32, #tpu.memory_space<hbm>>
      tpu.wait_dma2 semaphore(%run_scoped3A : memref<!tpu.dma_semaphore, #tpu.memory_space<semaphore_mem>>) src(%arg7 : memref<10000xf32, #tpu.memory_space<vmem>>) dst(%dma_wait3A_19 : memref<10000xf32, #tpu.memory_space<hbm>>)
      tpu.yield
    }) : () -> ()
    return
  }
}

module attributes {stable_mosaic.version = 14 : i64} {
  func.func @_gru_body(%arg0: memref<2x10000x128xf32, #tpu.memory_space<vmem>>, %arg1: memref<10000x128xf32, #tpu.memory_space<vmem>>, %arg2: memref<10000xf32, #tpu.memory_space<vmem>>, %arg3: memref<10000x128xf32, #tpu.memory_space<vmem>>, %arg4: memref<384x128xf32, #tpu.memory_space<vmem>>, %arg5: memref<384x128xf32, #tpu.memory_space<vmem>>, %arg6: memref<384xf32, #tpu.memory_space<vmem>>, %arg7: memref<384xf32, #tpu.memory_space<vmem>>, %arg8: memref<128xf32, #tpu.memory_space<vmem>>, %arg9: memref<10000x128xf32, #tpu.memory_space<vmem>>) attributes {dimension_semantics = [], scalar_prefetch = 0 : i64, scratch_operands = 0 : i64, tpu.core_type = #tpu.core_type<tc>} {
    %get3A = arith.constant 0 : index
    %get3A_0 = vector.load %arg2[%get3A] : memref<10000xf32, #tpu.memory_space<vmem>>, vector<10000xf32>
    %get3A_1 = arith.constant 0 : index
    %get3A_2 = arith.constant 0 : index
    %get3A_3 = arith.constant 0 : index
    %get3A_4 = vector.load %arg0[%get3A_1, %get3A_2, %get3A_3] : memref<2x10000x128xf32, #tpu.memory_space<vmem>>, vector<1x10000x128xf32>
    %get3A_5 = vector.shape_cast %get3A_4 : vector<1x10000x128xf32> to vector<10000x128xf32>
    %get3A_6 = arith.constant 1 : index
    %get3A_7 = arith.constant 0 : index
    %get3A_8 = arith.constant 0 : index
    %get3A_9 = vector.load %arg0[%get3A_6, %get3A_7, %get3A_8] : memref<2x10000x128xf32, #tpu.memory_space<vmem>>, vector<1x10000x128xf32>
    %get3A_10 = vector.shape_cast %get3A_9 : vector<1x10000x128xf32> to vector<10000x128xf32>
    %add3A = arith.addf %get3A_5, %get3A_10 : vector<10000x128xf32>
    %get3A_11 = arith.constant 0 : index
    %get3A_12 = arith.constant 0 : index
    %get3A_13 = vector.load %arg1[%get3A_11, %get3A_12] : memref<10000x128xf32, #tpu.memory_space<vmem>>, vector<10000x128xf32>
    %broadcast_in_dim3A = vector.shape_cast %get3A_0 : vector<10000xf32> to vector<10000x1xf32>
    %mul3A = vector.broadcast %broadcast_in_dim3A : vector<10000x1xf32> to vector<10000x128xf32>
    %mul3A_14 = arith.mulf %get3A_13, %mul3A : vector<10000x128xf32>
    %add3A_15 = arith.addf %add3A, %mul3A_14 : vector<10000x128xf32>
    %get3A_16 = arith.constant 0 : index
    %get3A_17 = vector.load %arg8[%get3A_16] : memref<128xf32, #tpu.memory_space<vmem>>, vector<128xf32>
    %broadcast_in_dim3A_18 = vector.shape_cast %get3A_17 : vector<128xf32> to vector<1x128xf32>
    %add3A_19 = vector.broadcast %broadcast_in_dim3A_18 : vector<1x128xf32> to vector<10000x128xf32>
    %add3A_20 = arith.addf %add3A_15, %add3A_19 : vector<10000x128xf32>
    %get3A_21 = arith.constant 0 : index
    %get3A_22 = arith.constant 0 : index
    %get3A_23 = vector.load %arg4[%get3A_21, %get3A_22] : memref<384x128xf32, #tpu.memory_space<vmem>>, vector<384x128xf32>
    %dot_general3A = arith.constant dense<0.000000e+00> : vector<10000x384xf32>
    %dot_general3A_24 = tpu.matmul %add3A_20, %get3A_23, %dot_general3A {dimension_numbers = #tpu.dot_dimension_numbers<[1], [1], [0], [0], [0, 0, 1, 0], [], []>, transpose_lhs_hint = false} : vector<10000x128xf32>, vector<384x128xf32>, vector<10000x384xf32> -> vector<10000x384xf32>
    %get3A_25 = arith.constant 0 : index
    %get3A_26 = vector.load %arg6[%get3A_25] : memref<384xf32, #tpu.memory_space<vmem>>, vector<384xf32>
    %broadcast_in_dim3A_27 = vector.shape_cast %get3A_26 : vector<384xf32> to vector<1x384xf32>
    %add3A_28 = vector.broadcast %broadcast_in_dim3A_27 : vector<1x384xf32> to vector<10000x384xf32>
    %add3A_29 = arith.addf %dot_general3A_24, %add3A_28 : vector<10000x384xf32>
    %get3A_30 = arith.constant 0 : index
    %get3A_31 = arith.constant 0 : index
    %get3A_32 = vector.load %arg3[%get3A_30, %get3A_31] : memref<10000x128xf32, #tpu.memory_space<vmem>>, vector<10000x128xf32>
    %get3A_33 = arith.constant 0 : index
    %get3A_34 = arith.constant 0 : index
    %get3A_35 = vector.load %arg5[%get3A_33, %get3A_34] : memref<384x128xf32, #tpu.memory_space<vmem>>, vector<384x128xf32>
    %dot_general3A_36 = arith.constant dense<0.000000e+00> : vector<10000x384xf32>
    %dot_general3A_37 = tpu.matmul %get3A_32, %get3A_35, %dot_general3A_36 {dimension_numbers = #tpu.dot_dimension_numbers<[1], [1], [0], [0], [0, 0, 1, 0], [], []>, transpose_lhs_hint = false} : vector<10000x128xf32>, vector<384x128xf32>, vector<10000x384xf32> -> vector<10000x384xf32>
    %get3A_38 = arith.constant 0 : index
    %get3A_39 = vector.load %arg7[%get3A_38] : memref<384xf32, #tpu.memory_space<vmem>>, vector<384xf32>
    %broadcast_in_dim3A_40 = vector.shape_cast %get3A_39 : vector<384xf32> to vector<1x384xf32>
    %add3A_41 = vector.broadcast %broadcast_in_dim3A_40 : vector<1x384xf32> to vector<10000x384xf32>
    %add3A_42 = arith.addf %dot_general3A_37, %add3A_41 : vector<10000x384xf32>
    %slice3A = vector.extract_strided_slice %add3A_29 {offsets = [0, 0], sizes = [10000, 128], strides = [1, 1]} : vector<10000x384xf32> to vector<10000x128xf32>
    %slice3A_43 = vector.extract_strided_slice %add3A_29 {offsets = [0, 128], sizes = [10000, 128], strides = [1, 1]} : vector<10000x384xf32> to vector<10000x128xf32>
    %slice3A_44 = vector.extract_strided_slice %add3A_29 {offsets = [0, 256], sizes = [10000, 128], strides = [1, 1]} : vector<10000x384xf32> to vector<10000x128xf32>
    %slice3A_45 = vector.extract_strided_slice %add3A_42 {offsets = [0, 0], sizes = [10000, 128], strides = [1, 1]} : vector<10000x384xf32> to vector<10000x128xf32>
    %slice3A_46 = vector.extract_strided_slice %add3A_42 {offsets = [0, 128], sizes = [10000, 128], strides = [1, 1]} : vector<10000x384xf32> to vector<10000x128xf32>
    %slice3A_47 = vector.extract_strided_slice %add3A_42 {offsets = [0, 256], sizes = [10000, 128], strides = [1, 1]} : vector<10000x384xf32> to vector<10000x128xf32>
    %add3A_48 = arith.addf %slice3A, %slice3A_45 : vector<10000x128xf32>
    %logistic3A = arith.negf %add3A_48 : vector<10000x128xf32>
    %logistic3A_49 = math.exp %logistic3A : vector<10000x128xf32>
    %logistic3A_50 = arith.constant 1.000000e+00 : f32
    %logistic3A_51 = vector.broadcast %logistic3A_50 : f32 to vector<10000x128xf32>
    %logistic3A_52 = arith.addf %logistic3A_51, %logistic3A_49 : vector<10000x128xf32>
    %logistic3A_53 = arith.divf %logistic3A_51, %logistic3A_52 : vector<10000x128xf32>
    %add3A_54 = arith.addf %slice3A_43, %slice3A_46 : vector<10000x128xf32>
    %logistic3A_55 = arith.negf %add3A_54 : vector<10000x128xf32>
    %logistic3A_56 = math.exp %logistic3A_55 : vector<10000x128xf32>
    %logistic3A_57 = arith.constant 1.000000e+00 : f32
    %logistic3A_58 = vector.broadcast %logistic3A_57 : f32 to vector<10000x128xf32>
    %logistic3A_59 = arith.addf %logistic3A_58, %logistic3A_56 : vector<10000x128xf32>
    %logistic3A_60 = arith.divf %logistic3A_58, %logistic3A_59 : vector<10000x128xf32>
    %mul3A_61 = arith.mulf %logistic3A_53, %slice3A_47 : vector<10000x128xf32>
    %add3A_62 = arith.addf %slice3A_44, %mul3A_61 : vector<10000x128xf32>
    %tanh3A = math.tanh %add3A_62 : vector<10000x128xf32>
    %sub3A = arith.constant 1.000000e+00 : f32
    %sub3A_63 = vector.broadcast %sub3A : f32 to vector<10000x128xf32>
    %sub3A_64 = arith.subf %sub3A_63, %logistic3A_60 : vector<10000x128xf32>
    %mul3A_65 = arith.mulf %sub3A_64, %tanh3A : vector<10000x128xf32>
    %get3A_66 = arith.constant 0 : index
    %get3A_67 = arith.constant 0 : index
    %get3A_68 = vector.load %arg3[%get3A_66, %get3A_67] : memref<10000x128xf32, #tpu.memory_space<vmem>>, vector<10000x128xf32>
    %mul3A_69 = arith.mulf %logistic3A_60, %get3A_68 : vector<10000x128xf32>
    %add3A_70 = arith.addf %mul3A_65, %mul3A_69 : vector<10000x128xf32>
    %swap3A = arith.constant 0 : index
    %swap3A_71 = arith.constant 0 : index
    %swap3A_72 = vector.load %arg9[%swap3A, %swap3A_71] : memref<10000x128xf32, #tpu.memory_space<vmem>>, vector<10000x128xf32>
    tpu.vector_store %arg9[%swap3A, %swap3A_71], %add3A_70 {strides = array<i32>} : memref<10000x128xf32, #tpu.memory_space<vmem>>, vector<10000x128xf32>,
    return
  }
}

module attributes {stable_mosaic.version = 14 : i64} {
  func.func @_pre_body(%arg0: memref<32x10000xf32, #tpu.memory_space<vmem>>, %arg1: memref<10000x128xf32, #tpu.memory_space<vmem>>, %arg2: memref<128x128xf32, #tpu.memory_space<vmem>>, %arg3: memref<10000x128xf32, #tpu.memory_space<vmem>>, %arg4: memref<10000xf32, #tpu.memory_space<vmem>>) attributes {dimension_semantics = [], scalar_prefetch = 0 : i64, scratch_operands = 0 : i64, tpu.core_type = #tpu.core_type<tc>} {
    %get3A = arith.constant 0 : index
    %get3A_0 = arith.constant 0 : index
    %get3A_1 = vector.load %arg0[%get3A, %get3A_0] : memref<32x10000xf32, #tpu.memory_space<vmem>>, vector<32x10000xf32>
    %reduce_sum3A = arith.constant dense<0.000000e+00> : vector<10000xf32>
    %reduce_sum3A_2 = vector.multi_reduction <add>, %get3A_1, %reduce_sum3A [0] : vector<32x10000xf32> to vector<10000xf32>
    %add3A = arith.constant 1.000000e+00 : f32
    %add3A_3 = vector.broadcast %add3A : f32 to vector<10000xf32>
    %add3A_4 = arith.addf %reduce_sum3A_2, %add3A_3 : vector<10000xf32>
    %rsqrt3A = math.rsqrt %add3A_4 : vector<10000xf32>
    %swap3A = arith.constant 0 : index
    %swap3A_5 = vector.load %arg4[%swap3A] : memref<10000xf32, #tpu.memory_space<vmem>>, vector<10000xf32>
    tpu.vector_store %arg4[%swap3A], %rsqrt3A {strides = array<i32>} : memref<10000xf32, #tpu.memory_space<vmem>>, vector<10000xf32>,
    %get3A_6 = arith.constant 0 : index
    %get3A_7 = arith.constant 0 : index
    %get3A_8 = vector.load %arg1[%get3A_6, %get3A_7] : memref<10000x128xf32, #tpu.memory_space<vmem>>, vector<10000x128xf32>
    %get3A_9 = arith.constant 0 : index
    %get3A_10 = arith.constant 0 : index
    %get3A_11 = vector.load %arg2[%get3A_9, %get3A_10] : memref<128x128xf32, #tpu.memory_space<vmem>>, vector<128x128xf32>
    %dot_general3A = arith.constant dense<0.000000e+00> : vector<10000x128xf32>
    %dot_general3A_12 = tpu.matmul %get3A_8, %get3A_11, %dot_general3A {dimension_numbers = #tpu.dot_dimension_numbers<[1], [0], [0], [1], [0, 0, 1, 1], [], []>, transpose_lhs_hint = false} : vector<10000x128xf32>, vector<128x128xf32>, vector<10000x128xf32> -> vector<10000x128xf32>
    %broadcast_in_dim3A = vector.shape_cast %rsqrt3A : vector<10000xf32> to vector<10000x1xf32>
    %mul3A = vector.broadcast %broadcast_in_dim3A : vector<10000x1xf32> to vector<10000x128xf32>
    %mul3A_13 = arith.mulf %dot_general3A_12, %mul3A : vector<10000x128xf32>
    %swap3A_14 = arith.constant 0 : index
    %swap3A_15 = arith.constant 0 : index
    %swap3A_16 = vector.load %arg3[%swap3A_14, %swap3A_15] : memref<10000x128xf32, #tpu.memory_space<vmem>>, vector<10000x128xf32>
    tpu.vector_store %arg3[%swap3A_14, %swap3A_15], %mul3A_13 {strides = array<i32>} : memref<10000x128xf32, #tpu.memory_space<vmem>>, vector<10000x128xf32>,
    return
  }
}

</mosaic_0001>

<sc_bundles>
// kernel: kernel.6.cloned.1.call-start
scs
__scs_entry_jumppad:
0x0: {  	(pc) =	sbr.rel $0x88, $3  }
0x1: {  	(tag) =	ssettag $0x0;
	lr =	simm.s32 $0x1  }
0x2: {  	[smem:$0x3F97] =	sst lr;
	_ =	strace $0xD0000000  }
0x3: {  	_ = 	snop  }
0x4: {  	_ = 	snop  }
0x5: {  	_ = 	snop  }
0x6: {  	_ = 	snop  }
0x7: {  	_ = 	snop  }
__scs_overlays_trampoline_lowered:
0x8: {  	[smem:$0x3FA6] =	sst s0  }
0x9: {  	[smem:$0x3FA7] =	sst s1  }
0xa: {  	[smem:$0x3FA8] =	sst s2  }
0xb: {  	[smem:$0x3FA9] =	sst s3  }
0xc: {  	[smem:$0x3FAA] =	sst s4  }
0xd: {  	[smem:$0x3FAB] =	sst s5  }
0xe: {  	[smem:$0x3FAC] =	sst s6  }
0xf: {  	[smem:$0x3FAD] =	sst s7  }
0x10: {  	[smem:$0x3FAE] =	sst s8  }
0x11: {  	[smem:$0x3FAF] =	sst s9;
	s0 =	simm.s32 @!p0 $0x0  }
0x12: {  	s1 =	sld [smem:$0x3F95];
	s0 =	simm.s32 @p0 $0x1  }
0x13: {  	[smem:$0x3FB0] =	sst s0;
	s0 =	simm.s32 @!p1 $0x0  }
0x14: {  	s2 =	sld [smem:$0x3F94];
	s0 =	simm.s32 @p1 $0x1  }
0x15: {  	[smem:$0x3FB1] =	sst s0;
	s0 =	simm.s32 @!p2 $0x0  }
0x16: {  	s3 =	sld [smem:$0x3FDB];
	s0 =	simm.s32 @p2 $0x1  }
0x17: {  	s4 =	simm.s32 $0x1BF5;
	[smem:$0x3FB3] =	sst s0  }
0x18: {  	s0 =	sld [smem:$0x3F96];
	_ =	swait.ge [sflag:s4], $0x0  }
0x19: {  	s7 =	sld [smem:$0x3F97]  }
0x1a: {  	s8 =	sadd.s32 $0xFFFFE003, lr  }
0x1b: {  	s9 =	sadd.s32 $0xFFFFFEF7, lr;
	s5 =	simm.s32 $0xFFFFFFFF;
	p2 =	slt.u32 s8, $0xFFFFF086  }
0x1c: {  	p1 =	slt.u32 s9, $0xF7A;
	s5 =	simm.s32 @!p2 $0x0  }
0x1d: {  	s5 =	simm.s32 @p1 $0x1;
	p0 =	seq.s32 s7, s2  }
0x1e: {  	s7 =	smul.u32 @!p0 $0xF7A, s2;
	p2 =	seq.s32 @!p0 s5, $0x0  }
0x1f: {  	s9 =	smul.u32 $0xF7A, s1;
	s8 =	simm.s32 @!p0 $0x1BF5;
	p2 =	por !p2, p0  }
0x20: {  	[sflag:s8] =	ssyncset.s32 @!p0 $0xFFFFF086;
	s6 =	sadd.s32 @!p0 s3, s7;
	s7 =	simm.s32 @!p0 $0x108  }
0x21: {  	s3 =	sadd.s32 s3, s9;
	s6 =	sadd.s32 @!p0 $0x88, s6;
	s7 =	simm.s32 @p2 $0x1082  }
0x22: {  	[simem:s7], [sflag:s8] =	dma.local @!p0 [hbm:s6], $0xF7A  }
0x23: {  	s9 =	sor.u32 $0xD0000000, s2;
	s6 =	simm.s32 $0x108;
	_ =	swait.ge @!p0 [sflag:s8], $0x0  }
0x24: {  	s3 =	sadd.s32 $0x88, s3;
	s6 =	simm.s32 @!p1 $0x1082;
	[sflag:s4] =	ssyncset.s32 $0xFFFFF086  }
0x25: {  	[simem:s6], [sflag:s4] =	dma.local [hbm:s3], $0xF7A  }
0x26: {  	[smem:$0x3F97] =	sst s1;
	(tag) =	ssettag s2;
	_ =	strace s9  }
0x27: {  	s1 =	sld [smem:$0x3FA7]  }
0x28: {  	s2 =	sld [smem:$0x3FA8]  }
0x29: {  	s4 =	sld [smem:$0x3FAA]  }
0x2a: {  	p0 =	seq.s32 s5, $0x0;
	s5 =	sld [smem:$0x3FAB]  }
0x2b: {  	s6 =	sld [smem:$0x3FAC]  }
0x2c: {  	s7 =	sld [smem:$0x3FAD]  }
0x2d: {  	s3 =	simm.s32 $0x108;
	s8 =	sld [smem:$0x3FAE]  }
0x2e: {  	s3 =	simm.s32 @!p0 $0x1082;
	s9 =	sld [smem:$0x3FAF]  }
0x2f: {  	lr =	sadd.s32 s0, s3;
	s0 =	sld [smem:$0x3FA6]  }
0x30: {  	s3 =	sld [smem:$0x3FA9]  }
0x31: {  	[smem:$0x3FB2] =	sst s10  }
0x32: {  	s10 =	sld [smem:$0x3FB0];
	_ =	sdelay $0x3  }
0x33: {  	p0 =	seq.s32 s10, $0x1;
	s10 =	sld [smem:$0x3FB2];
	_ =	sdelay $0x3  }
0x34: {  	[smem:$0x3FB2] =	sst s10  }
0x35: {  	s10 =	sld [smem:$0x3FB1];
	_ =	sdelay $0x3  }
0x36: {  	p1 =	seq.s32 s10, $0x1;
	s10 =	sld [smem:$0x3FB2];
	_ =	sdelay $0x3  }
0x37: {  	[smem:$0x3FB2] =	sst s10  }
0x38: {  	s10 =	sld [smem:$0x3FB3]  }
0x39: {  	_ = 	snop;
	(pc) =	sbr.ind lr, $3  }
0x3a: {  	_ = 	snop  }
0x3b: {  	_ = 	snop  }
0x3c: {  	p2 =	seq.s32 s10, $0x1;
	s10 =	sld [smem:$0x3FB2]  }
0x3d: {  	_ =	shalt  }
0x3e: {  	_ =	shalt  }
0x3f: {  	_ =	shalt  }
0x40: {  	_ =	shalt  }
0x41: {  	_ =	shalt  }
0x42: {  	_ =	shalt  }
0x43: {  	_ =	shalt  }
0x44: {  	_ =	shalt  }
0x45: {  	_ =	shalt  }
0x46: {  	_ =	shalt  }
0x47: {  	_ =	shalt  }
0x48: {  	_ =	shalt  }
0x49: {  	_ =	shalt  }
0x4a: {  	_ =	shalt  }
0x4b: {  	_ =	shalt  }
0x4c: {  	_ =	shalt  }
0x4d: {  	_ =	shalt  }
0x4e: {  	_ =	shalt  }
0x4f: {  	_ =	shalt  }
0x50: {  	_ =	shalt  }
0x51: {  	_ =	shalt  }
0x52: {  	_ =	shalt  }
0x53: {  	_ =	shalt  }
0x54: {  	_ =	shalt  }
0x55: {  	_ =	shalt  }
0x56: {  	_ =	shalt  }
0x57: {  	_ =	shalt  }
0x58: {  	_ =	shalt  }
0x59: {  	_ =	shalt  }
0x5a: {  	_ =	shalt  }
0x5b: {  	_ =	shalt  }
0x5c: {  	_ =	shalt  }
0x5d: {  	_ =	shalt  }
0x5e: {  	_ =	shalt  }
0x5f: {  	_ =	shalt  }
0x60: {  	_ =	shalt  }
0x61: {  	_ =	shalt  }
0x62: {  	_ =	shalt  }
0x63: {  	_ =	shalt  }
0x64: {  	_ =	shalt  }
0x65: {  	_ =	shalt  }
0x66: {  	_ =	shalt  }
0x67: {  	_ =	shalt  }
0x68: {  	_ =	shalt  }
0x69: {  	_ =	shalt  }
0x6a: {  	_ =	shalt  }
0x6b: {  	_ =	shalt  }
0x6c: {  	_ =	shalt  }
0x6d: {  	_ =	shalt  }
0x6e: {  	_ =	shalt  }
0x6f: {  	_ =	shalt  }
0x70: {  	_ =	shalt  }
0x71: {  	_ =	shalt  }
0x72: {  	_ =	shalt  }
0x73: {  	_ =	shalt  }
0x74: {  	_ =	shalt  }
0x75: {  	_ =	shalt  }
0x76: {  	_ =	shalt  }
0x77: {  	_ =	shalt  }
0x78: {  	_ =	shalt  }
0x79: {  	_ =	shalt  }
0x7a: {  	_ =	shalt  }
0x7b: {  	_ =	shalt  }
0x7c: {  	_ =	shalt  }
0x7d: {  	_ =	shalt  }
0x7e: {  	_ =	shalt  }
0x7f: {  	_ =	shalt  }
0x80: {  	_ =	shalt  }
0x81: {  	_ =	shalt  }
0x82: {  	_ =	shalt  }
0x83: {  	_ =	shalt  }
0x84: {  	_ =	shalt  }
0x85: {  	_ =	shalt  }
0x86: {  	_ =	shalt  }
0x87: {  	_ =	shalt  }
.Lfunc_end0:
.L_simem_size_0:
called_computation_lowered:
.L_overlay_start_0:
0x88: {  	s2 =	sld [smem:$0x3FD9]  }
0x89: {  	s3 =	sld [smem:$0x3FFE];
	_ =	sdelay $0x1  }
0x8a: {  	s1 =	srdreg.scid  }
0x8b: {  	s0 =	sand.u32 $0x1, s1  }
0x8c: {  	s17 =	sshll.u32 s0, $0xA;
	s2 =	sadd.s32 s3, s2  }
0x8d: {  	s2 =	sadd.s32 s2, s17  }
0x8e: {  	[smem:$0x3FBE] =	sst s2  }
0x8f: {  	_ = 	snop  }
0x90: {  	s2 =	sld [smem:$0x3FC6]  }
0x91: {  	s18 =	sld [smem:$0x3FD0];
	(tm) =	ssettm $0x1  }
0x92: {  	s4 =	sld [smem:$0x3FFB];
	_ =	sdelay $0x3  }
0x93: {  	_ =	strace s4  }
0x94: {  	s4 =	sld [smem:$0x3FFC];
	_ =	sdelay $0x3  }
0x95: {  	_ =	strace s4  }
0x96: {  	s4 =	sld [smem:$0x3FFD];
	_ =	sdelay $0x3  }
0x97: {  	_ =	strace s4  }
0x98: {  	_ =	strace $0x8FFFFFFF  }
0x99: {  	s19 =	sld [smem:$0x3FDB];
	_ =	sdelay $0x1  }
0x9a: {  	s5 =	simm.s32 $_scs_section_size  }
0x9b: {  	s6 =	simm.s32 $_size__tile_overlayer_lowered;
	s7 =	simm.s32 $_tile_overlayer_lowered  }
0x9c: {  	s22 =	simm.s32 $0x1BFF;
	s21 =	sshll.u32 s7, $0x1;
	s4 =	sadd.s32 s5, s19  }
0x9d: {  	s8 =	simm.s32 $0x0;
	s20 =	sshll.u32 s6, $0x1;
	s6 =	sadd.s32 s21, s4  }
0x9e: {  	[timem:s8], [sflag:s22] =	dma.local [hbm:s6], s20  }
0x9f: {  	_ =	swait.ge [sflag:s22], s20  }
0xa0: {  	s5 =	ssub.s32 $0x0, s20;
	[sflag:s22] =	ssyncset.done $0x0  }
0xa1: {  	[sflag:s22] =	ssyncadd.s32 s5;
	_ =	sdelay $0x1  }
0xa2: {  	s23 =	simm.s32 $0x1B8B  }
0xa3: {  	_ =	swait.ge [sflag:s23], $0x1  }
0xa4: {  	[sflag:s23] =	ssyncset.done $0x0  }
0xa5: {  	s25 =	simm.s32 $0x1B8E;
	s24 =	sld [smem:$0x3FFE];
	[sflag:s23] =	ssyncadd.s32 $0xFFFFFFFF  }
0xa6: {  	s26 =	simm.s32 $execute0_lowered;
	[smem:$0x3FD2] =	sst s25  }
0xa7: {  	s6 =	sshll.u32 s26, $0x1;
	_ =	strace $0x80000046;
	[dreg:$0x1] =	wrdreg $0xFFFFFFFF  }
0xa8: {  	s28 =	simm.s32 $_size_execute0_lowered;
	s4 =	sadd.s32 s4, s6;
	[dreg:$0x0] =	wrdreg $0x0  }
0xa9: {  	s6 =	sshll.u32 s28, $0x1;
	[dreg:$0x2] =	wrdreg s4  }
0xaa: {  	[dreg:$0x3] =	wrdreg s6  }
0xab: {  	[dreg:$0x4] =	wrdreg $0xC0  }
0xac: {  	_ =	task [dreg:s8], $0x5FFFF  }
0xad: {  	[dreg:$0x1] =	wrdreg $0xFFFFFFFF  }
0xae: {  	[dreg:$0x0] =	wrdreg $0x60  }
0xaf: {  	[dreg:$0x2] =	wrdreg s24  }
0xb0: {  	[dreg:$0x3] =	wrdreg s2  }
0xb1: {  	[dreg:$0x4] =	wrdreg s18  }
0xb2: {  	[dreg:$0x5] =	wrdreg $0x9  }
0xb3: {  	_ =	task.clear_ibuf [dreg:s8], $0x6FFFF;
	_ =	strace $0x90000046  }
0xb4: {  	s29 =	simm.s32 $0x9;
	_ =	strace $0x80000048  }
0xb5: {  	_ =	swait.ge [sflag:s29], $0x1  }
0xb6: {  	[sflag:s29] =	ssyncadd.s32 $0xFFFFFFFF  }
0xb7: {  	_ =	strace $0x90000048  }
0xb8: {  	_ =	sfence  }
0xb9: {  	s30 =	sld [smem:$0x0];
	_ =	sdelay $0x2  }
0xba: {  	s31 =	sshll.u32 s1, $0xD;
	s1 =	sshrl.u32 s1, $0x2  }
0xbb: {  	s3 =	sand.u32 $0x4000, s31;
	s1 =	sadd.s32 s1, s30  }
0xbc: {  	s0 =	sor.u32 s3, s0;
	s1 =	sshll.u32 s1, $0x11  }
0xbd: {  	s0 =	sor.u32 s1, s0  }
0xbe: {  	s0 =	sadd.s32 $0x8F2B, s0  }
0xbf: {  	[sflag:s0] =	ssyncadd.remote.s32 $0x1  }
0xc0: {  	_ =	sfence.sel $0xFFFF  }
0xc1: {  	[dreg:$0x0] =	wrdreg $0xFFFFFFFF;
	(pc) =	sbr.abs _section_cstart, $3  }
0xc2: {  	[dreg:$0x1] =	wrdreg $0xFFFFFFFF  }
0xc3: {  	_ =	task.clear_ibuf [dreg:s8], $0x2FFFF;
	_ =	strace $0x9FFFFFFF  }
0xc4: {  	(tm) =	ssettm $0x7FFFFFFF  }
0xc5: {  	_ =	shalt  }
tec
execute0_lowered:
.L_overlay_start_1:
0x0: {  	(tag) =	ssettag $0x1  }
0x1: {  	s3 =	rddreg [dreg:$0x0];
	s1 =	srdreg.scid  }
0x2: {  	s0 =	stileid.u32;
	s4 =	rddreg [dreg:$0x1]  }
0x3: {  	s6 =	rddreg [dreg:$0x2];
	s5 =	sand.u32 $0x1, s1;
	s31 =	sshll.u32 s0, $0x1  }
0x4: {  	s2 =	simm.s32 $0x0;
	s9 =	simm.s32 $0x4F00;
	s7 =	sor.u32 s5, s31  }
0x5: {  	s1 =	rddreg [dreg:$0x3];
	s5 =	ssub.s32 $0x2, s5;
	s7 =	smul.u32 $0x4E2, s7  }
0x6: {  	s10 =	simm.s32 $0x0;
	[smem:$0x7FF] =	sst s2;
	s8 =	sshrl.u32 s5, $0x1  }
0x7: {  	_ =	strace $0x80000047;
	s8 =	ssub.s32 s5, s8;
	s3 =	sadd.s32 s7, s3  }
0x8: {  	s4 =	sadd.s32 s4, s7;
	s5 =	sadd.s32 s6, s7;
	s6 =	smax.u32 s8, $0x1  }
0x9: {  	v0 =	vimm.f32 $0.0e+00;
	s7 =	simm.s32 $0x1;
	s8 =	simm.s32 $0x2780;
	s3 =	sadd.s32 $0x2800, s3  }
.LBB2_1:
0xa: {  	s11 =	simm.s32 $0x40;
	s12 =	simm.s32 $0x0  }
.LBB2_2:
0xb: {  	p0 =	sne.s32 s11, $0x9C00;
	[tilespmem:s12+$0x4F00] =	vst v0;
	s12 =	smov.u32 s11;
	s11 =	sadd.s32 $0x40, s11  }
.Ltmp0:
0xc: {  	(pc) =	sbr.rel @p0 .LBB2_2-.Ltmp0, $2  }
0xd: {  	_ =	sdelay $0x2  }
0xe: {  	s12 =	sshra.s32 s12, $0x2  }
0xf: {  	[tilespmem:s12+$0x4F00] =	vst v0;
	s11 =	simm.s32 $0x0  }
0x10: {  	[tilespmem:s11], [sflag:$0x1] =	stream.linear.gather [hbm4b:s3+s11], $0x2710, $0x38;
	[tilespmem:$0x7680] =	vst v63  }
0x11: {  	_ =	swait.ge [sflag:s7], $0x2710  }
0x12: {  	[sflag:s7] =	ssyncset.done $0x0  }
0x13: {  	[sflag:s7] =	ssyncadd.s32 $0xFFFFD8F0  }
0x14: {  	[tilespmem:s8], [sflag:$0x1] =	stream.linear.gather [hbm4b:s4+s11], $0x2710, $0x38;
	[tilespmem:$0x7680] =	vst v63  }
0x15: {  	_ =	swait.ge [sflag:s7], $0x2710  }
0x16: {  	[sflag:s7] =	ssyncset.done $0x0  }
0x17: {  	s12 =	simm.s32 $0x0;
	s11 =	simm.s32 $0x40;
	[sflag:s7] =	ssyncadd.s32 $0xFFFFD8F0  }
.LBB2_4:
0x18: {  	p0 =	sne.s32 s11, $0x9C00;
	v1 =	vld [tilespmem:s12+$0x0];
	_ =	sdelay $0x2  }
0x19: {  	v2 =	vld [tilespmem:s12+$0x2780]  }
.Ltmp1:
0x1a: {  	(pc) =	sbr.rel @p0 .LBB2_4-.Ltmp1, $2  }
0x1b: {  	_ =	sdelay $0x2  }
0x1c: {  	s12 =	sshra.s32 s11, $0x2;
	s11 =	sadd.s32 $0x40, s11;
	[tilespmem:v1+s9+$0x0] =	vst.idx.add.f32.msk $0xffff, v2  }
0x1d: {  	v1 =	vld [tilespmem:s12+$0x0];
	_ =	sdelay $0x2  }
0x1e: {  	v2 =	vld [tilespmem:s12+$0x2780];
	_ =	sdelay $0x2  }
0x1f: {  	s10 =	sadd.s32 $0x1, s10  }
0x20: {  	p0 =	sne.s32 s10, s6  }
.Ltmp2:
0x21: {  	[tilespmem:v1+s9+$0x0] =	vst.idx.add.f32.msk $0xffff, v2;
	(pc) =	sbr.rel @p0 .LBB2_1-.Ltmp2, $4  }
0x22: {  	[hbm4b:s5+s2] =	stream.linear.scatter [tilespmem:s9], [sflag:$0x1], $0x2710, $0x38;
	[tilespmem:$0x7680] =	vst v63  }
0x23: {  	_ =	swait.ge [sflag:s7], $0x2710  }
0x24: {  	[sflag:s7] =	ssyncset.done $0x0  }
0x25: {  	[sflag:s7] =	ssyncadd.s32 $0xFFFFD8F0  }
0x26: {  	_ =	sfence.sel $0x180000  }
0x27: {  	[bflag:$0x0] =	sbarrier.arrive $0xFFFF  }
0x28: {  	p0 =	sne.s32 s0, $0x0;
	_ =	strace $0x90000047  }
0x29: {  	s0 =	sadd.s32 @!p0 $0x100000, s1;
	[bflag:$0x2] =	sbarrier.arrive $0xFFFF  }
0x2a: {  	[sflag:s0] =	ssyncadd.tile.s32 @!p0 $0x1;
	_ =	shalt  }
.Lfunc_end2:
_tile_overlayer_lowered:
.L_overlay_start_2:
0x2b: {  	(tag) =	ssettag $0x2  }
0x2c: {  	s0 =	rddreg [dreg:$0x0];
	s2 =	stileid.u32  }
0x2d: {  	s1 =	rddreg [dreg:$0x1];
	p0 =	sne.s32 s2, $0x0  }
0x2e: {  	s3 =	rddreg [dreg:$0x2];
	[bflag:$0x3] =	sbarrier.arrive $0xFFFF;
	s2 =	simm.s32 @!p0 $0x1C01  }
0x2f: {  	[timem:s3], [sflag:s2] =	dma.local @!p0 [hbm:s0], s1  }
0x30: {  	s0 =	simm.s32 @!p0 $0x1  }
0x31: {  	_ =	swait.ge @!p0 [sflag:s0], s1  }
0x32: {  	s1 =	ssub.s32 @!p0 $0x0, s1;
	[sflag:s0] =	ssyncset.done @!p0 $0x0  }
0x33: {  	[sflag:s0] =	ssyncadd.s32 @!p0 s1  }
0x34: {  	[bflag:$0x3] =	sbarrier.arrive $0xFFFF  }
0x35: {  	_ =	shalt  }

// kernel: kernel.9.cloned.1.call-start
scs
__scs_entry_jumppad:
0x0: {  	(pc) =	sbr.rel $0x88, $3  }
0x1: {  	(tag) =	ssettag $0x0;
	lr =	simm.s32 $0x1  }
0x2: {  	[smem:$0x3F97] =	sst lr;
	_ =	strace $0xD0000000  }
0x3: {  	_ = 	snop  }
0x4: {  	_ = 	snop  }
0x5: {  	_ = 	snop  }
0x6: {  	_ = 	snop  }
0x7: {  	_ = 	snop  }
__scs_overlays_trampoline_lowered:
0x8: {  	[smem:$0x3FA6] =	sst s0  }
0x9: {  	[smem:$0x3FA7] =	sst s1  }
0xa: {  	[smem:$0x3FA8] =	sst s2  }
0xb: {  	[smem:$0x3FA9] =	sst s3  }
0xc: {  	[smem:$0x3FAA] =	sst s4  }
0xd: {  	[smem:$0x3FAB] =	sst s5  }
0xe: {  	[smem:$0x3FAC] =	sst s6  }
0xf: {  	[smem:$0x3FAD] =	sst s7  }
0x10: {  	[smem:$0x3FAE] =	sst s8  }
0x11: {  	[smem:$0x3FAF] =	sst s9;
	s0 =	simm.s32 @!p0 $0x0  }
0x12: {  	s1 =	sld [smem:$0x3F95];
	s0 =	simm.s32 @p0 $0x1  }
0x13: {  	[smem:$0x3FB0] =	sst s0;
	s0 =	simm.s32 @!p1 $0x0  }
0x14: {  	s2 =	sld [smem:$0x3F94];
	s0 =	simm.s32 @p1 $0x1  }
0x15: {  	[smem:$0x3FB1] =	sst s0;
	s0 =	simm.s32 @!p2 $0x0  }
0x16: {  	s3 =	sld [smem:$0x3FDB];
	s0 =	simm.s32 @p2 $0x1  }
0x17: {  	s4 =	simm.s32 $0x1BF5;
	[smem:$0x3FB3] =	sst s0  }
0x18: {  	s0 =	sld [smem:$0x3F96];
	_ =	swait.ge [sflag:s4], $0x0  }
0x19: {  	s7 =	sld [smem:$0x3F97]  }
0x1a: {  	s8 =	sadd.s32 $0xFFFFE003, lr  }
0x1b: {  	s9 =	sadd.s32 $0xFFFFFEF7, lr;
	s5 =	simm.s32 $0xFFFFFFFF;
	p2 =	slt.u32 s8, $0xFFFFF086  }
0x1c: {  	p1 =	slt.u32 s9, $0xF7A;
	s5 =	simm.s32 @!p2 $0x0  }
0x1d: {  	s5 =	simm.s32 @p1 $0x1;
	p0 =	seq.s32 s7, s2  }
0x1e: {  	s7 =	smul.u32 @!p0 $0xF7A, s2;
	p2 =	seq.s32 @!p0 s5, $0x0  }
0x1f: {  	s9 =	smul.u32 $0xF7A, s1;
	s8 =	simm.s32 @!p0 $0x1BF5;
	p2 =	por !p2, p0  }
0x20: {  	[sflag:s8] =	ssyncset.s32 @!p0 $0xFFFFF086;
	s6 =	sadd.s32 @!p0 s3, s7;
	s7 =	simm.s32 @!p0 $0x108  }
0x21: {  	s3 =	sadd.s32 s3, s9;
	s6 =	sadd.s32 @!p0 $0x88, s6;
	s7 =	simm.s32 @p2 $0x1082  }
0x22: {  	[simem:s7], [sflag:s8] =	dma.local @!p0 [hbm:s6], $0xF7A  }
0x23: {  	s9 =	sor.u32 $0xD0000000, s2;
	s6 =	simm.s32 $0x108;
	_ =	swait.ge @!p0 [sflag:s8], $0x0  }
0x24: {  	s3 =	sadd.s32 $0x88, s3;
	s6 =	simm.s32 @!p1 $0x1082;
	[sflag:s4] =	ssyncset.s32 $0xFFFFF086  }
0x25: {  	[simem:s6], [sflag:s4] =	dma.local [hbm:s3], $0xF7A  }
0x26: {  	[smem:$0x3F97] =	sst s1;
	(tag) =	ssettag s2;
	_ =	strace s9  }
0x27: {  	s1 =	sld [smem:$0x3FA7]  }
0x28: {  	s2 =	sld [smem:$0x3FA8]  }
0x29: {  	s4 =	sld [smem:$0x3FAA]  }
0x2a: {  	p0 =	seq.s32 s5, $0x0;
	s5 =	sld [smem:$0x3FAB]  }
0x2b: {  	s6 =	sld [smem:$0x3FAC]  }
0x2c: {  	s7 =	sld [smem:$0x3FAD]  }
0x2d: {  	s3 =	simm.s32 $0x108;
	s8 =	sld [smem:$0x3FAE]  }
0x2e: {  	s3 =	simm.s32 @!p0 $0x1082;
	s9 =	sld [smem:$0x3FAF]  }
0x2f: {  	lr =	sadd.s32 s0, s3;
	s0 =	sld [smem:$0x3FA6]  }
0x30: {  	s3 =	sld [smem:$0x3FA9]  }
0x31: {  	[smem:$0x3FB2] =	sst s10  }
0x32: {  	s10 =	sld [smem:$0x3FB0];
	_ =	sdelay $0x3  }
0x33: {  	p0 =	seq.s32 s10, $0x1;
	s10 =	sld [smem:$0x3FB2];
	_ =	sdelay $0x3  }
0x34: {  	[smem:$0x3FB2] =	sst s10  }
0x35: {  	s10 =	sld [smem:$0x3FB1];
	_ =	sdelay $0x3  }
0x36: {  	p1 =	seq.s32 s10, $0x1;
	s10 =	sld [smem:$0x3FB2];
	_ =	sdelay $0x3  }
0x37: {  	[smem:$0x3FB2] =	sst s10  }
0x38: {  	s10 =	sld [smem:$0x3FB3]  }
0x39: {  	_ = 	snop;
	(pc) =	sbr.ind lr, $3  }
0x3a: {  	_ = 	snop  }
0x3b: {  	_ = 	snop  }
0x3c: {  	p2 =	seq.s32 s10, $0x1;
	s10 =	sld [smem:$0x3FB2]  }
0x3d: {  	_ =	shalt  }
0x3e: {  	_ =	shalt  }
0x3f: {  	_ =	shalt  }
0x40: {  	_ =	shalt  }
0x41: {  	_ =	shalt  }
0x42: {  	_ =	shalt  }
0x43: {  	_ =	shalt  }
0x44: {  	_ =	shalt  }
0x45: {  	_ =	shalt  }
0x46: {  	_ =	shalt  }
0x47: {  	_ =	shalt  }
0x48: {  	_ =	shalt  }
0x49: {  	_ =	shalt  }
0x4a: {  	_ =	shalt  }
0x4b: {  	_ =	shalt  }
0x4c: {  	_ =	shalt  }
0x4d: {  	_ =	shalt  }
0x4e: {  	_ =	shalt  }
0x4f: {  	_ =	shalt  }
0x50: {  	_ =	shalt  }
0x51: {  	_ =	shalt  }
0x52: {  	_ =	shalt  }
0x53: {  	_ =	shalt  }
0x54: {  	_ =	shalt  }
0x55: {  	_ =	shalt  }
0x56: {  	_ =	shalt  }
0x57: {  	_ =	shalt  }
0x58: {  	_ =	shalt  }
0x59: {  	_ =	shalt  }
0x5a: {  	_ =	shalt  }
0x5b: {  	_ =	shalt  }
0x5c: {  	_ =	shalt  }
0x5d: {  	_ =	shalt  }
0x5e: {  	_ =	shalt  }
0x5f: {  	_ =	shalt  }
0x60: {  	_ =	shalt  }
0x61: {  	_ =	shalt  }
0x62: {  	_ =	shalt  }
0x63: {  	_ =	shalt  }
0x64: {  	_ =	shalt  }
0x65: {  	_ =	shalt  }
0x66: {  	_ =	shalt  }
0x67: {  	_ =	shalt  }
0x68: {  	_ =	shalt  }
0x69: {  	_ =	shalt  }
0x6a: {  	_ =	shalt  }
0x6b: {  	_ =	shalt  }
0x6c: {  	_ =	shalt  }
0x6d: {  	_ =	shalt  }
0x6e: {  	_ =	shalt  }
0x6f: {  	_ =	shalt  }
0x70: {  	_ =	shalt  }
0x71: {  	_ =	shalt  }
0x72: {  	_ =	shalt  }
0x73: {  	_ =	shalt  }
0x74: {  	_ =	shalt  }
0x75: {  	_ =	shalt  }
0x76: {  	_ =	shalt  }
0x77: {  	_ =	shalt  }
0x78: {  	_ =	shalt  }
0x79: {  	_ =	shalt  }
0x7a: {  	_ =	shalt  }
0x7b: {  	_ =	shalt  }
0x7c: {  	_ =	shalt  }
0x7d: {  	_ =	shalt  }
0x7e: {  	_ =	shalt  }
0x7f: {  	_ =	shalt  }
0x80: {  	_ =	shalt  }
0x81: {  	_ =	shalt  }
0x82: {  	_ =	shalt  }
0x83: {  	_ =	shalt  }
0x84: {  	_ =	shalt  }
0x85: {  	_ =	shalt  }
0x86: {  	_ =	shalt  }
0x87: {  	_ =	shalt  }
.Lfunc_end0:
.L_simem_size_0:
called_computation.1_lowered:
.L_overlay_start_0:
0x88: {  	s2 =	sld [smem:$0x3FD9]  }
0x89: {  	s3 =	sld [smem:$0x3FFE];
	_ =	sdelay $0x1  }
0x8a: {  	s1 =	srdreg.scid  }
0x8b: {  	s0 =	sand.u32 $0x1, s1  }
0x8c: {  	s17 =	sshll.u32 s0, $0xA;
	s2 =	sadd.s32 s3, s2  }
0x8d: {  	s2 =	sadd.s32 s2, s17  }
0x8e: {  	[smem:$0x3FBE] =	sst s2  }
0x8f: {  	_ = 	snop  }
0x90: {  	s2 =	sld [smem:$0x3FC6]  }
0x91: {  	s18 =	sld [smem:$0x3FD0];
	(tm) =	ssettm $0x1  }
0x92: {  	s4 =	sld [smem:$0x3FFB];
	_ =	sdelay $0x3  }
0x93: {  	_ =	strace s4  }
0x94: {  	s4 =	sld [smem:$0x3FFC];
	_ =	sdelay $0x3  }
0x95: {  	_ =	strace s4  }
0x96: {  	s4 =	sld [smem:$0x3FFD];
	_ =	sdelay $0x3  }
0x97: {  	_ =	strace s4  }
0x98: {  	_ =	strace $0x8FFFFFFF  }
0x99: {  	s19 =	sld [smem:$0x3FDB];
	_ =	sdelay $0x1  }
0x9a: {  	s5 =	simm.s32 $_scs_section_size  }
0x9b: {  	s6 =	simm.s32 $_size__tile_overlayer_lowered;
	s7 =	simm.s32 $_tile_overlayer_lowered  }
0x9c: {  	s22 =	simm.s32 $0x1BFF;
	s21 =	sshll.u32 s7, $0x1;
	s4 =	sadd.s32 s5, s19  }
0x9d: {  	s8 =	simm.s32 $0x0;
	s20 =	sshll.u32 s6, $0x1;
	s6 =	sadd.s32 s21, s4  }
0x9e: {  	[timem:s8], [sflag:s22] =	dma.local [hbm:s6], s20  }
0x9f: {  	_ =	swait.ge [sflag:s22], s20  }
0xa0: {  	s5 =	ssub.s32 $0x0, s20;
	[sflag:s22] =	ssyncset.done $0x0  }
0xa1: {  	[sflag:s22] =	ssyncadd.s32 s5;
	_ =	sdelay $0x1  }
0xa2: {  	s23 =	simm.s32 $0x1B8B  }
0xa3: {  	_ =	swait.ge [sflag:s23], $0x1  }
0xa4: {  	[sflag:s23] =	ssyncset.done $0x0  }
0xa5: {  	s25 =	simm.s32 $0x1B8E;
	s24 =	sld [smem:$0x3FFE];
	[sflag:s23] =	ssyncadd.s32 $0xFFFFFFFF  }
0xa6: {  	s26 =	simm.s32 $execute0_lowered;
	[smem:$0x3FD2] =	sst s25  }
0xa7: {  	s6 =	sshll.u32 s26, $0x1;
	_ =	strace $0x80000049;
	[dreg:$0x1] =	wrdreg $0xFFFFFFFF  }
0xa8: {  	s28 =	simm.s32 $_size_execute0_lowered;
	s4 =	sadd.s32 s4, s6;
	[dreg:$0x0] =	wrdreg $0x0  }
0xa9: {  	s6 =	sshll.u32 s28, $0x1;
	[dreg:$0x2] =	wrdreg s4  }
0xaa: {  	[dreg:$0x3] =	wrdreg s6  }
0xab: {  	[dreg:$0x4] =	wrdreg $0xC0  }
0xac: {  	_ =	task [dreg:s8], $0x5FFFF  }
0xad: {  	[dreg:$0x1] =	wrdreg $0xFFFFFFFF  }
0xae: {  	[dreg:$0x0] =	wrdreg $0x60  }
0xaf: {  	[dreg:$0x2] =	wrdreg s24  }
0xb0: {  	[dreg:$0x3] =	wrdreg s2  }
0xb1: {  	[dreg:$0x4] =	wrdreg s18  }
0xb2: {  	[dreg:$0x5] =	wrdreg $0x93800  }
0xb3: {  	[dreg:$0x6] =	wrdreg $0x9  }
0xb4: {  	_ =	task.clear_ibuf [dreg:s8], $0x7FFFF;
	_ =	strace $0x90000049  }
0xb5: {  	s29 =	simm.s32 $0x9;
	_ =	strace $0x8000004B  }
0xb6: {  	_ =	swait.ge [sflag:s29], $0x1  }
0xb7: {  	[sflag:s29] =	ssyncadd.s32 $0xFFFFFFFF  }
0xb8: {  	_ =	strace $0x9000004B  }
0xb9: {  	_ =	sfence  }
0xba: {  	s30 =	sld [smem:$0x0];
	_ =	sdelay $0x2  }
0xbb: {  	s31 =	sshll.u32 s1, $0xD;
	s1 =	sshrl.u32 s1, $0x2  }
0xbc: {  	s3 =	sand.u32 $0x4000, s31;
	s1 =	sadd.s32 s1, s30  }
0xbd: {  	s0 =	sor.u32 s3, s0;
	s1 =	sshll.u32 s1, $0x11  }
0xbe: {  	s0 =	sor.u32 s1, s0  }
0xbf: {  	s0 =	sadd.s32 $0x8F2B, s0  }
0xc0: {  	[sflag:s0] =	ssyncadd.remote.s32 $0x1  }
0xc1: {  	_ =	sfence.sel $0xFFFF  }
0xc2: {  	[dreg:$0x0] =	wrdreg $0xFFFFFFFF;
	(pc) =	sbr.abs _section_cstart, $3  }
0xc3: {  	[dreg:$0x1] =	wrdreg $0xFFFFFFFF  }
0xc4: {  	_ =	task.clear_ibuf [dreg:s8], $0x2FFFF;
	_ =	strace $0x9FFFFFFF  }
0xc5: {  	(tm) =	ssettm $0x7FFFFFFF  }
tec
execute0_lowered:
.L_overlay_start_1:
0x0: {  	(tag) =	ssettag $0x1  }
0x1: {  	s0 =	rddreg [dreg:$0x0]  }
0x2: {  	s16 =	rddreg [dreg:$0x1]  }
0x3: {  	s22 =	rddreg [dreg:$0x2]  }
0x4: {  	s1 =	rddreg [dreg:$0x3];
	s4 =	srdreg.scid;
	s5 =	simm.s32 $0x0  }
0x5: {  	s2 =	stileid.u32;
	s28 =	simm.s32 $0x4;
	s29 =	simm.s32 $0x2  }
0x6: {  	s30 =	simm.s32 $0x2B00;
	s31 =	simm.s32 $0x7;
	s9 =	smul.u32 $0x2710, s2  }
0x7: {  	s4 =	sand.u32 $0x1, s4;
	[smem:$0x7FF] =	sst s5;
	s17 =	smul.u32 $0x4E000, s2  }
0x8: {  	s6 =	sadd.s32 $0xC600, s0;
	s8 =	smul.u32 $0x27100, s4;
	s10 =	ssub.s32 $0x2, s4  }
0x9: {  	s3 =	sadd.s32 $0x16400, s0;
	_ =	strace $0x8000004A;
	s14 =	sshrl.u32 s10, $0x1  }
0xa: {  	s9 =	sadd.s32 s9, s8;
	s8 =	ssub.s32 s10, s14;
	s10 =	sshrl.u32 s17, $0x2  }
0xb: {  	[dreg:$0x5] =	wrdreg s3;
	s11 =	sshrl.u32 s9, $0x3;
	s13 =	sadd.s32 s10, s1  }
0xc: {  	s7 =	sadd.s32 $0x2800, s0;
	s15 =	sadd.s32 s6, s11;
	[dreg:$0xb] =	wrdreg s13  }
0xd: {  	s0 =	sadd.s32 $0x16A00, s0;
	s18 =	sadd.s32 s7, s11;
	[dreg:$0x6] =	wrdreg s15  }
0xe: {  	s23 =	smul.u32 $0x13800, s2;
	s19 =	sadd.s32 s16, s11;
	[dreg:$0x7] =	wrdreg s18  }
0xf: {  	p0 =	sne.s32 s2, $0xF;
	s25 =	sadd.s32 $0x1800, s13;
	[dreg:$0x8] =	wrdreg s19  }
0x10: {  	s4 =	smul.u32 $0x138800, s4;
	s26 =	sadd.s32 $0x3000, s13;
	[dreg:$0xd] =	wrdreg s25  }
0x11: {  	s3 =	simm.s32 $0x0;
	s12 =	sadd.s32 $0x6000, s13;
	[dreg:$0xe] =	wrdreg s26  }
0x12: {  	s10 =	sadd.s32 s23, s4;
	s14 =	sadd.s32 $0x7800, s13;
	[dreg:$0x10] =	wrdreg s12  }
0x13: {  	s4 =	sshrl.u32 s4, $0x3;
	s17 =	sadd.s32 $0x9000, s13;
	[dreg:$0x11] =	wrdreg s14  }
0x14: {  	s11 =	sadd.s32 $0xA, s11;
	s23 =	sadd.s32 $0xF000, s13;
	[dreg:$0x13] =	wrdreg s17  }
0x15: {  	s10 =	sshrl.u32 s10, $0x3;
	s20 =	sadd.s32 s6, s11;
	[dreg:$0x19] =	wrdreg s23  }
0x16: {  	s21 =	sadd.s32 s7, s11;
	s24 =	sadd.s32 s16, s11;
	[dreg:$0x9] =	wrdreg s20  }
0x17: {  	s11 =	sadd.s32 $0x4800, s13;
	s15 =	sadd.s32 s0, s10;
	[dreg:$0xa] =	wrdreg s21  }
0x18: {  	s0 =	sadd.s32 s0, s4;
	s18 =	smax.u32 s8, $0x1;
	[dreg:$0xc] =	wrdreg s24  }
0x19: {  	s19 =	sadd.s32 $0xA800, s13;
	s25 =	sadd.s32 $0x12000, s13;
	[dreg:$0xf] =	wrdreg s11  }
0x1a: {  	s8 =	smov.u32 s1;
	s26 =	sadd.s32 $0xA0, s9;
	[dreg:$0x12] =	wrdreg s15  }
0x1b: {  	s10 =	simm.s32 $0x2780;
	s14 =	simm.s32 $0x2900;
	[dreg:$0x15] =	wrdreg s18  }
0x1c: {  	s17 =	simm.s32 $0x5;
	s23 =	simm.s32 $0x9;
	[dreg:$0x16] =	wrdreg s19  }
0x1d: {  	s0 =	sadd.s32 $0x27000, s0;
	s20 =	sadd.s32 $0xC000, s13;
	[dreg:$0x1b] =	wrdreg s25  }
0x1e: {  	s21 =	sadd.s32 $0xD800, s13;
	s24 =	sadd.s32 $0x10800, s13;
	[dreg:$0x1d] =	wrdreg s26  }
0x1f: {  	s15 =	sadd.s32 $0x138000, s1;
	s11 =	simm.s32 $0x2880;
	[dreg:$0x14] =	wrdreg s0  }
0x20: {  	s18 =	simm.s32 $0x50;
	s19 =	simm.s32 $0x2B80;
	[dreg:$0x17] =	wrdreg s20  }
0x21: {  	s25 =	simm.s32 $0x1;
	s26 =	simm.s32 $0x2A80;
	[dreg:$0x18] =	wrdreg s21  }
0x22: {  	[dreg:$0x1a] =	wrdreg s24;
	s20 =	simm.s32 $0x6;
	s21 =	simm.s32 $0x5380  }
0x23: {  	v0 =	vimm.f32 $0.0e+00;
	s24 =	simm.s32 $0x3;
	s0 =	simm.s32 $0x8;
	[dreg:$0x1c] =	wrdreg s15  }
.LBB2_1:
0x24: {  	[dreg:$0x1e] =	wrdreg s3  }
0x25: {  	s1 =	rddreg [dreg:$0x6]  }
0x26: {  	[tilespmem:s10], [sflag:$0x5] =	stream.linear.gather [hbm4b:s1+s5], $0x50, $0x38;
	[tilespmem:$0x1CC00] =	vst v63  }
0x27: {  	s3 =	rddreg [dreg:$0x7]  }
0x28: {  	[tilespmem:s11], [sflag:$0x3] =	stream.linear.gather [hbm4b:s3+s5], $0x50, $0x38;
	[tilespmem:$0x1CC00] =	vst v63  }
0x29: {  	s4 =	rddreg [dreg:$0x8];
	s2 =	simm.s32 $0x2980  }
0x2a: {  	[tilespmem:s2], [sflag:$0x3] =	stream.linear.gather [hbm4b:s4+s5], $0x50, $0x38;
	[tilespmem:$0x1CC00] =	vst v63  }
0x2b: {  	s12 =	rddreg [dreg:$0x9];
	s2 =	simm.s32 $0x2800  }
0x2c: {  	[tilespmem:s2], [sflag:$0x6] =	stream.linear.gather [hbm4b:s12+s5], $0x50, $0x38;
	[tilespmem:$0x1CC00] =	vst v63  }
0x2d: {  	s3 =	rddreg [dreg:$0xa]  }
0x2e: {  	[tilespmem:s14], [sflag:$0x4] =	stream.linear.gather [hbm4b:s3+s5], $0x50, $0x38;
	[tilespmem:$0x1CC00] =	vst v63  }
0x2f: {  	s4 =	rddreg [dreg:$0xc];
	s12 =	simm.s32 $0x2A00  }
0x30: {  	[tilespmem:s12], [sflag:$0x4] =	stream.linear.gather [hbm4b:s4+s5], $0x50, $0x38;
	[tilespmem:$0x1CC00] =	vst v63  }
0x31: {  	_ =	swait.ge [sflag:s17], $0x50  }
0x32: {  	[sflag:s17] =	ssyncset.done $0x0  }
0x33: {  	[sflag:s17] =	ssyncadd.s32 $0xFFFFFFB0  }
0x34: {  	[tilespmem:s19], [sflag:$0x1] =	stream.indirect.gather [hbm4b:s22+s18], $0x80, s10, s18, $0xb8;
	[tilespmem:$0x1CC00] =	vst v63  }
0x35: {  	_ =	swait.ge [sflag:s20], $0x50  }
0x36: {  	[sflag:s20] =	ssyncset.done $0x0  }
0x37: {  	s4 =	simm.s32 $0x0;
	s12 =	simm.s32 $0x200;
	[sflag:s20] =	ssyncadd.s32 $0xFFFFFFB0  }
0x38: {  	[tilespmem:s21], [sflag:$0x2] =	stream.indirect.gather [hbm4b:s22+s18], $0x80, s2, s18, $0xb8;
	[tilespmem:$0x1CC00] =	vst v63  }
.LBB2_2:
0x39: {  	p1 =	sne.s32 s12, $0x5E00;
	[tilespmem:s4+$0x7BF0] =	vst v0  }
0x3a: {  	[tilespmem:s4+$0x7B80] =	vst v0  }
0x3b: {  	[tilespmem:s4+$0x7B90] =	vst v0  }
.Ltmp0:
0x3c: {  	[tilespmem:s4+$0x7BA0] =	vst v0;
	(pc) =	sbr.rel @p1 .LBB2_2-.Ltmp0, $4  }
0x3d: {  	[tilespmem:s4+$0x7BB0] =	vst v0  }
0x3e: {  	[tilespmem:s4+$0x7BC0] =	vst v0  }
0x3f: {  	[tilespmem:s4+$0x7BD0] =	vst v0  }
0x40: {  	[tilespmem:s4+$0x7BE0] =	vst v0;
	s4 =	sshra.s32 s12, $0x2;
	s12 =	sadd.s32 $0x200, s12  }
0x41: {  	[tilespmem:s4+$0x7BF0] =	vst v0  }
0x42: {  	[tilespmem:s4+$0x7B80] =	vst v0  }
0x43: {  	[tilespmem:s4+$0x7B90] =	vst v0  }
0x44: {  	[tilespmem:s4+$0x7BA0] =	vst v0  }
0x45: {  	[tilespmem:s4+$0x7BB0] =	vst v0  }
0x46: {  	[tilespmem:s4+$0x7BC0] =	vst v0  }
0x47: {  	[tilespmem:s4+$0x7BD0] =	vst v0  }
0x48: {  	[tilespmem:s4+$0x7BE0] =	vst v0;
	s4 =	simm.s32 $0x7B80  }
0x49: {  	[spmem:s13] =	stream.linear.scatter [tilespmem:s4], [sflag:$0x9], $0x1800, $0x38;
	[tilespmem:$0x1CC00] =	vst v63  }
0x4a: {  	_ =	swait.ge [sflag:s23], $0x1800  }
0x4b: {  	[sflag:s23] =	ssyncset.done $0x0  }
0x4c: {  	s1 =	rddreg [dreg:$0xd];
	[sflag:s23] =	ssyncadd.s32 $0xFFFFE800  }
0x4d: {  	[spmem:s1] =	stream.linear.scatter [tilespmem:s4], [sflag:$0x9], $0x1800, $0x38;
	[tilespmem:$0x1CC00] =	vst v63  }
0x4e: {  	_ =	swait.ge [sflag:s23], $0x1800  }
0x4f: {  	[sflag:s23] =	ssyncset.done $0x0  }
0x50: {  	s12 =	rddreg [dreg:$0xe];
	[sflag:s23] =	ssyncadd.s32 $0xFFFFE800  }
0x51: {  	[spmem:s12] =	stream.linear.scatter [tilespmem:s4], [sflag:$0x9], $0x1800, $0x38;
	[tilespmem:$0x1CC00] =	vst v63  }
0x52: {  	_ =	swait.ge [sflag:s23], $0x1800  }
0x53: {  	[sflag:s23] =	ssyncset.done $0x0  }
0x54: {  	s13 =	rddreg [dreg:$0xf];
	[sflag:s23] =	ssyncadd.s32 $0xFFFFE800  }
0x55: {  	[spmem:s13] =	stream.linear.scatter [tilespmem:s4], [sflag:$0x9], $0x1800, $0x38;
	[tilespmem:$0x1CC00] =	vst v63  }
0x56: {  	_ =	swait.ge [sflag:s23], $0x1800  }
0x57: {  	[sflag:s23] =	ssyncset.done $0x0  }
0x58: {  	s2 =	smov.u32 s16;
	s16 =	rddreg [dreg:$0x10];
	[sflag:s23] =	ssyncadd.s32 $0xFFFFE800  }
0x59: {  	[spmem:s16] =	stream.linear.scatter [tilespmem:s4], [sflag:$0x9], $0x1800, $0x38;
	[tilespmem:$0x1CC00] =	vst v63  }
0x5a: {  	_ =	swait.ge [sflag:s23], $0x1800  }
0x5b: {  	[sflag:s23] =	ssyncset.done $0x0  }
0x5c: {  	s3 =	smov.u32 s22;
	s22 =	rddreg [dreg:$0x11];
	[sflag:s23] =	ssyncadd.s32 $0xFFFFE800  }
0x5d: {  	[spmem:s22] =	stream.linear.scatter [tilespmem:s4], [sflag:$0x9], $0x1800, $0x38;
	[tilespmem:$0x1CC00] =	vst v63  }
0x5e: {  	_ =	swait.ge [sflag:s23], $0x1800  }
0x5f: {  	[sflag:s23] =	ssyncset.done $0x0  }
0x60: {  	s12 =	rddreg [dreg:$0x13];
	[sflag:s23] =	ssyncadd.s32 $0xFFFFE800  }
0x61: {  	[spmem:s12] =	stream.linear.scatter [tilespmem:s4], [sflag:$0x9], $0x1800, $0x38;
	[tilespmem:$0x1CC00] =	vst v63  }
0x62: {  	_ =	swait.ge [sflag:s23], $0x1800  }
0x63: {  	[sflag:s23] =	ssyncset.done $0x0  }
0x64: {  	s13 =	rddreg [dreg:$0x16];
	[sflag:s23] =	ssyncadd.s32 $0xFFFFE800  }
0x65: {  	[spmem:s13] =	stream.linear.scatter [tilespmem:s4], [sflag:$0x9], $0x1800, $0x38;
	[tilespmem:$0x1CC00] =	vst v63  }
0x66: {  	_ =	swait.ge [sflag:s23], $0x1800  }
0x67: {  	[sflag:s23] =	ssyncset.done $0x0  }
0x68: {  	s16 =	rddreg [dreg:$0x17];
	[sflag:s23] =	ssyncadd.s32 $0xFFFFE800  }
0x69: {  	[spmem:s16] =	stream.linear.scatter [tilespmem:s4], [sflag:$0x9], $0x1800, $0x38;
	[tilespmem:$0x1CC00] =	vst v63  }
0x6a: {  	_ =	swait.ge [sflag:s23], $0x1800  }
0x6b: {  	[sflag:s23] =	ssyncset.done $0x0  }
0x6c: {  	s22 =	rddreg [dreg:$0x18];
	[sflag:s23] =	ssyncadd.s32 $0xFFFFE800  }
0x6d: {  	[spmem:s22] =	stream.linear.scatter [tilespmem:s4], [sflag:$0x9], $0x1800, $0x38;
	[tilespmem:$0x1CC00] =	vst v63  }
0x6e: {  	_ =	swait.ge [sflag:s23], $0x1800  }
0x6f: {  	[sflag:s23] =	ssyncset.done $0x0  }
0x70: {  	s12 =	rddreg [dreg:$0x19];
	[sflag:s23] =	ssyncadd.s32 $0xFFFFE800  }
0x71: {  	[spmem:s12] =	stream.linear.scatter [tilespmem:s4], [sflag:$0x9], $0x1800, $0x38;
	[tilespmem:$0x1CC00] =	vst v63  }
0x72: {  	_ =	swait.ge [sflag:s23], $0x1800  }
0x73: {  	[sflag:s23] =	ssyncset.done $0x0  }
0x74: {  	s13 =	rddreg [dreg:$0x1a];
	[sflag:s23] =	ssyncadd.s32 $0xFFFFE800  }
0x75: {  	[spmem:s13] =	stream.linear.scatter [tilespmem:s4], [sflag:$0x9], $0x1800, $0x38;
	[tilespmem:$0x1CC00] =	vst v63  }
0x76: {  	_ =	swait.ge [sflag:s23], $0x1800  }
0x77: {  	[sflag:s23] =	ssyncset.done $0x0  }
0x78: {  	s16 =	rddreg [dreg:$0x1b];
	[sflag:s23] =	ssyncadd.s32 $0xFFFFE800  }
0x79: {  	[spmem:s16] =	stream.linear.scatter [tilespmem:s4], [sflag:$0x9], $0x1800, $0x38;
	[tilespmem:$0x1CC00] =	vst v63  }
0x7a: {  	_ =	swait.ge [sflag:s23], $0x1800  }
0x7b: {  	[sflag:s23] =	ssyncset.done $0x0  }
0x7c: {  	s4 =	simm.s32 @!p0 $0x7B80;
	[sflag:s23] =	ssyncadd.s32 $0xFFFFE800  }
0x7d: {  	[spmem:s15] =	stream.linear.scatter @!p0 [tilespmem:s4], [sflag:$0x9], $0x800, $0x38;
	[tilespmem:$0x1CC00] =	vst v63  }
0x7e: {  	s4 =	simm.s32 @!p0 $0x9  }
0x7f: {  	_ =	swait.ge @!p0 [sflag:s4], $0x800  }
0x80: {  	[sflag:s4] =	ssyncset.done @!p0 $0x0  }
0x81: {  	s15 =	simm.s32 $0x0;
	s22 =	rddreg [dreg:$0x5];
	[sflag:s4] =	ssyncadd.s32 @!p0 $0xFFFFF800  }
0x82: {  	[tilespmem:s15], [sflag:$0x9] =	stream.linear.gather [hbm4b:s22+s15], $0x2780, $0x38;
	[tilespmem:$0x1CC00] =	vst v63  }
0x83: {  	_ =	swait.ge [sflag:s23], $0x2780  }
0x84: {  	[sflag:s23] =	ssyncset.done $0x0  }
0x85: {  	[sflag:s23] =	ssyncadd.s32 $0xFFFFD880  }
0x86: {  	[bflag:$0x0] =	sbarrier.arrive $0xFFFF  }
.LBB2_4:
0x87: {  	_ =	swait.ge [sflag:s24], $0x50  }
0x88: {  	[sflag:s24] =	ssyncset.done $0x0  }
0x89: {  	[sflag:s24] =	ssyncadd.s32 $0xFFFFFFB0  }
0x8a: {  	_ =	swait.ge [sflag:s24], $0x50  }
0x8b: {  	[sflag:s24] =	ssyncset.done $0x0  }
0x8c: {  	[sflag:s24] =	ssyncadd.s32 $0xFFFFFFB0  }
0x8d: {  	v1 =	vld [tilespmem:$0x2880];
	_ =	sdelay $0x5  }
0x8e: {  	v2 =	vld [tilespmem:$0x2980]  }
0x8f: {  	v3 =	vld [tilespmem:$0x2890]  }
0x90: {  	v1 =	vld.idx.msk [tilespmem:v1+s5+$0x0], $0xffff;
	_ =	sdelay $0x4  }
0x91: {  	v1 =	vmul.f32 v2, v1;
	_ =	sdelay $0x1  }
0x92: {  	v2 =	vld [tilespmem:$0x2990];
	[tilespmem:$0x2A80] =	vst v1  }
0x93: {  	v1 =	vld.idx.msk [tilespmem:v3+s5+$0x0], $0xffff  }
0x94: {  	v3 =	vld [tilespmem:$0x28A0];
	_ =	sdelay $0x4  }
0x95: {  	v1 =	vmul.f32 v2, v1;
	_ =	sdelay $0x1  }
0x96: {  	v2 =	vld [tilespmem:$0x29A0];
	[tilespmem:$0x2A90] =	vst v1  }
0x97: {  	v1 =	vld.idx.msk [tilespmem:v3+s5+$0x0], $0xffff  }
0x98: {  	v3 =	vld [tilespmem:$0x28B0];
	_ =	sdelay $0x4  }
0x99: {  	v1 =	vmul.f32 v2, v1;
	_ =	sdelay $0x1  }
0x9a: {  	v2 =	vld [tilespmem:$0x29B0];
	[tilespmem:$0x2AA0] =	vst v1  }
0x9b: {  	v1 =	vld.idx.msk [tilespmem:v3+s5+$0x0], $0xffff  }
0x9c: {  	v3 =	vld [tilespmem:$0x28C0];
	_ =	sdelay $0x4  }
0x9d: {  	v1 =	vmul.f32 v2, v1;
	_ =	sdelay $0x1  }
0x9e: {  	v2 =	vld [tilespmem:$0x29C0];
	[tilespmem:$0x2AB0] =	vst v1  }
0x9f: {  	v1 =	vld.idx.msk [tilespmem:v3+s5+$0x0], $0xffff;
	_ =	sdelay $0x4  }
0xa0: {  	v1 =	vmul.f32 v2, v1;
	_ =	sdelay $0x1  }
0xa1: {  	[tilespmem:$0x2AC0] =	vst v1  }
0xa2: {  	s4 =	smul.u32 $0xA0, s15;
	_ =	swait.ge [sflag:s25], $0x2800  }
0xa3: {  	s13 =	simm.s32 $0x0;
	s1 =	rddreg [dreg:$0x1d]  }
0xa4: {  	v1 =	vmov s13;
	s4 =	sadd.s32 s4, s1  }
0xa5: {  	[sflag:s25] =	ssyncset.done $0x0;
	s22 =	sshrl.u32 s4, $0x3  }
0xa6: {  	[sflag:s25] =	ssyncadd.s32 $0xFFFFD800;
	s4 =	simm.s32 $0x2CC0;
	s12 =	sadd.s32 s6, s22  }
0xa7: {  	[tilespmem:s10], [sflag:$0x5] =	stream.linear.gather [hbm4b:s12+s5], $0x50, $0x38;
	[tilespmem:$0x1CC00] =	vst v63  }
0xa8: {  	v3 =	vld [tilespmem:s4+$0xFFFFFF30]  }
0xa9: {  	v1 =	vld.idx.msk [tilespmem:v1+s26+$0x0], $0xffff  }
0xaa: {  	v4 =	vld [tilespmem:s4+$0xFFFFFEC0]  }
0xab: {  	v5 =	vld [tilespmem:s4+$0xFFFFFEE0]  }
0xac: {  	v6 =	vld [tilespmem:s4+$0xFFFFFEF0]  }
0xad: {  	v2 =	vld [tilespmem:s4+$0xFFFFFF10]  }
0xae: {  	v8 =	vld [tilespmem:s4+$0xFFFFFED0];
	v3 =	vmul.f32 v3, v1  }
0xaf: {  	v7 =	vld [tilespmem:s4+$0xFFFFFF20];
	v4 =	vmul.f32 v4, v1  }
0xb0: {  	v9 =	vld [tilespmem:s4+$0xFFFFFF00];
	v5 =	vmul.f32 v5, v1;
	[tilespmem:s4+$0xFFFFFF30] =	vst v3  }
0xb1: {  	v3 =	vmul.f32 v6, v1;
	[tilespmem:s4+$0xFFFFFEC0] =	vst v4  }
0xb2: {  	s16 =	simm.s32 $0x1;
	v2 =	vmul.f32 v2, v1;
	[tilespmem:s4+$0xFFFFFEE0] =	vst v5  }
0xb3: {  	v4 =	vmul.f32 v8, v1;
	[tilespmem:s4+$0xFFFFFEF0] =	vst v3;
	v3 =	vmov s16  }
0xb4: {  	v5 =	vmul.f32 v7, v1;
	[tilespmem:s4+$0xFFFFFF10] =	vst v2  }
0xb5: {  	v1 =	vmul.f32 v9, v1;
	[tilespmem:s4+$0xFFFFFED0] =	vst v4  }
0xb6: {  	[tilespmem:s4+$0xFFFFFF20] =	vst v5  }
0xb7: {  	v2 =	vld [tilespmem:s4+$0xFFFFFF40];
	[tilespmem:s4+$0xFFFFFF00] =	vst v1  }
0xb8: {  	v1 =	vld.idx.msk [tilespmem:v3+s26+$0x0], $0xffff  }
0xb9: {  	v3 =	vld [tilespmem:s4+$0xFFFFFF60]  }
0xba: {  	v4 =	vld [tilespmem:s4+$0xFFFFFF90]  }
0xbb: {  	v5 =	vld [tilespmem:s4+$0xFFFFFFB0]  }
0xbc: {  	v6 =	vld [tilespmem:s4+$0xFFFFFF50]  }
0xbd: {  	v60 =	vld [tilespmem:s4+$0xFFFFFF70];
	v2 =	vmul.f32 v2, v1  }
0xbe: {  	v7 =	vld [tilespmem:s4+$0xFFFFFF80];
	v3 =	vmul.f32 v3, v1  }
0xbf: {  	v61 =	vld [tilespmem:s4+$0xFFFFFFA0];
	[tilespmem:s4+$0xFFFFFF40] =	vst v2;
	v2 =	vmul.f32 v4, v1  }
0xc0: {  	[tilespmem:s4+$0xFFFFFF60] =	vst v3;
	v3 =	vmul.f32 v5, v1  }
0xc1: {  	s23 =	simm.s32 $0x2;
	v4 =	vmul.f32 v6, v1;
	[tilespmem:s4+$0xFFFFFF90] =	vst v2  }
0xc2: {  	v5 =	vmul.f32 v60, v1;
	[tilespmem:s4+$0xFFFFFFB0] =	vst v3;
	v3 =	vmov s23  }
0xc3: {  	v2 =	vmul.f32 v7, v1;
	[tilespmem:s4+$0xFFFFFF50] =	vst v4  }
0xc4: {  	v62 =	vld [tilespmem:s4+$0x0];
	v1 =	vmul.f32 v61, v1;
	[tilespmem:s4+$0xFFFFFF70] =	vst v5  }
0xc5: {  	v63 =	vld [tilespmem:s4+$0x30];
	[tilespmem:s4+$0xFFFFFF80] =	vst v2  }
0xc6: {  	[tilespmem:s4+$0xFFFFFFA0] =	vst v1;
	v1 =	vld [tilespmem:s4+$0xFFFFFFC0]  }
0xc7: {  	v3 =	vld.idx.msk [tilespmem:v3+s26+$0x0], $0xffff  }
0xc8: {  	v5 =	vld [tilespmem:s4+$0xFFFFFFD0]  }
0xc9: {  	v6 =	vld [tilespmem:s4+$0xFFFFFFF0]  }
0xca: {  	v7 =	vld [tilespmem:s4+$0xFFFFFFE0]  }
0xcb: {  	v4 =	vld [tilespmem:s4+$0x10]  }
0xcc: {  	v2 =	vld [tilespmem:s4+$0x20];
	v1 =	vmul.f32 v1, v3  }
0xcd: {  	v5 =	vmul.f32 v5, v3  }
0xce: {  	v6 =	vmul.f32 v6, v3;
	[tilespmem:s4+$0xFFFFFFC0] =	vst v1  }
0xcf: {  	v7 =	vmul.f32 v7, v3;
	[tilespmem:s4+$0xFFFFFFD0] =	vst v5  }
0xd0: {  	s13 =	simm.s32 $0x3;
	v4 =	vmul.f32 v4, v3;
	v1 =	vmul.f32 v62, v3;
	[tilespmem:s4+$0xFFFFFFF0] =	vst v6  }
0xd1: {  	s12 =	simm.s32 $0x9;
	s16 =	simm.s32 $0x4;
	v5 =	vmul.f32 v2, v3;
	v2 =	vmul.f32 v63, v3;
	[tilespmem:s4+$0xFFFFFFE0] =	vst v7;
	v3 =	vmov s13;
	s13 =	simm.s32 $0x2CC0  }
.LBB2_5:
0xd2: {  	p1 =	sne.s32 s12, $0x4F  }
0xd3: {  	[tilespmem:s4+$0x10] =	vst v4;
	v4 =	vld [tilespmem:s4+$0x40];
	s13 =	sadd.s32 $0x280, s13;
	s23 =	smov.u32 s12;
	s12 =	sadd.s32 $0x5, s12  }
0xd4: {  	[tilespmem:s4+$0x20] =	vst v5;
	v5 =	vld [tilespmem:s4+$0x80]  }
0xd5: {  	[tilespmem:s4+$0x30] =	vst v2;
	v2 =	vld [tilespmem:s4+$0x60]  }
0xd6: {  	[tilespmem:s4+$0x0] =	vst v1;
	v1 =	vld [tilespmem:s4+$0x50]  }
0xd7: {  	v3 =	vld.idx.msk [tilespmem:v3+s26+$0x0], $0xffff  }
0xd8: {  	v6 =	vld [tilespmem:s4+$0x90]  }
0xd9: {  	v7 =	vld [tilespmem:s4+$0x70]  }
0xda: {  	v8 =	vld [tilespmem:s4+$0xA0]  }
0xdb: {  	v9 =	vld [tilespmem:s4+$0xB0];
	_ =	sdelay $0x1  }
0xdc: {  	v4 =	vmul.f32 v4, v3;
	v1 =	vmul.f32 v1, v3  }
0xdd: {  	v2 =	vmul.f32 v2, v3;
	v7 =	vmul.f32 v7, v3  }
0xde: {  	[tilespmem:s4+$0x40] =	vst v4;
	v4 =	vmul.f32 v5, v3;
	v5 =	vmul.f32 v6, v3  }
0xdf: {  	[tilespmem:s4+$0x50] =	vst v1;
	v1 =	vmul.f32 v8, v3;
	v3 =	vmul.f32 v9, v3  }
0xe0: {  	[tilespmem:s4+$0x60] =	vst v2  }
0xe1: {  	v2 =	vmov s16;
	s16 =	smov.u32 s23;
	[tilespmem:s4+$0x80] =	vst v4  }
0xe2: {  	[tilespmem:s4+$0x90] =	vst v5;
	v4 =	vld [tilespmem:s4+$0xC0]  }
0xe3: {  	[tilespmem:s4+$0x70] =	vst v7;
	v5 =	vld [tilespmem:s4+$0x100]  }
0xe4: {  	[tilespmem:s4+$0xA0] =	vst v1;
	v1 =	vld [tilespmem:s4+$0xF0]  }
0xe5: {  	[tilespmem:s4+$0xB0] =	vst v3;
	v3 =	vld [tilespmem:s4+$0x110]  }
0xe6: {  	v2 =	vld.idx.msk [tilespmem:v2+s26+$0x0], $0xffff  }
0xe7: {  	v6 =	vld [tilespmem:s4+$0xD0]  }
0xe8: {  	v7 =	vld [tilespmem:s4+$0xE0]  }
0xe9: {  	v8 =	vld [tilespmem:s4+$0x130]  }
0xea: {  	v9 =	vld [tilespmem:s4+$0x120];
	_ =	sdelay $0x1  }
0xeb: {  	v4 =	vmul.f32 v4, v2;
	v6 =	vmul.f32 v6, v2  }
0xec: {  	v1 =	vmul.f32 v1, v2;
	v7 =	vmul.f32 v7, v2  }
0xed: {  	v3 =	vmul.f32 v3, v2;
	[tilespmem:s4+$0xC0] =	vst v4;
	v4 =	vmul.f32 v5, v2  }
0xee: {  	[tilespmem:s4+$0xF0] =	vst v1;
	v1 =	vmul.f32 v9, v2;
	v2 =	vmul.f32 v8, v2  }
0xef: {  	s23 =	sadd.s32 $0xFFFFFFFC, s16;
	[tilespmem:s4+$0xD0] =	vst v6  }
0xf0: {  	v5 =	vmov s23;
	[tilespmem:s4+$0x100] =	vst v4  }
0xf1: {  	v4 =	vld [tilespmem:s13+$0xFFFFFF10];
	[tilespmem:s4+$0x110] =	vst v3  }
0xf2: {  	v3 =	vld [tilespmem:s13+$0xFFFFFEF0];
	[tilespmem:s4+$0xE0] =	vst v7  }
0xf3: {  	v6 =	vld [tilespmem:s13+$0xFFFFFF20];
	[tilespmem:s4+$0x130] =	vst v2  }
0xf4: {  	v2 =	vld [tilespmem:s13+$0xFFFFFF30];
	[tilespmem:s4+$0x120] =	vst v1;
	s4 =	smov.u32 s13  }
0xf5: {  	v1 =	vld.idx.msk [tilespmem:v5+s26+$0x0], $0xffff  }
0xf6: {  	v5 =	vld [tilespmem:s13+$0xFFFFFEC0]  }
0xf7: {  	v7 =	vld [tilespmem:s13+$0xFFFFFEE0]  }
0xf8: {  	v8 =	vld [tilespmem:s13+$0xFFFFFED0]  }
0xf9: {  	v9 =	vld [tilespmem:s13+$0xFFFFFF00];
	_ =	sdelay $0x1  }
0xfa: {  	v2 =	vmul.f32 v2, v1;
	v5 =	vmul.f32 v5, v1  }
0xfb: {  	v6 =	vmul.f32 v6, v1;
	v7 =	vmul.f32 v7, v1  }
0xfc: {  	v3 =	vmul.f32 v3, v1;
	v8 =	vmul.f32 v8, v1;
	[tilespmem:s13+$0xFFFFFF30] =	vst v2  }
0xfd: {  	[tilespmem:s13+$0xFFFFFEC0] =	vst v5;
	v2 =	vmul.f32 v9, v1;
	v1 =	vmul.f32 v4, v1  }
0xfe: {  	s23 =	sadd.s32 $0xFFFFFFFD, s16;
	[tilespmem:s13+$0xFFFFFEE0] =	vst v7  }
0xff: {  	[tilespmem:s13+$0xFFFFFEF0] =	vst v3;
	v3 =	vmov s23  }
0x100: {  	[tilespmem:s13+$0xFFFFFF10] =	vst v1;
	v1 =	vld [tilespmem:s13+$0xFFFFFFB0]  }
0x101: {  	[tilespmem:s13+$0xFFFFFED0] =	vst v8;
	v4 =	vld [tilespmem:s13+$0xFFFFFF90]  }
0x102: {  	[tilespmem:s13+$0xFFFFFF20] =	vst v6;
	v5 =	vld [tilespmem:s13+$0xFFFFFF70]  }
0x103: {  	[tilespmem:s13+$0xFFFFFF00] =	vst v2;
	v2 =	vld [tilespmem:s13+$0xFFFFFF50]  }
0x104: {  	v3 =	vld.idx.msk [tilespmem:v3+s26+$0x0], $0xffff  }
0x105: {  	v6 =	vld [tilespmem:s13+$0xFFFFFF40]  }
0x106: {  	v7 =	vld [tilespmem:s13+$0xFFFFFF60]  }
0x107: {  	v8 =	vld [tilespmem:s13+$0xFFFFFF80]  }
0x108: {  	v9 =	vld [tilespmem:s13+$0xFFFFFFA0];
	_ =	sdelay $0x1  }
0x109: {  	v2 =	vmul.f32 v2, v3;
	v6 =	vmul.f32 v6, v3  }
0x10a: {  	v5 =	vmul.f32 v5, v3;
	v7 =	vmul.f32 v7, v3  }
0x10b: {  	v4 =	vmul.f32 v4, v3;
	[tilespmem:s13+$0xFFFFFF40] =	vst v6;
	v6 =	vmul.f32 v8, v3  }
0x10c: {  	v1 =	vmul.f32 v1, v3;
	[tilespmem:s13+$0xFFFFFF60] =	vst v7;
	v7 =	vmul.f32 v9, v3  }
0x10d: {  	s23 =	sadd.s32 $0xFFFFFFFE, s16;
	[tilespmem:s13+$0xFFFFFF90] =	vst v4  }
0x10e: {  	[tilespmem:s13+$0xFFFFFFB0] =	vst v1;
	v1 =	vmov s23  }
0x10f: {  	[tilespmem:s13+$0xFFFFFF50] =	vst v2;
	v2 =	vld [tilespmem:s13+$0x20]  }
0x110: {  	[tilespmem:s13+$0xFFFFFF80] =	vst v6;
	v3 =	vld [tilespmem:s13+$0x10]  }
0x111: {  	[tilespmem:s13+$0xFFFFFF70] =	vst v5;
	v4 =	vld [tilespmem:s13+$0xFFFFFFF0]  }
0x112: {  	[tilespmem:s13+$0xFFFFFFA0] =	vst v7;
	v5 =	vld [tilespmem:s13+$0xFFFFFFD0]  }
0x113: {  	v6 =	vld.idx.msk [tilespmem:v1+s26+$0x0], $0xffff  }
0x114: {  	v1 =	vld [tilespmem:s13+$0xFFFFFFC0]  }
0x115: {  	v7 =	vld [tilespmem:s13+$0xFFFFFFE0]  }
0x116: {  	v8 =	vld [tilespmem:s13+$0x0]  }
0x117: {  	v9 =	vld [tilespmem:s13+$0x30];
	_ =	sdelay $0x1  }
0x118: {  	v5 =	vmul.f32 v5, v6;
	v1 =	vmul.f32 v1, v6  }
.Ltmp1:
0x119: {  	v10 =	vmul.f32 v4, v6;
	v7 =	vmul.f32 v7, v6;
	(pc) =	sbr.rel @p1 .LBB2_5-.Ltmp1, $4  }
0x11a: {  	v4 =	vmul.f32 v3, v6;
	[tilespmem:s13+$0xFFFFFFC0] =	vst v1;
	v1 =	vmul.f32 v8, v6  }
0x11b: {  	[tilespmem:s13+$0xFFFFFFD0] =	vst v5;
	v5 =	vmul.f32 v2, v6;
	v2 =	vmul.f32 v9, v6  }
0x11c: {  	s23 =	sadd.s32 $0xFFFFFFFF, s16;
	[tilespmem:s13+$0xFFFFFFF0] =	vst v10  }
0x11d: {  	v3 =	vmov s23;
	[tilespmem:s13+$0xFFFFFFE0] =	vst v7  }
0x11e: {  	[tilespmem:s4+$0x10] =	vst v4  }
0x11f: {  	[tilespmem:s4+$0x20] =	vst v5  }
0x120: {  	[tilespmem:s4+$0x30] =	vst v2  }
0x121: {  	v4 =	vld [tilespmem:s4+$0x40];
	[tilespmem:s4+$0x0] =	vst v1  }
0x122: {  	v1 =	vld.idx.msk [tilespmem:v3+s26+$0x0], $0xffff  }
0x123: {  	v2 =	vld [tilespmem:s4+$0x50]  }
0x124: {  	v3 =	vld [tilespmem:s4+$0x60]  }
0x125: {  	v5 =	vld [tilespmem:s4+$0x80]  }
0x126: {  	v6 =	vld [tilespmem:s4+$0x90]  }
0x127: {  	v7 =	vld [tilespmem:s4+$0x70];
	v4 =	vmul.f32 v4, v1  }
0x128: {  	v8 =	vld [tilespmem:s4+$0xA0];
	v2 =	vmul.f32 v2, v1  }
0x129: {  	v9 =	vld [tilespmem:s4+$0xB0];
	v3 =	vmul.f32 v3, v1;
	[tilespmem:s4+$0x40] =	vst v4  }
0x12a: {  	v4 =	vmul.f32 v5, v1;
	[tilespmem:s4+$0x50] =	vst v2  }
0x12b: {  	v2 =	vmul.f32 v6, v1;
	[tilespmem:s4+$0x60] =	vst v3  }
0x12c: {  	v3 =	vmul.f32 v7, v1;
	[tilespmem:s4+$0x80] =	vst v4;
	v4 =	vmov s16  }
0x12d: {  	v5 =	vmul.f32 v8, v1;
	[tilespmem:s4+$0x90] =	vst v2  }
0x12e: {  	v1 =	vmul.f32 v9, v1;
	[tilespmem:s4+$0x70] =	vst v3  }
0x12f: {  	[tilespmem:s4+$0xA0] =	vst v5  }
0x130: {  	v2 =	vld [tilespmem:s4+$0xC0];
	[tilespmem:s4+$0xB0] =	vst v1  }
0x131: {  	v1 =	vld.idx.msk [tilespmem:v4+s26+$0x0], $0xffff  }
0x132: {  	v3 =	vld [tilespmem:s4+$0xF0]  }
0x133: {  	v4 =	vld [tilespmem:s4+$0xD0]  }
0x134: {  	v5 =	vld [tilespmem:s4+$0x100]  }
0x135: {  	v6 =	vld [tilespmem:s4+$0x110]  }
0x136: {  	v7 =	vld [tilespmem:s4+$0xE0];
	v2 =	vmul.f32 v2, v1  }
0x137: {  	v56 =	vld [tilespmem:s4+$0x130];
	v3 =	vmul.f32 v3, v1  }
0x138: {  	v57 =	vld [tilespmem:s4+$0x120];
	v4 =	vmul.f32 v4, v1;
	[tilespmem:s4+$0xC0] =	vst v2  }
0x139: {  	v2 =	vmul.f32 v5, v1;
	[tilespmem:s4+$0xF0] =	vst v3  }
0x13a: {  	v3 =	vmul.f32 v6, v1;
	[tilespmem:s4+$0xD0] =	vst v4  }
0x13b: {  	v4 =	vmul.f32 v7, v1;
	[tilespmem:s4+$0x100] =	vst v2  }
0x13c: {  	v2 =	vmul.f32 v56, v1;
	[tilespmem:s4+$0x110] =	vst v3  }
0x13d: {  	v1 =	vmul.f32 v57, v1;
	[tilespmem:s4+$0xE0] =	vst v4  }
0x13e: {  	[tilespmem:s4+$0x130] =	vst v2  }
0x13f: {  	[tilespmem:s4+$0x120] =	vst v1  }
0x140: {  	[spmem:s8] =	stream.indirect.scatter.add.f32 [tilespmem:s19], [sflag:$0x7], $0x80, s11, s18, $0xb8;
	[tilespmem:$0x1CC00] =	vst v63  }
0x141: {  	_ =	swait.ge [sflag:s28], $0x50  }
0x142: {  	[sflag:s28] =	ssyncset.done $0x0  }
0x143: {  	[sflag:s28] =	ssyncadd.s32 $0xFFFFFFB0  }
0x144: {  	_ =	swait.ge [sflag:s28], $0x50  }
0x145: {  	[sflag:s28] =	ssyncset.done $0x0  }
0x146: {  	[sflag:s28] =	ssyncadd.s32 $0xFFFFFFB0  }
0x147: {  	v1 =	vld [tilespmem:$0x2900];
	_ =	sdelay $0x5  }
0x148: {  	v2 =	vld [tilespmem:$0x2A00]  }
0x149: {  	v3 =	vld [tilespmem:$0x2910]  }
0x14a: {  	v1 =	vld.idx.msk [tilespmem:v1+s5+$0x0], $0xffff;
	_ =	sdelay $0x4  }
0x14b: {  	v1 =	vmul.f32 v2, v1;
	_ =	sdelay $0x1  }
0x14c: {  	v2 =	vld [tilespmem:$0x2A10];
	[tilespmem:$0x2B00] =	vst v1  }
0x14d: {  	v1 =	vld.idx.msk [tilespmem:v3+s5+$0x0], $0xffff  }
0x14e: {  	v3 =	vld [tilespmem:$0x2920];
	_ =	sdelay $0x4  }
0x14f: {  	v1 =	vmul.f32 v2, v1;
	_ =	sdelay $0x1  }
0x150: {  	v2 =	vld [tilespmem:$0x2A20];
	[tilespmem:$0x2B10] =	vst v1  }
0x151: {  	v1 =	vld.idx.msk [tilespmem:v3+s5+$0x0], $0xffff  }
0x152: {  	v3 =	vld [tilespmem:$0x2930];
	_ =	sdelay $0x4  }
0x153: {  	v1 =	vmul.f32 v2, v1;
	_ =	sdelay $0x1  }
0x154: {  	v2 =	vld [tilespmem:$0x2A30];
	[tilespmem:$0x2B20] =	vst v1  }
0x155: {  	v1 =	vld.idx.msk [tilespmem:v3+s5+$0x0], $0xffff  }
0x156: {  	v3 =	vld [tilespmem:$0x2940];
	_ =	sdelay $0x4  }
0x157: {  	v1 =	vmul.f32 v2, v1;
	_ =	sdelay $0x1  }
0x158: {  	v2 =	vld [tilespmem:$0x2A40];
	[tilespmem:$0x2B30] =	vst v1  }
0x159: {  	v1 =	vld.idx.msk [tilespmem:v3+s5+$0x0], $0xffff;
	_ =	sdelay $0x3  }
0x15a: {  	s12 =	sshll.u32 s15, $0x1  }
0x15b: {  	p1 =	seq.s32 s15, $0x3D;
	s4 =	sadd.s32 $0x3, s12;
	v1 =	vmul.f32 v2, v1  }
0x15c: {  	s12 =	smul.u32 @!p1 $0x50, s4  }
0x15d: {  	[tilespmem:$0x2B40] =	vst v1  }
0x15e: {  	s13 =	simm.s32 $0x0;
	s12 =	sadd.s32 @!p1 s9, s12;
	_ =	swait.ge [sflag:s29], $0x2800  }
0x15f: {  	s23 =	simm.s32 @!p1 $0x2800;
	s12 =	sshrl.u32 @!p1 s12, $0x3;
	v1 =	vmov s13;
	[sflag:s29] =	ssyncset.done $0x0  }
0x160: {  	s16 =	simm.s32 @!p1 $0x0;
	s12 =	sadd.s32 @!p1 s6, s12;
	[sflag:s29] =	ssyncadd.s32 $0xFFFFD800  }
0x161: {  	[tilespmem:s23], [sflag:$0x6] =	stream.linear.gather @!p1 [hbm4b:s12+s16], $0x50, $0x38;
	[tilespmem:$0x1CC00] =	vst v63  }
0x162: {  	s16 =	simm.s32 $0x54C0  }
0x163: {  	v3 =	vld [tilespmem:s16+$0xFFFFFF30]  }
0x164: {  	v1 =	vld.idx.msk [tilespmem:v1+s30+$0x0], $0xffff  }
0x165: {  	v4 =	vld [tilespmem:s16+$0xFFFFFEC0]  }
0x166: {  	v5 =	vld [tilespmem:s16+$0xFFFFFEE0]  }
0x167: {  	v6 =	vld [tilespmem:s16+$0xFFFFFEF0]  }
0x168: {  	v2 =	vld [tilespmem:s16+$0xFFFFFF10]  }
0x169: {  	v58 =	vld [tilespmem:s16+$0xFFFFFED0];
	v3 =	vmul.f32 v3, v1  }
0x16a: {  	v7 =	vld [tilespmem:s16+$0xFFFFFF20];
	v4 =	vmul.f32 v4, v1  }
0x16b: {  	v59 =	vld [tilespmem:s16+$0xFFFFFF00];
	v5 =	vmul.f32 v5, v1;
	[tilespmem:s16+$0xFFFFFF30] =	vst v3  }
0x16c: {  	v3 =	vmul.f32 v6, v1;
	[tilespmem:s16+$0xFFFFFEC0] =	vst v4  }
0x16d: {  	s13 =	simm.s32 $0x1;
	v2 =	vmul.f32 v2, v1;
	[tilespmem:s16+$0xFFFFFEE0] =	vst v5  }
0x16e: {  	v4 =	vmul.f32 v58, v1;
	[tilespmem:s16+$0xFFFFFEF0] =	vst v3;
	v3 =	vmov s13  }
0x16f: {  	v5 =	vmul.f32 v7, v1;
	[tilespmem:s16+$0xFFFFFF10] =	vst v2  }
0x170: {  	v1 =	vmul.f32 v59, v1;
	[tilespmem:s16+$0xFFFFFED0] =	vst v4  }
0x171: {  	[tilespmem:s16+$0xFFFFFF20] =	vst v5  }
0x172: {  	v2 =	vld [tilespmem:s16+$0xFFFFFF40];
	[tilespmem:s16+$0xFFFFFF00] =	vst v1  }
0x173: {  	v1 =	vld.idx.msk [tilespmem:v3+s30+$0x0], $0xffff  }
0x174: {  	v3 =	vld [tilespmem:s16+$0xFFFFFF60]  }
0x175: {  	v4 =	vld [tilespmem:s16+$0xFFFFFF90]  }
0x176: {  	v5 =	vld [tilespmem:s16+$0xFFFFFFB0]  }
0x177: {  	v6 =	vld [tilespmem:s16+$0xFFFFFF50]  }
0x178: {  	v60 =	vld [tilespmem:s16+$0xFFFFFF70];
	v2 =	vmul.f32 v2, v1  }
0x179: {  	v7 =	vld [tilespmem:s16+$0xFFFFFF80];
	v3 =	vmul.f32 v3, v1  }
0x17a: {  	v61 =	vld [tilespmem:s16+$0xFFFFFFA0];
	[tilespmem:s16+$0xFFFFFF40] =	vst v2;
	v2 =	vmul.f32 v4, v1  }
0x17b: {  	[tilespmem:s16+$0xFFFFFF60] =	vst v3;
	v3 =	vmul.f32 v5, v1  }
0x17c: {  	s23 =	simm.s32 $0x2;
	v4 =	vmul.f32 v6, v1;
	[tilespmem:s16+$0xFFFFFF90] =	vst v2  }
0x17d: {  	v5 =	vmul.f32 v60, v1;
	[tilespmem:s16+$0xFFFFFFB0] =	vst v3;
	v3 =	vmov s23  }
0x17e: {  	v2 =	vmul.f32 v7, v1;
	[tilespmem:s16+$0xFFFFFF50] =	vst v4  }
0x17f: {  	v62 =	vld [tilespmem:s16+$0x0];
	v1 =	vmul.f32 v61, v1;
	[tilespmem:s16+$0xFFFFFF70] =	vst v5  }
0x180: {  	v63 =	vld [tilespmem:s16+$0x30];
	[tilespmem:s16+$0xFFFFFF80] =	vst v2  }
0x181: {  	[tilespmem:s16+$0xFFFFFFA0] =	vst v1;
	v1 =	vld [tilespmem:s16+$0xFFFFFFC0]  }
0x182: {  	v3 =	vld.idx.msk [tilespmem:v3+s30+$0x0], $0xffff  }
0x183: {  	v5 =	vld [tilespmem:s16+$0xFFFFFFD0]  }
0x184: {  	v6 =	vld [tilespmem:s16+$0xFFFFFFF0]  }
0x185: {  	v7 =	vld [tilespmem:s16+$0xFFFFFFE0]  }
0x186: {  	v4 =	vld [tilespmem:s16+$0x10]  }
0x187: {  	v2 =	vld [tilespmem:s16+$0x20];
	v1 =	vmul.f32 v1, v3  }
0x188: {  	v5 =	vmul.f32 v5, v3  }
0x189: {  	v6 =	vmul.f32 v6, v3;
	[tilespmem:s16+$0xFFFFFFC0] =	vst v1  }
0x18a: {  	v7 =	vmul.f32 v7, v3;
	[tilespmem:s16+$0xFFFFFFD0] =	vst v5  }
0x18b: {  	s1 =	simm.s32 $0x3;
	v4 =	vmul.f32 v4, v3;
	v1 =	vmul.f32 v62, v3;
	[tilespmem:s16+$0xFFFFFFF0] =	vst v6  }
0x18c: {  	s12 =	simm.s32 $0x4;
	s13 =	simm.s32 $0x9;
	s23 =	simm.s32 $0x54C0;
	v5 =	vmul.f32 v2, v3;
	v2 =	vmul.f32 v63, v3;
	[tilespmem:s16+$0xFFFFFFE0] =	vst v7;
	v3 =	vmov s1  }
.LBB2_7:
0x18d: {  	p2 =	sne.s32 s13, $0x4F  }
0x18e: {  	[tilespmem:s16+$0x10] =	vst v4;
	v4 =	vld [tilespmem:s16+$0x40];
	s23 =	sadd.s32 $0x280, s23;
	s1 =	smov.u32 s13;
	s13 =	sadd.s32 $0x5, s13  }
0x18f: {  	[tilespmem:s16+$0x20] =	vst v5;
	v5 =	vld [tilespmem:s16+$0x80]  }
0x190: {  	[tilespmem:s16+$0x30] =	vst v2;
	v2 =	vld [tilespmem:s16+$0x60]  }
0x191: {  	[tilespmem:s16+$0x0] =	vst v1;
	v1 =	vld [tilespmem:s16+$0x50]  }
0x192: {  	v3 =	vld.idx.msk [tilespmem:v3+s30+$0x0], $0xffff  }
0x193: {  	v6 =	vld [tilespmem:s16+$0x90]  }
0x194: {  	v7 =	vld [tilespmem:s16+$0x70]  }
0x195: {  	v8 =	vld [tilespmem:s16+$0xA0]  }
0x196: {  	v9 =	vld [tilespmem:s16+$0xB0];
	_ =	sdelay $0x1  }
0x197: {  	v4 =	vmul.f32 v4, v3;
	v1 =	vmul.f32 v1, v3  }
0x198: {  	v2 =	vmul.f32 v2, v3;
	v7 =	vmul.f32 v7, v3  }
0x199: {  	[tilespmem:s16+$0x40] =	vst v4;
	v4 =	vmul.f32 v5, v3;
	v5 =	vmul.f32 v6, v3  }
0x19a: {  	[tilespmem:s16+$0x50] =	vst v1;
	v1 =	vmul.f32 v8, v3;
	v3 =	vmul.f32 v9, v3  }
0x19b: {  	[tilespmem:s16+$0x60] =	vst v2  }
0x19c: {  	v2 =	vmov s12;
	s12 =	smov.u32 s1;
	[tilespmem:s16+$0x80] =	vst v4  }
0x19d: {  	[tilespmem:s16+$0x90] =	vst v5;
	v4 =	vld [tilespmem:s16+$0xC0]  }
0x19e: {  	[tilespmem:s16+$0x70] =	vst v7;
	v5 =	vld [tilespmem:s16+$0x100]  }
0x19f: {  	[tilespmem:s16+$0xA0] =	vst v1;
	v1 =	vld [tilespmem:s16+$0xF0]  }
0x1a0: {  	[tilespmem:s16+$0xB0] =	vst v3;
	v3 =	vld [tilespmem:s16+$0x110]  }
0x1a1: {  	v2 =	vld.idx.msk [tilespmem:v2+s30+$0x0], $0xffff  }
0x1a2: {  	v6 =	vld [tilespmem:s16+$0xD0]  }
0x1a3: {  	v7 =	vld [tilespmem:s16+$0xE0]  }
0x1a4: {  	v8 =	vld [tilespmem:s16+$0x130]  }
0x1a5: {  	v9 =	vld [tilespmem:s16+$0x120];
	_ =	sdelay $0x1  }
0x1a6: {  	v4 =	vmul.f32 v4, v2;
	v6 =	vmul.f32 v6, v2  }
0x1a7: {  	v1 =	vmul.f32 v1, v2;
	v7 =	vmul.f32 v7, v2  }
0x1a8: {  	v3 =	vmul.f32 v3, v2;
	[tilespmem:s16+$0xC0] =	vst v4;
	v4 =	vmul.f32 v5, v2  }
0x1a9: {  	[tilespmem:s16+$0xF0] =	vst v1;
	v1 =	vmul.f32 v9, v2;
	v2 =	vmul.f32 v8, v2  }
0x1aa: {  	s1 =	sadd.s32 $0xFFFFFFFC, s12;
	[tilespmem:s16+$0xD0] =	vst v6  }
0x1ab: {  	v5 =	vmov s1;
	[tilespmem:s16+$0x100] =	vst v4  }
0x1ac: {  	v4 =	vld [tilespmem:s23+$0xFFFFFF10];
	[tilespmem:s16+$0x110] =	vst v3  }
0x1ad: {  	v3 =	vld [tilespmem:s23+$0xFFFFFEF0];
	[tilespmem:s16+$0xE0] =	vst v7  }
0x1ae: {  	v6 =	vld [tilespmem:s23+$0xFFFFFF20];
	[tilespmem:s16+$0x130] =	vst v2  }
0x1af: {  	v2 =	vld [tilespmem:s23+$0xFFFFFF30];
	[tilespmem:s16+$0x120] =	vst v1;
	s16 =	smov.u32 s23  }
0x1b0: {  	v1 =	vld.idx.msk [tilespmem:v5+s30+$0x0], $0xffff  }
0x1b1: {  	v5 =	vld [tilespmem:s23+$0xFFFFFEC0]  }
0x1b2: {  	v7 =	vld [tilespmem:s23+$0xFFFFFEE0]  }
0x1b3: {  	v8 =	vld [tilespmem:s23+$0xFFFFFED0]  }
0x1b4: {  	v9 =	vld [tilespmem:s23+$0xFFFFFF00];
	_ =	sdelay $0x1  }
0x1b5: {  	v2 =	vmul.f32 v2, v1;
	v5 =	vmul.f32 v5, v1  }
0x1b6: {  	v6 =	vmul.f32 v6, v1;
	v7 =	vmul.f32 v7, v1  }
0x1b7: {  	v3 =	vmul.f32 v3, v1;
	v8 =	vmul.f32 v8, v1;
	[tilespmem:s23+$0xFFFFFF30] =	vst v2  }
0x1b8: {  	[tilespmem:s23+$0xFFFFFEC0] =	vst v5;
	v2 =	vmul.f32 v9, v1;
	v1 =	vmul.f32 v4, v1  }
0x1b9: {  	s1 =	sadd.s32 $0xFFFFFFFD, s12;
	[tilespmem:s23+$0xFFFFFEE0] =	vst v7  }
0x1ba: {  	[tilespmem:s23+$0xFFFFFEF0] =	vst v3;
	v3 =	vmov s1  }
0x1bb: {  	[tilespmem:s23+$0xFFFFFF10] =	vst v1;
	v1 =	vld [tilespmem:s23+$0xFFFFFFB0]  }
0x1bc: {  	[tilespmem:s23+$0xFFFFFED0] =	vst v8;
	v4 =	vld [tilespmem:s23+$0xFFFFFF90]  }
0x1bd: {  	[tilespmem:s23+$0xFFFFFF20] =	vst v6;
	v5 =	vld [tilespmem:s23+$0xFFFFFF70]  }
0x1be: {  	[tilespmem:s23+$0xFFFFFF00] =	vst v2;
	v2 =	vld [tilespmem:s23+$0xFFFFFF50]  }
0x1bf: {  	v3 =	vld.idx.msk [tilespmem:v3+s30+$0x0], $0xffff  }
0x1c0: {  	v6 =	vld [tilespmem:s23+$0xFFFFFF40]  }
0x1c1: {  	v7 =	vld [tilespmem:s23+$0xFFFFFF60]  }
0x1c2: {  	v8 =	vld [tilespmem:s23+$0xFFFFFF80]  }
0x1c3: {  	v9 =	vld [tilespmem:s23+$0xFFFFFFA0];
	_ =	sdelay $0x1  }
0x1c4: {  	v2 =	vmul.f32 v2, v3;
	v6 =	vmul.f32 v6, v3  }
0x1c5: {  	v5 =	vmul.f32 v5, v3;
	v7 =	vmul.f32 v7, v3  }
0x1c6: {  	v4 =	vmul.f32 v4, v3;
	[tilespmem:s23+$0xFFFFFF40] =	vst v6;
	v6 =	vmul.f32 v8, v3  }
0x1c7: {  	v1 =	vmul.f32 v1, v3;
	[tilespmem:s23+$0xFFFFFF60] =	vst v7;
	v7 =	vmul.f32 v9, v3  }
0x1c8: {  	s1 =	sadd.s32 $0xFFFFFFFE, s12;
	[tilespmem:s23+$0xFFFFFF90] =	vst v4  }
0x1c9: {  	[tilespmem:s23+$0xFFFFFFB0] =	vst v1;
	v1 =	vmov s1  }
0x1ca: {  	[tilespmem:s23+$0xFFFFFF50] =	vst v2;
	v2 =	vld [tilespmem:s23+$0x20]  }
0x1cb: {  	[tilespmem:s23+$0xFFFFFF80] =	vst v6;
	v3 =	vld [tilespmem:s23+$0x10]  }
0x1cc: {  	[tilespmem:s23+$0xFFFFFF70] =	vst v5;
	v4 =	vld [tilespmem:s23+$0xFFFFFFF0]  }
0x1cd: {  	[tilespmem:s23+$0xFFFFFFA0] =	vst v7;
	v5 =	vld [tilespmem:s23+$0xFFFFFFD0]  }
0x1ce: {  	v6 =	vld.idx.msk [tilespmem:v1+s30+$0x0], $0xffff  }
0x1cf: {  	v1 =	vld [tilespmem:s23+$0xFFFFFFC0]  }
0x1d0: {  	v7 =	vld [tilespmem:s23+$0xFFFFFFE0]  }
0x1d1: {  	v8 =	vld [tilespmem:s23+$0x0]  }
0x1d2: {  	v9 =	vld [tilespmem:s23+$0x30];
	_ =	sdelay $0x1  }
0x1d3: {  	v5 =	vmul.f32 v5, v6;
	v1 =	vmul.f32 v1, v6  }
.Ltmp2:
0x1d4: {  	v10 =	vmul.f32 v4, v6;
	v7 =	vmul.f32 v7, v6;
	(pc) =	sbr.rel @p2 .LBB2_7-.Ltmp2, $4  }
0x1d5: {  	v4 =	vmul.f32 v3, v6;
	[tilespmem:s23+$0xFFFFFFC0] =	vst v1;
	v1 =	vmul.f32 v8, v6  }
0x1d6: {  	[tilespmem:s23+$0xFFFFFFD0] =	vst v5;
	v5 =	vmul.f32 v2, v6;
	v2 =	vmul.f32 v9, v6  }
0x1d7: {  	s1 =	sadd.s32 $0xFFFFFFFF, s12;
	[tilespmem:s23+$0xFFFFFFF0] =	vst v10  }
0x1d8: {  	v3 =	vmov s1;
	[tilespmem:s23+$0xFFFFFFE0] =	vst v7  }
0x1d9: {  	[tilespmem:s16+$0x10] =	vst v4  }
0x1da: {  	[tilespmem:s16+$0x20] =	vst v5  }
0x1db: {  	[tilespmem:s16+$0x30] =	vst v2  }
0x1dc: {  	v52 =	vld [tilespmem:s16+$0x40];
	[tilespmem:s16+$0x0] =	vst v1  }
0x1dd: {  	v1 =	vld.idx.msk [tilespmem:v3+s30+$0x0], $0xffff  }
0x1de: {  	v2 =	vld [tilespmem:s16+$0x50]  }
0x1df: {  	v3 =	vld [tilespmem:s16+$0x60]  }
0x1e0: {  	v53 =	vld [tilespmem:s16+$0x80]  }
0x1e1: {  	v8 =	vld [tilespmem:s16+$0xA0]  }
0x1e2: {  	v6 =	vld [tilespmem:s16+$0x90];
	v4 =	vmul.f32 v52, v1  }
0x1e3: {  	v7 =	vld [tilespmem:s16+$0x70];
	v2 =	vmul.f32 v2, v1  }
0x1e4: {  	v9 =	vld [tilespmem:s16+$0xB0];
	v3 =	vmul.f32 v3, v1;
	[tilespmem:s16+$0x40] =	vst v4  }
0x1e5: {  	v54 =	vmul.f32 v53, v1;
	[tilespmem:s16+$0x50] =	vst v2  }
0x1e6: {  	v56 =	vmul.f32 v8, v1;
	[tilespmem:s16+$0x60] =	vst v3  }
0x1e7: {  	v55 =	vmov s12;
	v2 =	vmul.f32 v6, v1;
	[tilespmem:s16+$0x80] =	vst v54  }
0x1e8: {  	v3 =	vmul.f32 v7, v1;
	[tilespmem:s16+$0xA0] =	vst v56  }
0x1e9: {  	v1 =	vmul.f32 v9, v1;
	[tilespmem:s16+$0x90] =	vst v2  }
0x1ea: {  	[tilespmem:s16+$0x70] =	vst v3  }
0x1eb: {  	v2 =	vld [tilespmem:s16+$0xC0];
	[tilespmem:s16+$0xB0] =	vst v1  }
0x1ec: {  	v1 =	vld.idx.msk [tilespmem:v55+s30+$0x0], $0xffff  }
0x1ed: {  	v3 =	vld [tilespmem:s16+$0xF0]  }
0x1ee: {  	v57 =	vld [tilespmem:s16+$0xD0]  }
0x1ef: {  	v60 =	vld [tilespmem:s16+$0xE0]  }
0x1f0: {  	v58 =	vld [tilespmem:s16+$0x100]  }
0x1f1: {  	v59 =	vld [tilespmem:s16+$0x110];
	v2 =	vmul.f32 v2, v1  }
0x1f2: {  	v61 =	vld [tilespmem:s16+$0x130];
	v3 =	vmul.f32 v3, v1  }
0x1f3: {  	v62 =	vld [tilespmem:s16+$0x120];
	v4 =	vmul.f32 v57, v1;
	[tilespmem:s16+$0xC0] =	vst v2  }
0x1f4: {  	v63 =	vmul.f32 v60, v1;
	[tilespmem:s16+$0xF0] =	vst v3  }
0x1f5: {  	v2 =	vmul.f32 v58, v1;
	[tilespmem:s16+$0xD0] =	vst v4  }
0x1f6: {  	v3 =	vmul.f32 v59, v1;
	[tilespmem:s16+$0xE0] =	vst v63  }
0x1f7: {  	[tilespmem:s16+$0x100] =	vst v2;
	v2 =	vmul.f32 v61, v1  }
0x1f8: {  	[tilespmem:s16+$0x110] =	vst v3;
	v1 =	vmul.f32 v62, v1  }
0x1f9: {  	[tilespmem:s16+$0x130] =	vst v2  }
0x1fa: {  	[tilespmem:s16+$0x120] =	vst v1  }
0x1fb: {  	[spmem:s8] =	stream.indirect.scatter.add.f32 [tilespmem:s21], [sflag:$0x8], $0x80, s14, s18, $0xb8;
	[tilespmem:$0x1CC00] =	vst v63  }
0x1fc: {  	_ =	swait.ge [sflag:s31], $0x2800  }
0x1fd: {  	[sflag:s31] =	ssyncset.done $0x0  }
0x1fe: {  	s1 =	sadd.s32 s7, s22;
	[sflag:s31] =	ssyncadd.s32 $0xFFFFD800  }
0x1ff: {  	[tilespmem:s11], [sflag:$0x3] =	stream.linear.gather [hbm4b:s1+s5], $0x50, $0x38;
	[tilespmem:$0x1CC00] =	vst v63  }
0x200: {  	s22 =	sadd.s32 s2, s22;
	s23 =	simm.s32 $0x2980  }
0x201: {  	[tilespmem:s23], [sflag:$0x3] =	stream.linear.gather [hbm4b:s22+s5], $0x50, $0x38;
	[tilespmem:$0x1CC00] =	vst v63  }
0x202: {  	_ =	swait.ge [sflag:s17], $0x50  }
0x203: {  	[sflag:s17] =	ssyncset.done $0x0  }
.Ltmp3:
0x204: {  	[sflag:s17] =	ssyncadd.s32 $0xFFFFFFB0;
	(pc) =	sbr.rel @p1 .LBB2_10-.Ltmp3, $4  }
0x205: {  	[tilespmem:s19], [sflag:$0x1] =	stream.indirect.gather [hbm4b:s3+s18], $0x80, s10, s18, $0xb8;
	[tilespmem:$0x1CC00] =	vst v63  }
0x206: {  	_ =	swait.ge [sflag:s0], $0x2800  }
0x207: {  	[sflag:s0] =	ssyncset.done $0x0  }
0x208: {  	s16 =	smov.u32 s2;
	s22 =	smov.u32 s3;
	[sflag:s0] =	ssyncadd.s32 $0xFFFFD800  }
0x209: {  	s1 =	smul.u32 $0x50, s4;
	_ =	sdelay $0x1  }
0x20a: {  	s1 =	sadd.s32 s9, s1  }
0x20b: {  	s1 =	sshrl.u32 s1, $0x3  }
0x20c: {  	s13 =	sadd.s32 s7, s1  }
0x20d: {  	[tilespmem:s14], [sflag:$0x4] =	stream.linear.gather [hbm4b:s13+s5], $0x50, $0x38;
	[tilespmem:$0x1CC00] =	vst v63  }
0x20e: {  	s1 =	sadd.s32 s16, s1;
	s16 =	simm.s32 $0x2A00  }
0x20f: {  	[tilespmem:s16], [sflag:$0x4] =	stream.linear.gather [hbm4b:s1+s5], $0x50, $0x38;
	[tilespmem:$0x1CC00] =	vst v63  }
.Ltmp4:
0x210: {  	_ = 	snop;
	(pc) =	sbr.rel .LBB2_4-.Ltmp4, $4  }
0x211: {  	_ =	swait.ge [sflag:s20], $0x50  }
0x212: {  	[sflag:s20] =	ssyncset.done $0x0  }
0x213: {  	s23 =	simm.s32 $0x2800;
	s15 =	sadd.s32 $0x1, s15;
	[sflag:s20] =	ssyncadd.s32 $0xFFFFFFB0  }
0x214: {  	[tilespmem:s21], [sflag:$0x2] =	stream.indirect.gather [hbm4b:s22+s18], $0x80, s23, s18, $0xb8;
	[tilespmem:$0x1CC00] =	vst v63  }
.LBB2_10:
0x215: {  	_ =	swait.ge [sflag:s24], $0x50  }
0x216: {  	[sflag:s24] =	ssyncset.done $0x0  }
0x217: {  	[sflag:s24] =	ssyncadd.s32 $0xFFFFFFB0  }
0x218: {  	_ =	swait.ge [sflag:s24], $0x50  }
0x219: {  	[sflag:s24] =	ssyncset.done $0x0  }
0x21a: {  	[sflag:s24] =	ssyncadd.s32 $0xFFFFFFB0  }
0x21b: {  	v1 =	vld [tilespmem:$0x2880];
	_ =	sdelay $0x5  }
0x21c: {  	v2 =	vld [tilespmem:$0x2980]  }
0x21d: {  	v3 =	vld [tilespmem:$0x2890]  }
0x21e: {  	v1 =	vld.idx.msk [tilespmem:v1+s5+$0x0], $0xffff;
	_ =	sdelay $0x4  }
0x21f: {  	v1 =	vmul.f32 v2, v1;
	_ =	sdelay $0x1  }
0x220: {  	v2 =	vld [tilespmem:$0x2990];
	[tilespmem:$0x2A80] =	vst v1  }
0x221: {  	v1 =	vld.idx.msk [tilespmem:v3+s5+$0x0], $0xffff  }
0x222: {  	v3 =	vld [tilespmem:$0x28A0];
	_ =	sdelay $0x4  }
0x223: {  	v1 =	vmul.f32 v2, v1;
	_ =	sdelay $0x1  }
0x224: {  	v2 =	vld [tilespmem:$0x29A0];
	[tilespmem:$0x2A90] =	vst v1  }
0x225: {  	v1 =	vld.idx.msk [tilespmem:v3+s5+$0x0], $0xffff  }
0x226: {  	v3 =	vld [tilespmem:$0x28B0];
	_ =	sdelay $0x4  }
0x227: {  	v1 =	vmul.f32 v2, v1;
	_ =	sdelay $0x1  }
0x228: {  	v2 =	vld [tilespmem:$0x29B0];
	[tilespmem:$0x2AA0] =	vst v1  }
0x229: {  	v1 =	vld.idx.msk [tilespmem:v3+s5+$0x0], $0xffff  }
0x22a: {  	v3 =	vld [tilespmem:$0x28C0];
	_ =	sdelay $0x4  }
0x22b: {  	v1 =	vmul.f32 v2, v1;
	_ =	sdelay $0x1  }
0x22c: {  	v2 =	vld [tilespmem:$0x29C0];
	[tilespmem:$0x2AB0] =	vst v1  }
0x22d: {  	v1 =	vld.idx.msk [tilespmem:v3+s5+$0x0], $0xffff;
	_ =	sdelay $0x4  }
0x22e: {  	v1 =	vmul.f32 v2, v1  }
0x22f: {  	s1 =	simm.s32 $0x0  }
0x230: {  	[tilespmem:$0x2AC0] =	vst v1;
	v1 =	vmov s1  }
0x231: {  	_ =	swait.ge [sflag:s25], $0x2800  }
0x232: {  	[sflag:s25] =	ssyncset.done $0x0  }
0x233: {  	s4 =	simm.s32 $0x2CC0;
	[sflag:s25] =	ssyncadd.s32 $0xFFFFD800  }
0x234: {  	v3 =	vld [tilespmem:s4+$0xFFFFFF30]  }
0x235: {  	v1 =	vld.idx.msk [tilespmem:v1+s26+$0x0], $0xffff  }
0x236: {  	v4 =	vld [tilespmem:s4+$0xFFFFFEC0]  }
0x237: {  	v5 =	vld [tilespmem:s4+$0xFFFFFEE0]  }
0x238: {  	v6 =	vld [tilespmem:s4+$0xFFFFFEF0]  }
0x239: {  	v2 =	vld [tilespmem:s4+$0xFFFFFF10]  }
0x23a: {  	v8 =	vld [tilespmem:s4+$0xFFFFFED0];
	v3 =	vmul.f32 v3, v1  }
0x23b: {  	v7 =	vld [tilespmem:s4+$0xFFFFFF20];
	v4 =	vmul.f32 v4, v1  }
0x23c: {  	v9 =	vld [tilespmem:s4+$0xFFFFFF00];
	v5 =	vmul.f32 v5, v1;
	[tilespmem:s4+$0xFFFFFF30] =	vst v3  }
0x23d: {  	v3 =	vmul.f32 v6, v1;
	[tilespmem:s4+$0xFFFFFEC0] =	vst v4  }
0x23e: {  	s13 =	simm.s32 $0x1;
	v2 =	vmul.f32 v2, v1;
	[tilespmem:s4+$0xFFFFFEE0] =	vst v5  }
0x23f: {  	v4 =	vmul.f32 v8, v1;
	[tilespmem:s4+$0xFFFFFEF0] =	vst v3;
	v3 =	vmov s13  }
0x240: {  	v5 =	vmul.f32 v7, v1;
	[tilespmem:s4+$0xFFFFFF10] =	vst v2  }
0x241: {  	v1 =	vmul.f32 v9, v1;
	[tilespmem:s4+$0xFFFFFED0] =	vst v4  }
0x242: {  	[tilespmem:s4+$0xFFFFFF20] =	vst v5  }
0x243: {  	v2 =	vld [tilespmem:s4+$0xFFFFFF40];
	[tilespmem:s4+$0xFFFFFF00] =	vst v1  }
0x244: {  	v1 =	vld.idx.msk [tilespmem:v3+s26+$0x0], $0xffff  }
0x245: {  	v3 =	vld [tilespmem:s4+$0xFFFFFF60]  }
0x246: {  	v4 =	vld [tilespmem:s4+$0xFFFFFF90]  }
0x247: {  	v5 =	vld [tilespmem:s4+$0xFFFFFFB0]  }
0x248: {  	v6 =	vld [tilespmem:s4+$0xFFFFFF50]  }
0x249: {  	v60 =	vld [tilespmem:s4+$0xFFFFFF70];
	v2 =	vmul.f32 v2, v1  }
0x24a: {  	v7 =	vld [tilespmem:s4+$0xFFFFFF80];
	v3 =	vmul.f32 v3, v1  }
0x24b: {  	v61 =	vld [tilespmem:s4+$0xFFFFFFA0];
	[tilespmem:s4+$0xFFFFFF40] =	vst v2;
	v2 =	vmul.f32 v4, v1  }
0x24c: {  	[tilespmem:s4+$0xFFFFFF60] =	vst v3;
	v3 =	vmul.f32 v5, v1  }
0x24d: {  	s15 =	simm.s32 $0x2;
	v4 =	vmul.f32 v6, v1;
	[tilespmem:s4+$0xFFFFFF90] =	vst v2  }
0x24e: {  	v5 =	vmul.f32 v60, v1;
	[tilespmem:s4+$0xFFFFFFB0] =	vst v3;
	v3 =	vmov s15  }
0x24f: {  	v2 =	vmul.f32 v7, v1;
	[tilespmem:s4+$0xFFFFFF50] =	vst v4  }
0x250: {  	v62 =	vld [tilespmem:s4+$0x0];
	v1 =	vmul.f32 v61, v1;
	[tilespmem:s4+$0xFFFFFF70] =	vst v5  }
0x251: {  	v63 =	vld [tilespmem:s4+$0x30];
	[tilespmem:s4+$0xFFFFFF80] =	vst v2  }
0x252: {  	[tilespmem:s4+$0xFFFFFFA0] =	vst v1;
	v1 =	vld [tilespmem:s4+$0xFFFFFFC0]  }
0x253: {  	v3 =	vld.idx.msk [tilespmem:v3+s26+$0x0], $0xffff  }
0x254: {  	v5 =	vld [tilespmem:s4+$0xFFFFFFD0]  }
0x255: {  	v6 =	vld [tilespmem:s4+$0xFFFFFFF0]  }
0x256: {  	v7 =	vld [tilespmem:s4+$0xFFFFFFE0]  }
0x257: {  	v4 =	vld [tilespmem:s4+$0x10]  }
0x258: {  	v2 =	vld [tilespmem:s4+$0x20];
	v1 =	vmul.f32 v1, v3  }
0x259: {  	v5 =	vmul.f32 v5, v3  }
0x25a: {  	v6 =	vmul.f32 v6, v3;
	[tilespmem:s4+$0xFFFFFFC0] =	vst v1  }
0x25b: {  	v7 =	vmul.f32 v7, v3;
	[tilespmem:s4+$0xFFFFFFD0] =	vst v5  }
0x25c: {  	s23 =	simm.s32 $0x3;
	v4 =	vmul.f32 v4, v3;
	v1 =	vmul.f32 v62, v3;
	[tilespmem:s4+$0xFFFFFFF0] =	vst v6  }
0x25d: {  	s12 =	simm.s32 $0x4;
	s13 =	simm.s32 $0x9;
	s15 =	simm.s32 $0x2CC0;
	v5 =	vmul.f32 v2, v3;
	v2 =	vmul.f32 v63, v3;
	[tilespmem:s4+$0xFFFFFFE0] =	vst v7;
	v3 =	vmov s23  }
.LBB2_11:
0x25e: {  	p1 =	sne.s32 s13, $0x4F  }
0x25f: {  	[tilespmem:s4+$0x10] =	vst v4;
	v4 =	vld [tilespmem:s4+$0x40];
	s15 =	sadd.s32 $0x280, s15;
	s1 =	smov.u32 s13;
	s13 =	sadd.s32 $0x5, s13  }
0x260: {  	[tilespmem:s4+$0x20] =	vst v5;
	v5 =	vld [tilespmem:s4+$0x80]  }
0x261: {  	[tilespmem:s4+$0x30] =	vst v2;
	v2 =	vld [tilespmem:s4+$0x60]  }
0x262: {  	[tilespmem:s4+$0x0] =	vst v1;
	v1 =	vld [tilespmem:s4+$0x50]  }
0x263: {  	v3 =	vld.idx.msk [tilespmem:v3+s26+$0x0], $0xffff  }
0x264: {  	v6 =	vld [tilespmem:s4+$0x90]  }
0x265: {  	v7 =	vld [tilespmem:s4+$0x70]  }
0x266: {  	v8 =	vld [tilespmem:s4+$0xA0]  }
0x267: {  	v9 =	vld [tilespmem:s4+$0xB0];
	_ =	sdelay $0x1  }
0x268: {  	v4 =	vmul.f32 v4, v3;
	v1 =	vmul.f32 v1, v3  }
0x269: {  	v2 =	vmul.f32 v2, v3;
	v7 =	vmul.f32 v7, v3  }
0x26a: {  	[tilespmem:s4+$0x40] =	vst v4;
	v4 =	vmul.f32 v5, v3;
	v5 =	vmul.f32 v6, v3  }
0x26b: {  	[tilespmem:s4+$0x50] =	vst v1;
	v1 =	vmul.f32 v8, v3;
	v3 =	vmul.f32 v9, v3  }
0x26c: {  	[tilespmem:s4+$0x60] =	vst v2  }
0x26d: {  	v2 =	vmov s12;
	s12 =	smov.u32 s1;
	[tilespmem:s4+$0x80] =	vst v4  }
0x26e: {  	[tilespmem:s4+$0x90] =	vst v5;
	v4 =	vld [tilespmem:s4+$0xC0]  }
0x26f: {  	[tilespmem:s4+$0x70] =	vst v7;
	v5 =	vld [tilespmem:s4+$0x100]  }
0x270: {  	[tilespmem:s4+$0xA0] =	vst v1;
	v1 =	vld [tilespmem:s4+$0xF0]  }
0x271: {  	[tilespmem:s4+$0xB0] =	vst v3;
	v3 =	vld [tilespmem:s4+$0x110]  }
0x272: {  	v2 =	vld.idx.msk [tilespmem:v2+s26+$0x0], $0xffff  }
0x273: {  	v6 =	vld [tilespmem:s4+$0xD0]  }
0x274: {  	v7 =	vld [tilespmem:s4+$0xE0]  }
0x275: {  	v8 =	vld [tilespmem:s4+$0x130]  }
0x276: {  	v9 =	vld [tilespmem:s4+$0x120];
	_ =	sdelay $0x1  }
0x277: {  	v4 =	vmul.f32 v4, v2;
	v6 =	vmul.f32 v6, v2  }
0x278: {  	v1 =	vmul.f32 v1, v2;
	v7 =	vmul.f32 v7, v2  }
0x279: {  	v3 =	vmul.f32 v3, v2;
	[tilespmem:s4+$0xC0] =	vst v4;
	v4 =	vmul.f32 v5, v2  }
0x27a: {  	[tilespmem:s4+$0xF0] =	vst v1;
	v1 =	vmul.f32 v9, v2;
	v2 =	vmul.f32 v8, v2  }
0x27b: {  	s1 =	sadd.s32 $0xFFFFFFFC, s12;
	[tilespmem:s4+$0xD0] =	vst v6  }
0x27c: {  	v5 =	vmov s1;
	[tilespmem:s4+$0x100] =	vst v4  }
0x27d: {  	v4 =	vld [tilespmem:s15+$0xFFFFFF10];
	[tilespmem:s4+$0x110] =	vst v3  }
0x27e: {  	v3 =	vld [tilespmem:s15+$0xFFFFFEF0];
	[tilespmem:s4+$0xE0] =	vst v7  }
0x27f: {  	v6 =	vld [tilespmem:s15+$0xFFFFFF20];
	[tilespmem:s4+$0x130] =	vst v2  }
0x280: {  	v2 =	vld [tilespmem:s15+$0xFFFFFF30];
	[tilespmem:s4+$0x120] =	vst v1;
	s4 =	smov.u32 s15  }
0x281: {  	v1 =	vld.idx.msk [tilespmem:v5+s26+$0x0], $0xffff  }
0x282: {  	v5 =	vld [tilespmem:s15+$0xFFFFFEC0]  }
0x283: {  	v7 =	vld [tilespmem:s15+$0xFFFFFEE0]  }
0x284: {  	v8 =	vld [tilespmem:s15+$0xFFFFFED0]  }
0x285: {  	v9 =	vld [tilespmem:s15+$0xFFFFFF00];
	_ =	sdelay $0x1  }
0x286: {  	v2 =	vmul.f32 v2, v1;
	v5 =	vmul.f32 v5, v1  }
0x287: {  	v6 =	vmul.f32 v6, v1;
	v7 =	vmul.f32 v7, v1  }
0x288: {  	v3 =	vmul.f32 v3, v1;
	v8 =	vmul.f32 v8, v1;
	[tilespmem:s15+$0xFFFFFF30] =	vst v2  }
0x289: {  	[tilespmem:s15+$0xFFFFFEC0] =	vst v5;
	v2 =	vmul.f32 v9, v1;
	v1 =	vmul.f32 v4, v1  }
0x28a: {  	s1 =	sadd.s32 $0xFFFFFFFD, s12;
	[tilespmem:s15+$0xFFFFFEE0] =	vst v7  }
0x28b: {  	[tilespmem:s15+$0xFFFFFEF0] =	vst v3;
	v3 =	vmov s1  }
0x28c: {  	[tilespmem:s15+$0xFFFFFF10] =	vst v1;
	v1 =	vld [tilespmem:s15+$0xFFFFFFB0]  }
0x28d: {  	[tilespmem:s15+$0xFFFFFED0] =	vst v8;
	v4 =	vld [tilespmem:s15+$0xFFFFFF90]  }
0x28e: {  	[tilespmem:s15+$0xFFFFFF20] =	vst v6;
	v5 =	vld [tilespmem:s15+$0xFFFFFF70]  }
0x28f: {  	[tilespmem:s15+$0xFFFFFF00] =	vst v2;
	v2 =	vld [tilespmem:s15+$0xFFFFFF50]  }
0x290: {  	v3 =	vld.idx.msk [tilespmem:v3+s26+$0x0], $0xffff  }
0x291: {  	v6 =	vld [tilespmem:s15+$0xFFFFFF40]  }
0x292: {  	v7 =	vld [tilespmem:s15+$0xFFFFFF60]  }
0x293: {  	v8 =	vld [tilespmem:s15+$0xFFFFFF80]  }
0x294: {  	v9 =	vld [tilespmem:s15+$0xFFFFFFA0];
	_ =	sdelay $0x1  }
0x295: {  	v2 =	vmul.f32 v2, v3;
	v6 =	vmul.f32 v6, v3  }
0x296: {  	v5 =	vmul.f32 v5, v3;
	v7 =	vmul.f32 v7, v3  }
0x297: {  	v4 =	vmul.f32 v4, v3;
	[tilespmem:s15+$0xFFFFFF40] =	vst v6;
	v6 =	vmul.f32 v8, v3  }
0x298: {  	v1 =	vmul.f32 v1, v3;
	[tilespmem:s15+$0xFFFFFF60] =	vst v7;
	v7 =	vmul.f32 v9, v3  }
0x299: {  	s1 =	sadd.s32 $0xFFFFFFFE, s12;
	[tilespmem:s15+$0xFFFFFF90] =	vst v4  }
0x29a: {  	[tilespmem:s15+$0xFFFFFFB0] =	vst v1;
	v1 =	vmov s1  }
0x29b: {  	[tilespmem:s15+$0xFFFFFF50] =	vst v2;
	v2 =	vld [tilespmem:s15+$0x20]  }
0x29c: {  	[tilespmem:s15+$0xFFFFFF80] =	vst v6;
	v3 =	vld [tilespmem:s15+$0x10]  }
0x29d: {  	[tilespmem:s15+$0xFFFFFF70] =	vst v5;
	v4 =	vld [tilespmem:s15+$0xFFFFFFF0]  }
0x29e: {  	[tilespmem:s15+$0xFFFFFFA0] =	vst v7;
	v5 =	vld [tilespmem:s15+$0xFFFFFFD0]  }
0x29f: {  	v6 =	vld.idx.msk [tilespmem:v1+s26+$0x0], $0xffff  }
0x2a0: {  	v1 =	vld [tilespmem:s15+$0xFFFFFFC0]  }
0x2a1: {  	v7 =	vld [tilespmem:s15+$0xFFFFFFE0]  }
0x2a2: {  	v8 =	vld [tilespmem:s15+$0x0]  }
0x2a3: {  	v9 =	vld [tilespmem:s15+$0x30];
	_ =	sdelay $0x1  }
0x2a4: {  	v5 =	vmul.f32 v5, v6;
	v1 =	vmul.f32 v1, v6  }
.Ltmp5:
0x2a5: {  	v10 =	vmul.f32 v4, v6;
	v7 =	vmul.f32 v7, v6;
	(pc) =	sbr.rel @p1 .LBB2_11-.Ltmp5, $4  }
0x2a6: {  	v4 =	vmul.f32 v3, v6;
	[tilespmem:s15+$0xFFFFFFC0] =	vst v1;
	v1 =	vmul.f32 v8, v6  }
0x2a7: {  	[tilespmem:s15+$0xFFFFFFD0] =	vst v5;
	v5 =	vmul.f32 v2, v6;
	v2 =	vmul.f32 v9, v6  }
0x2a8: {  	s1 =	sadd.s32 $0xFFFFFFFF, s12;
	[tilespmem:s15+$0xFFFFFFF0] =	vst v10  }
0x2a9: {  	v3 =	vmov s1;
	[tilespmem:s15+$0xFFFFFFE0] =	vst v7  }
0x2aa: {  	[tilespmem:s4+$0x10] =	vst v4  }
0x2ab: {  	[tilespmem:s4+$0x20] =	vst v5  }
0x2ac: {  	[tilespmem:s4+$0x30] =	vst v2  }
0x2ad: {  	v52 =	vld [tilespmem:s4+$0x40];
	[tilespmem:s4+$0x0] =	vst v1  }
0x2ae: {  	v1 =	vld.idx.msk [tilespmem:v3+s26+$0x0], $0xffff  }
0x2af: {  	v2 =	vld [tilespmem:s4+$0x50]  }
0x2b0: {  	v3 =	vld [tilespmem:s4+$0x60]  }
0x2b1: {  	v53 =	vld [tilespmem:s4+$0x80]  }
0x2b2: {  	v8 =	vld [tilespmem:s4+$0xA0]  }
0x2b3: {  	v6 =	vld [tilespmem:s4+$0x90];
	v4 =	vmul.f32 v52, v1  }
0x2b4: {  	v7 =	vld [tilespmem:s4+$0x70];
	v2 =	vmul.f32 v2, v1  }
0x2b5: {  	v9 =	vld [tilespmem:s4+$0xB0];
	v3 =	vmul.f32 v3, v1;
	[tilespmem:s4+$0x40] =	vst v4  }
0x2b6: {  	v54 =	vmul.f32 v53, v1;
	[tilespmem:s4+$0x50] =	vst v2  }
0x2b7: {  	v56 =	vmul.f32 v8, v1;
	[tilespmem:s4+$0x60] =	vst v3  }
0x2b8: {  	v55 =	vmov s12;
	v2 =	vmul.f32 v6, v1;
	[tilespmem:s4+$0x80] =	vst v54  }
0x2b9: {  	v3 =	vmul.f32 v7, v1;
	[tilespmem:s4+$0xA0] =	vst v56  }
0x2ba: {  	v1 =	vmul.f32 v9, v1;
	[tilespmem:s4+$0x90] =	vst v2  }
0x2bb: {  	[tilespmem:s4+$0x70] =	vst v3  }
0x2bc: {  	v2 =	vld [tilespmem:s4+$0xC0];
	[tilespmem:s4+$0xB0] =	vst v1  }
0x2bd: {  	v1 =	vld.idx.msk [tilespmem:v55+s26+$0x0], $0xffff  }
0x2be: {  	v3 =	vld [tilespmem:s4+$0xF0]  }
0x2bf: {  	v57 =	vld [tilespmem:s4+$0xD0]  }
0x2c0: {  	v60 =	vld [tilespmem:s4+$0xE0]  }
0x2c1: {  	v58 =	vld [tilespmem:s4+$0x100]  }
0x2c2: {  	v59 =	vld [tilespmem:s4+$0x110];
	v2 =	vmul.f32 v2, v1  }
0x2c3: {  	v61 =	vld [tilespmem:s4+$0x130];
	v3 =	vmul.f32 v3, v1  }
0x2c4: {  	v62 =	vld [tilespmem:s4+$0x120];
	v4 =	vmul.f32 v57, v1;
	[tilespmem:s4+$0xC0] =	vst v2  }
0x2c5: {  	v63 =	vmul.f32 v60, v1;
	[tilespmem:s4+$0xF0] =	vst v3  }
0x2c6: {  	v2 =	vmul.f32 v58, v1;
	[tilespmem:s4+$0xD0] =	vst v4  }
0x2c7: {  	v3 =	vmul.f32 v59, v1;
	[tilespmem:s4+$0xE0] =	vst v63  }
0x2c8: {  	[tilespmem:s4+$0x100] =	vst v2;
	v2 =	vmul.f32 v61, v1  }
0x2c9: {  	[tilespmem:s4+$0x110] =	vst v3;
	v1 =	vmul.f32 v62, v1  }
0x2ca: {  	[tilespmem:s4+$0x130] =	vst v2  }
0x2cb: {  	s23 =	simm.s32 $0x9;
	[tilespmem:s4+$0x120] =	vst v1  }
0x2cc: {  	[spmem:s8] =	stream.indirect.scatter.add.f32 [tilespmem:s19], [sflag:$0x9], $0x80, s11, s18, $0xb8;
	[tilespmem:$0x1CC00] =	vst v63  }
0x2cd: {  	_ =	swait.ge [sflag:s23], $0x2800  }
0x2ce: {  	[sflag:s23] =	ssyncset.done $0x0  }
0x2cf: {  	[sflag:s23] =	ssyncadd.s32 $0xFFFFD800  }
0x2d0: {  	s1 =	stileid.u32;
	[bflag:$0x0] =	sbarrier.arrive $0xFFFF  }
0x2d1: {  	s1 =	sshll.u32 s1, $0x6;
	s13 =	rddreg [dreg:$0xb]  }
0x2d2: {  	s1 =	sor.u32 $0x1C09, s1;
	s2 =	rddreg [dreg:$0x12];
	s3 =	sshrl.u32 s13, $0x3  }
0x2d3: {  	[hbm:s2], [sflag:s1] =	dma.local [spmem:s3], $0x2700  }
0x2d4: {  	_ =	swait.ge [sflag:s23], $0x2700  }
0x2d5: {  	[sflag:s23] =	ssyncset.done $0x0;
	s15 =	rddreg [dreg:$0x1c]  }
0x2d6: {  	s2 =	rddreg [dreg:$0x14];
	[sflag:s23] =	ssyncadd.s32 $0xFFFFD900;
	s4 =	sshrl.u32 @!p0 s15, $0x3  }
0x2d7: {  	[hbm:s2], [sflag:s1] =	dma.local @!p0 [spmem:s4], $0x100  }
0x2d8: {  	s1 =	simm.s32 @!p0 $0x9  }
0x2d9: {  	_ =	swait.ge @!p0 [sflag:s1], $0x100  }
0x2da: {  	s3 =	rddreg [dreg:$0x1e]  }
0x2db: {  	s12 =	rddreg [dreg:$0x15];
	s3 =	sadd.s32 $0x1, s3  }
0x2dc: {  	p1 =	sne.s32 s3, s12  }
.Ltmp6:
0x2dd: {  	_ = 	snop;
	(pc) =	sbr.rel @p1 .LBB2_1-.Ltmp6, $3  }
0x2de: {  	_ =	sdelay $0x1  }
0x2df: {  	[sflag:s1] =	ssyncset.done @!p0 $0x0  }
0x2e0: {  	[sflag:s1] =	ssyncadd.s32 @!p0 $0xFFFFFF00  }
0x2e1: {  	_ =	sfence.sel $0x180000  }
0x2e2: {  	[bflag:$0x0] =	sbarrier.arrive $0xFFFF  }
0x2e3: {  	_ =	strace $0x9000004A  }
0x2e4: {  	s0 =	stileid.u32;
	[bflag:$0x2] =	sbarrier.arrive $0xFFFF  }
0x2e5: {  	p0 =	sne.s32 s0, $0x0;
	s0 =	rddreg [dreg:$0x4]  }
0x2e6: {  	s0 =	sadd.s32 @!p0 $0x100000, s0  }
0x2e7: {  	[sflag:s0] =	ssyncadd.tile.s32 @!p0 $0x1;
	_ =	shalt  }
.Lfunc_end2:
_tile_overlayer_lowered:
.L_overlay_start_2:
0x2e8: {  	(tag) =	ssettag $0x2  }
0x2e9: {  	s0 =	rddreg [dreg:$0x0];
	s2 =	stileid.u32  }
0x2ea: {  	s1 =	rddreg [dreg:$0x1];
	p0 =	sne.s32 s2, $0x0  }
0x2eb: {  	s3 =	rddreg [dreg:$0x2];
	[bflag:$0x3] =	sbarrier.arrive $0xFFFF;
	s2 =	simm.s32 @!p0 $0x1C09  }
0x2ec: {  	[timem:s3], [sflag:s2] =	dma.local @!p0 [hbm:s0], s1  }
0x2ed: {  	s0 =	simm.s32 @!p0 $0x9  }
0x2ee: {  	_ =	swait.ge @!p0 [sflag:s0], s1  }
0x2ef: {  	s1 =	ssub.s32 @!p0 $0x0, s1;
	[sflag:s0] =	ssyncset.done @!p0 $0x0  }
0x2f0: {  	[sflag:s0] =	ssyncadd.s32 @!p0 s1  }
0x2f1: {  	[bflag:$0x3] =	sbarrier.arrive $0xFFFF  }
0x2f2: {  	_ =	shalt  }

</sc_bundles>
